<compile_context>
chip_gen: v7x
topology: tpu7x:2x2x1
jax: 0.10.2.dev20260603
libtpu: 0.0.44.dev20260713+nightly
codegen_flags: <defaults>
</compile_context>

<pallas_src>
import functools

import jax
import jax.numpy as jnp
from jax import lax
from jax.experimental import pallas as pl
from jax.experimental.pallas import tpu as pltpu
from jax.experimental.pallas import tpu_sc as plsc

NC = 2
NS = 16
NW = NC * NS
LANES = 16
GB = 8192
CAP = GB + 96
FB = 64


def _sc_mesh():
    return plsc.VectorSubcoreMesh(
        core_axis_name="c", subcore_axis_name="s",
        num_cores=NC, num_subcores=NS)


def _iota16():
    return lax.iota(jnp.int32, LANES)


def _make_slots_kernel(EPT, SLOTS, R):
    NIT = EPT // LANES

    @functools.partial(
        pl.kernel,
        out_type=(jax.ShapeDtypeStruct((NW, SLOTS), jnp.float32),
                  jax.ShapeDtypeStruct((NW * EPT,), jnp.int32)),
        mesh=_sc_mesh(),
        compiler_params=pltpu.CompilerParams(needs_layout_passes=False),
        scratch_types=[
            pltpu.VMEM((EPT,), jnp.int32),
            pltpu.VMEM((EPT,), jnp.int32),
            pltpu.VMEM((EPT,), jnp.int32),
            pltpu.VMEM((SLOTS,), jnp.float32),
        ],
    )
    def slots_k(dst_hbm, typ_hbm, cnt_out, g_out, dst_v, typ_v, g_v, acc_v):
        cid = lax.axis_index("c")
        sid = lax.axis_index("s")
        w = cid * NS + sid
        pltpu.sync_copy(dst_hbm.at[pl.ds(w * EPT, EPT)], dst_v)
        pltpu.sync_copy(typ_hbm.at[pl.ds(w * EPT, EPT)], typ_v)

        def zero_body(i, carry):
            acc_v[pl.ds(i * LANES, LANES)] = jnp.zeros((LANES,), jnp.float32)
            return carry

        lax.fori_loop(0, SLOTS // LANES, zero_body, 0)
        ones = jnp.ones((LANES,), jnp.float32)

        def body(i, carry):
            d = dst_v[pl.ds(i * LANES, LANES)]
            t = typ_v[pl.ds(i * LANES, LANES)]
            g = d * R + t
            g_v[pl.ds(i * LANES, LANES)] = g
            plsc.addupdate_scatter(acc_v, [g], ones)
            return carry

        lax.fori_loop(0, NIT, body, 0)
        pltpu.sync_copy(g_v, g_out.at[pl.ds(w * EPT, EPT)])
        pltpu.sync_copy(acc_v, cnt_out.at[w])

    return slots_k


def _make_cnt_reduce(SLOTS):
    SL = SLOTS // NW

    @functools.partial(
        pl.kernel,
        out_type=jax.ShapeDtypeStruct((SLOTS,), jnp.float32),
        mesh=_sc_mesh(),
        compiler_params=pltpu.CompilerParams(needs_layout_passes=False),
        scratch_types=[
            pltpu.VMEM((SL,), jnp.float32),
            pltpu.VMEM((SL,), jnp.float32),
        ],
    )
    def reduce_k(parts_hbm, out_hbm, acc_v, buf_v):
        cid = lax.axis_index("c")
        sid = lax.axis_index("s")
        w = cid * NS + sid

        def zero_body(i, carry):
            acc_v[pl.ds(i * LANES, LANES)] = jnp.zeros((LANES,), jnp.float32)
            return carry

        lax.fori_loop(0, SL // LANES, zero_body, 0)

        def outer(j, carry):
            pltpu.sync_copy(parts_hbm.at[j, pl.ds(w * SL, SL)], buf_v)

            def inner(i, c2):
                sl = pl.ds(i * LANES, LANES)
                acc_v[sl] = acc_v[sl] + buf_v[sl]
                return c2

            lax.fori_loop(0, SL // LANES, inner, 0)
            return carry

        lax.fori_loop(0, NW, outer, 0)
        pltpu.sync_copy(acc_v, out_hbm.at[pl.ds(w * SL, SL)])

    return reduce_k


def _make_sums(EPAD, D, ACC_ROWS, PASSES):
    NSB = EPAD // GB
    AROWS = ACC_ROWS + 8
    TOT = PASSES * NW * ACC_ROWS

    @functools.partial(
        pl.kernel,
        out_type=jax.ShapeDtypeStruct((TOT, D), jnp.float32),
        mesh=_sc_mesh(),
        compiler_params=pltpu.CompilerParams(needs_layout_passes=False),
        scratch_types=[
            pltpu.VMEM((GB,), jnp.int32),
            pltpu.VMEM((CAP,), jnp.int32),
            pltpu.VMEM((FB,), jnp.int32),
            pltpu.VMEM((FB,), jnp.int32),
            pltpu.VMEM((FB, D), jnp.float32),
            pltpu.VMEM((AROWS, D), jnp.float32),
        ],
    )
    def sums_k(x_hbm, src_hbm, g_hbm, zeros_hbm, out_hbm,
               gbuf, eid_v, sidx_v, gsel_v, rows_v, acc_v):
        cid = lax.axis_index("c")
        sid = lax.axis_index("s")
        w = cid * NS + sid
        iota = _iota16()
        sentinel = EPAD - 1

        def flush(off, base):
            nb = (off + LANES + FB - 1) // FB
            for k in range(5):
                idx = off + k * LANES + iota
                plsc.store_scatter(eid_v, [idx],
                                   jnp.full((LANES,), sentinel, jnp.int32),
                                   mask=idx < nb * FB)

            def batch(b, carry):
                esl = eid_v.at[pl.ds(b * FB, FB)]
                pltpu.sync_copy(src_hbm.at[esl], sidx_v)
                pltpu.sync_copy(g_hbm.at[esl], gsel_v)
                pltpu.sync_copy(x_hbm.at[sidx_v], rows_v)
                for sub in range(FB // LANES):
                    g16 = gsel_v[pl.ds(sub * LANES, LANES)]
                    valid = (g16 >= base) & (g16 < base + ACC_ROWS)
                    local = jnp.where(valid, g16 - base, ACC_ROWS)
                    rbase = sub * LANES + iota

                    def feat(j, c2):
                        j16 = jnp.full((LANES,), 0, jnp.int32) + j
                        col = plsc.load_gather(rows_v, [rbase, j16])
                        plsc.addupdate_scatter(acc_v, [local, j16], col,
                                               mask=valid)
                        return c2

                    lax.fori_loop(0, D, feat, 0)
                return carry

            lax.fori_loop(0, nb, batch, 0)

        def pass_body(p, carry):
            base = (p * NW + w) * ACC_ROWS
            pltpu.sync_copy(zeros_hbm, acc_v)

            def sb_body(sb, carry2):
                pltpu.sync_copy(g_hbm.at[pl.ds(sb * GB, GB)], gbuf)

                def scan(i, off):
                    g16 = gbuf[pl.ds(i * LANES, LANES)]
                    m = (g16 >= base) & (g16 < base + ACC_ROWS)
                    mi = m.astype(jnp.int32)
                    pos = off + plsc.cumsum(mi) - mi
                    eid = sb * GB + i * LANES + iota
                    plsc.store_scatter(eid_v, [pos], eid, mask=m)
                    return off + jnp.sum(mi)

                off = lax.fori_loop(0, GB // LANES, scan, 0)
                flush(off, base)
                return carry2

            lax.fori_loop(0, NSB, sb_body, 0)
            pltpu.sync_copy(acc_v.at[pl.ds(0, ACC_ROWS)],
                            out_hbm.at[pl.ds(base, ACC_ROWS)])
            return carry

        lax.fori_loop(0, PASSES, pass_body, 0)

    return sums_k


def _make_tail_gather(N, TAIL, Q, H):
    per = Q // NW

    @functools.partial(
        pl.kernel,
        out_type=jax.ShapeDtypeStruct((Q, H), jnp.float32),
        mesh=_sc_mesh(),
        compiler_params=pltpu.CompilerParams(needs_layout_passes=False),
        scratch_types=[
            pltpu.VMEM((per,), jnp.int32),
            pltpu.VMEM((per,), jnp.int32),
            pltpu.VMEM((per, H), jnp.float32),
        ],
    )
    def gather_k(h_hbm, idx_hbm, out_hbm, idx_v, base_v, rows_v):
        cid = lax.axis_index("c")
        sid = lax.axis_index("s")
        w = cid * NS + sid
        pltpu.sync_copy(idx_hbm.at[pl.ds(w * per, per)], idx_v)

        def body(i, carry):
            sl = pl.ds(i * LANES, LANES)
            base_v[sl] = idx_v[sl] + (N - TAIL)
            return carry

        lax.fori_loop(0, per // LANES, body, 0)
        pltpu.sync_copy(h_hbm.at[base_v], rows_v)
        pltpu.sync_copy(rows_v, out_hbm.at[pl.ds(w * per, per)])

    return gather_k


def _tc_wcat(comp_p, basis_flat, csplit):
    Rr, NBp = comp_p.shape
    K = basis_flat.shape[1]
    BK = K // csplit

    def k(c_ref, b_ref, o_ref):
        o_ref[...] = jnp.dot(c_ref[...], b_ref[...],
                             preferred_element_type=jnp.float32)

    return pl.pallas_call(
        k,
        grid=(csplit,),
        in_specs=[
            pl.BlockSpec((Rr, NBp), lambda i: (0, 0)),
            pl.BlockSpec((NBp, BK), lambda i: (0, i)),
        ],
        out_specs=pl.BlockSpec((Rr, BK), lambda i: (0, i)),
        out_shape=jax.ShapeDtypeStruct((Rr, K), jnp.float32),
    )(comp_p, basis_flat)


def _tc_layer(x, sums3, cnt, root, bias, w3, BM):
    Np, Din = x.shape
    R = w3.shape[0]
    D = w3.shape[1]
    H = w3.shape[2]
    CP = cnt.shape[1]
    grid = Np // BM

    def k(x_ref, s_ref, c_ref, root_ref, bias_ref, w_ref, o_ref):
        acc = jnp.dot(x_ref[...], root_ref[...],
                      preferred_element_type=jnp.float32)
        for r in range(R):
            inv = 1.0 / jnp.maximum(c_ref[:, r:r + 1], 1.0)
            agg = s_ref[:, r, :] * inv
            acc = acc + jnp.dot(agg, w_ref[r],
                                preferred_element_type=jnp.float32)
        o_ref[...] = acc + bias_ref[...]

    return pl.pallas_call(
        k,
        grid=(grid,),
        in_specs=[
            pl.BlockSpec((BM, Din), lambda i: (i, 0)),
            pl.BlockSpec((BM, R, D), lambda i: (i, 0, 0)),
            pl.BlockSpec((BM, CP), lambda i: (i, 0)),
            pl.BlockSpec((Din, H), lambda i: (0, 0)),
            pl.BlockSpec((1, H), lambda i: (0, 0)),
            pl.BlockSpec((R, D, H), lambda i: (0, 0, 0)),
        ],
        out_specs=pl.BlockSpec((BM, H), lambda i: (i, 0)),
        out_shape=jax.ShapeDtypeStruct((Np, H), jnp.float32),
    )(x, sums3, cnt, root, bias.reshape(1, H), w3)


def _acc_rows(D):
    return (245 * 1024 // (D * 4) - 8) // 8 * 8


def kernel(x, edge_index, edge_type, delIndexes, basis1, comp1, root1, bias1,
           basis2, comp2, root2, bias2):
    N, IN = x.shape
    HID = root1.shape[1]
    OUT = root2.shape[1]
    R = comp1.shape[0]
    NB = comp1.shape[1]
    E = edge_type.shape[0]
    Q = delIndexes.shape[0]
    TAIL = 1000

    EPT = -(-E // NW)
    EPT = -(-EPT // 128) * 128
    EPAD = EPT * NW
    pad = EPAD - E
    src = jnp.concatenate(
        [edge_index[0], jnp.zeros((pad,), jnp.int32)]).astype(jnp.int32)
    dst = jnp.concatenate(
        [edge_index[1], jnp.full((pad,), N, jnp.int32)]).astype(jnp.int32)
    typ = jnp.concatenate(
        [edge_type, jnp.zeros((pad,), jnp.int32)]).astype(jnp.int32)

    SLOTS = -(-((N + 1) * R) // (NW * 128)) * (NW * 128)
    cnt_parts, g = _make_slots_kernel(EPT, SLOTS, R)(dst, typ)
    cnt = _make_cnt_reduce(SLOTS)(cnt_parts)
    cnt = cnt[:N * R].reshape(N, R)
    CP = 128
    cnt = jnp.pad(cnt, ((0, 0), (0, CP - R)))

    AR1 = _acc_rows(IN)
    P1 = -(-SLOTS // (NW * AR1))
    zeros1 = jnp.zeros((AR1 + 8, IN), jnp.float32)
    sums1 = _make_sums(EPAD, IN, AR1, P1)(x, src, g, zeros1)
    sums1 = sums1[:N * R].reshape(N, R, IN)
    w1 = _tc_wcat(jnp.pad(comp1, ((0, 0), (0, 2))),
                  jnp.pad(basis1.reshape(NB, IN * HID), ((0, 2), (0, 0))),
                  8)
    w1 = w1.reshape(R, IN, HID)
    h1 = _tc_layer(x, sums1, cnt, root1, bias1, w1, 1000)

    AR2 = _acc_rows(HID)
    P2 = -(-SLOTS // (NW * AR2))
    zeros2 = jnp.zeros((AR2 + 8, HID), jnp.float32)
    sums2 = _make_sums(EPAD, HID, AR2, P2)(h1, src, g, zeros2)
    sums2 = sums2[:N * R].reshape(N, R, HID)
    w2 = _tc_wcat(jnp.pad(comp2, ((0, 0), (0, 2))),
                  jnp.pad(basis2.reshape(NB, HID * OUT), ((0, 2), (0, 0))),
                  8)
    w2 = w2.reshape(R, HID, OUT)
    h2 = _tc_layer(h1, sums2, cnt, root2, bias2, w2, 400)

    out = _make_tail_gather(N, TAIL, Q, OUT)(h2, delIndexes.astype(jnp.int32))
    return out

# --- scband reference (transcript-rebuilt; emitter-appended) ---
"""Pipeline reference for scband-rgcn-50122268345042 (READ-ONLY COPY).

The authoritative reference and input builder live on the scoring server;
editing this copy changes nothing except your own understanding.
"""

import jax, jax.numpy as jnp
import numpy as np

N = 10000
E = 160000
IN = 256
HID = 512
OUT = 512
R = 8
NB = 30
DELNUM = 1000
Q = 512


def _glorot(key, shape):
    lim = np.sqrt(6.0 / (shape[-2] + shape[-1]))
    return jax.random.uniform(key, shape, jnp.float32, -lim, lim)


def setup_inputs(seed: int = 0):
    key = jax.random.key(seed)
    ks = jax.random.split(key, 12)
    x = jax.random.normal(ks[0], (N, IN), jnp.float32)
    edge_index = jax.random.randint(ks[1], (2, E), 0, N, dtype=jnp.int32)
    edge_type = jax.random.randint(ks[2], (E,), 0, R, dtype=jnp.int32)
    delIndexes = jax.random.randint(ks[3], (Q,), 0, DELNUM, dtype=jnp.int32)
    basis1 = _glorot(ks[4], (NB, IN, HID))
    comp1 = _glorot(ks[5], (R, NB))
    root1 = _glorot(ks[6], (IN, HID))
    bias1 = jnp.zeros((HID,), jnp.float32)
    basis2 = _glorot(ks[7], (NB, HID, OUT))
    comp2 = _glorot(ks[8], (R, NB))
    root2 = _glorot(ks[9], (HID, OUT))
    bias2 = jnp.zeros((OUT,), jnp.float32)
    return {
        "x": x,
        "edge_index": edge_index,
        "edge_type": edge_type,
        "delIndexes": delIndexes,
        "basis1": basis1,
        "comp1": comp1,
        "root1": root1,
        "bias1": bias1,
        "basis2": basis2,
        "comp2": comp2,
        "root2": root2,
        "bias2": bias2,
    }


def _rgcn_conv(x, edge_index, edge_type, basis, comp, root, bias):
    # RGCNConv with basis decomposition (num_bases=NB) and mean aggregation
    # per relation, as in PyG's RGCNConv (default aggr='mean').
    n = x.shape[0]
    src = edge_index[0]
    dst = edge_index[1]
    weight = jnp.einsum('rb,bio->rio', comp, basis)  # [R, in, out]
    msgs = x[src]  # gather source-node features per edge
    out = x @ root + bias  # root/self transform
    for r in range(R):
        mask = (edge_type == r).astype(x.dtype)
        agg = jax.ops.segment_sum(msgs * mask[:, None], dst, num_segments=n)
        cnt = jax.ops.segment_sum(mask, dst, num_segments=n)
        agg = agg / jnp.maximum(cnt, 1.0)[:, None]
        out = out + agg @ weight[r]
    return out


def reference(x, edge_index, edge_type, delIndexes, basis1, comp1, root1, bias1, basis2, comp2, root2, bias2):
    h = _rgcn_conv(x, edge_index, edge_type, basis1, comp1, root1, bias1)
    h = _rgcn_conv(h, edge_index, edge_type, basis2, comp2, root2, bias2)
    tail = h[-DELNUM:]
    return jnp.take(tail, delIndexes, axis=0)

if __name__ == "__main__":
    import jax
    _d = setup_inputs()
    print(jax.jit(kernel)(*tuple(_d.values())))

</pallas_src>

<mosaic_0001>
#map = affine_map<(d0, d1) -> (0, 0)>
#map1 = affine_map<(d0, d1) -> (0)>
module attributes {stable_mosaic.version = 14 : i64} {
  func.func @sums_k(%arg0: i32, %arg1: i32, %arg2: memref<10000x256xf32, #tpu.memory_space<hbm>>, %arg3: memref<163840xi32, #tpu.memory_space<hbm>>, %arg4: memref<163840xi32, #tpu.memory_space<hbm>>, %arg5: memref<240x256xf32, #tpu.memory_space<hbm>>, %arg6: memref<89088x256xf32, #tpu.memory_space<hbm>>, %arg7: memref<8192xi32, #tpu.memory_space<vmem>>, %arg8: memref<8288xi32, #tpu.memory_space<vmem>>, %arg9: memref<64xi32, #tpu.memory_space<vmem>>, %arg10: memref<64xi32, #tpu.memory_space<vmem>>, %arg11: memref<64x256xf32, #tpu.memory_space<vmem>>, %arg12: memref<240x256xf32, #tpu.memory_space<vmem>>) attributes {dimension_semantics = [#tpu.dimension_semantics<core_parallel>, #tpu.dimension_semantics<subcore_parallel>], iteration_bounds = array<i64: 2, 16>, scalar_prefetch = 0 : i64, scratch_operands = 6 : i64, tpu.core_type = #tpu.core_type<sc_vector_subcore>, window_params = [{transform_indices = #map}, {transform_indices = #map1}, {transform_indices = #map1}, {transform_indices = #map}, {transform_indices = #map}]} {
    %mul3A = arith.constant 16 : i32
    %mul3A_0 = arith.muli %arg0, %mul3A : i32
    %add3A = arith.addi %mul3A_0, %arg1 : i32
    %iota3A = tpu.iota {dimensions = array<i32: 0>} : vector<16xi32>
    %scan3A = arith.constant 0 : i32
    %scan3A_1 = arith.constant 0 : i32
    %scan3A_2 = arith.constant 12 : i32
    %scan3A_3 = arith.addi %scan3A_1, %scan3A_2 : i32
    %scan3A_4 = arith.constant 1 : i32
    scf.for %scan3A_6 = %scan3A_1 to %scan3A_3 step %scan3A_4  : i32 {
      %mul3A_7 = arith.constant 32 : i32
      %mul3A_8 = arith.muli %scan3A_6, %mul3A_7 : i32
      %add3A_9 = arith.addi %mul3A_8, %add3A : i32
      %mul3A_10 = arith.constant 232 : i32
      %mul3A_11 = arith.muli %add3A_9, %mul3A_10 : i32
      "tpu.region"() ({
        %run_scoped3A = tpu.sem_alloc : memref<!tpu.dma_semaphore, #tpu.memory_space<semaphore_mem>>
        tpu.enqueue_dma source(%arg5 : memref<240x256xf32, #tpu.memory_space<hbm>>) target(%arg12 : memref<240x256xf32, #tpu.memory_space<vmem>>) target_semaphore(%run_scoped3A : memref<!tpu.dma_semaphore, #tpu.memory_space<semaphore_mem>>)
        tpu.wait_dma2 semaphore(%run_scoped3A : memref<!tpu.dma_semaphore, #tpu.memory_space<semaphore_mem>>) src(%arg5 : memref<240x256xf32, #tpu.memory_space<hbm>>) dst(%arg12 : memref<240x256xf32, #tpu.memory_space<vmem>>)
        tpu.yield
      }) : () -> ()
      %scan3A_12 = arith.constant 0 : i32
      %scan3A_13 = arith.constant 0 : i32
      %scan3A_14 = arith.constant 20 : i32
      %scan3A_15 = arith.addi %scan3A_13, %scan3A_14 : i32
      %scan3A_16 = arith.constant 1 : i32
      scf.for %scan3A_18 = %scan3A_13 to %scan3A_15 step %scan3A_16  : i32 {
        %mul3A_19 = arith.constant 8192 : i32
        %mul3A_20 = arith.muli %scan3A_18, %mul3A_19 : i32
        "tpu.region"() ({
          %run_scoped3A = tpu.sem_alloc : memref<!tpu.dma_semaphore, #tpu.memory_space<semaphore_mem>>
          %dma_start3A = tpu.memref_slice %arg4[%mul3A_20] : memref<163840xi32, #tpu.memory_space<hbm>> -> memref<8192xi32, #tpu.memory_space<hbm>>
          %dma_start3A_107 = tpu.memref_slice %arg4[%mul3A_20] : memref<163840xi32, #tpu.memory_space<hbm>> -> memref<8192xi32, #tpu.memory_space<hbm>>
          tpu.enqueue_dma source(%dma_start3A_107 : memref<8192xi32, #tpu.memory_space<hbm>>) target(%arg7 : memref<8192xi32, #tpu.memory_space<vmem>>) target_semaphore(%run_scoped3A : memref<!tpu.dma_semaphore, #tpu.memory_space<semaphore_mem>>)
          %dma_wait3A = tpu.memref_slice %arg4[%mul3A_20] : memref<163840xi32, #tpu.memory_space<hbm>> -> memref<8192xi32, #tpu.memory_space<hbm>>
          %dma_wait3A_108 = tpu.memref_slice %arg4[%mul3A_20] : memref<163840xi32, #tpu.memory_space<hbm>> -> memref<8192xi32, #tpu.memory_space<hbm>>
          tpu.wait_dma2 semaphore(%run_scoped3A : memref<!tpu.dma_semaphore, #tpu.memory_space<semaphore_mem>>) src(%dma_wait3A_108 : memref<8192xi32, #tpu.memory_space<hbm>>) dst(%arg7 : memref<8192xi32, #tpu.memory_space<vmem>>)
          tpu.yield
        }) : () -> ()
        %scan3A_21 = arith.constant 0 : i32
        %scan3A_22 = arith.constant 0 : i32
        %scan3A_23 = arith.constant 512 : i32
        %scan3A_24 = arith.addi %scan3A_22, %scan3A_23 : i32
        %scan3A_25 = arith.constant 1 : i32
        %scan3A_26 = scf.for %scan3A_107 = %scan3A_22 to %scan3A_24 step %scan3A_25 iter_args(%scan3A_108 = %scan3A_21) -> (i32)  : i32 {
          %mul3A_109 = arith.constant 16 : i32
          %mul3A_110 = arith.muli %scan3A_107, %mul3A_109 : i32
          %get3A = arith.index_cast %mul3A_110 : i32 to index
          %get3A_111 = tpu.vector_load %arg7[%get3A] {strides = array<i32>} : memref<8192xi32, #tpu.memory_space<vmem>>, vector<16xi32>,
          %ge3A = vector.broadcast %mul3A_11 : i32 to vector<16xi32>
          %ge3A_112 = arith.cmpi sge, %get3A_111, %ge3A : vector<16xi32>
          %add3A_113 = arith.constant 232 : i32
          %add3A_114 = arith.addi %mul3A_11, %add3A_113 : i32
          %lt3A_115 = vector.broadcast %add3A_114 : i32 to vector<16xi32>
          %lt3A_116 = arith.cmpi slt, %get3A_111, %lt3A_115 : vector<16xi32>
          %and3A_117 = arith.andi %ge3A_112, %lt3A_116 : vector<16xi1>
          %convert_element_type3A = arith.extui %and3A_117 : vector<16xi1> to vector<16xi32>
          %broadcast_in_dim3A_118 = arith.constant true
          %broadcast_in_dim3A_119 = vector.broadcast %broadcast_in_dim3A_118 : i1 to vector<16xi1>
          %masked_cumsum3A = tpu.scan <sum>, %convert_element_type3A masked %broadcast_in_dim3A_119 : vector<16xi32>, vector<16xi1> -> vector<16xi32>
          %add3A_120 = vector.broadcast %scan3A_108 : i32 to vector<16xi32>
          %add3A_121 = arith.addi %add3A_120, %masked_cumsum3A : vector<16xi32>
          %sub3A_122 = arith.subi %add3A_121, %convert_element_type3A : vector<16xi32>
          %mul3A_123 = arith.constant 8192 : i32
          %mul3A_124 = arith.muli %scan3A_18, %mul3A_123 : i32
          %mul3A_125 = arith.constant 16 : i32
          %mul3A_126 = arith.muli %scan3A_107, %mul3A_125 : i32
          %add3A_127 = arith.addi %mul3A_124, %mul3A_126 : i32
          %add3A_128 = vector.broadcast %add3A_127 : i32 to vector<16xi32>
          %add3A_129 = arith.addi %add3A_128, %iota3A : vector<16xi32>
          tpu.vector_store_idx %arg8[%sub3A_122], %add3A_129 masked %and3A_117 : memref<8288xi32, #tpu.memory_space<vmem>>[vector<16xi32>], vector<16xi32>, vector<16xi1>
          %reduce_sum3A = arith.constant true
          %reduce_sum3A_130 = vector.broadcast %reduce_sum3A : i1 to vector<16xi1>
          %reduce_sum3A_131 = tpu.scan <sum>, %convert_element_type3A masked %reduce_sum3A_130 : vector<16xi32>, vector<16xi1> -> vector<16xi32>
          %reduce_sum3A_132 = vector.extract %reduce_sum3A_131[15] : i32 from vector<16xi32>
          %add3A_133 = arith.addi %scan3A_108, %reduce_sum3A_132 : i32
          scf.yield %add3A_133 : i32
        }
        %scan3A_27 = arith.constant 512 : i32
        %add3A_28 = arith.constant 16 : i32
        %add3A_29 = arith.addi %scan3A_26, %add3A_28 : i32
        %add3A_30 = arith.constant 64 : i32
        %add3A_31 = arith.addi %add3A_29, %add3A_30 : i32
        %sub3A = arith.constant 1 : i32
        %sub3A_32 = arith.subi %add3A_31, %sub3A : i32
        %jit3A = arith.constant 64 : i32
        %div3A = arith.divsi %sub3A_32, %jit3A : i32
        %sign3A = arith.constant 0 : i32
        %sign3A_33 = arith.cmpi sgt, %sub3A_32, %sign3A : i32
        %sign3A_34 = arith.extui %sign3A_33 : i1 to i32
        %sign3A_35 = arith.constant 0 : i32
        %sign3A_36 = arith.cmpi slt, %sub3A_32, %sign3A_35 : i32
        %sign3A_37 = arith.extui %sign3A_36 : i1 to i32
        %sign3A_38 = arith.subi %sign3A_34, %sign3A_37 : i32
        %sign3A_39 = arith.constant 0 : i32
        %sign3A_40 = arith.cmpi sgt, %jit3A, %sign3A_39 : i32
        %sign3A_41 = arith.extui %sign3A_40 : i1 to i32
        %sign3A_42 = arith.constant 0 : i32
        %sign3A_43 = arith.cmpi slt, %jit3A, %sign3A_42 : i32
        %sign3A_44 = arith.extui %sign3A_43 : i1 to i32
        %sign3A_45 = arith.subi %sign3A_41, %sign3A_44 : i32
        %ne3A = arith.cmpi ne, %sign3A_38, %sign3A_45 : i32
        %rem3A = arith.remsi %sub3A_32, %jit3A : i32
        %ne3A_46 = arith.constant 0 : i32
        %ne3A_47 = arith.cmpi ne, %rem3A, %ne3A_46 : i32
        %and3A = arith.andi %ne3A, %ne3A_47 : i1
        %sub3A_48 = arith.constant 1 : i32
        %sub3A_49 = arith.subi %div3A, %sub3A_48 : i32
        %select_n3A = arith.select %and3A, %sub3A_49, %div3A : i32
        %add3A_50 = arith.constant 0 : i32
        %add3A_51 = arith.addi %scan3A_26, %add3A_50 : i32
        %add3A_52 = vector.broadcast %add3A_51 : i32 to vector<16xi32>
        %add3A_53 = arith.addi %add3A_52, %iota3A : vector<16xi32>
        %broadcast_in_dim3A = arith.constant 163839 : i32
        %broadcast_in_dim3A_54 = vector.broadcast %broadcast_in_dim3A : i32 to vector<16xi32>
        %mul3A_55 = arith.constant 64 : i32
        %mul3A_56 = arith.muli %select_n3A, %mul3A_55 : i32
        %lt3A = vector.broadcast %mul3A_56 : i32 to vector<16xi32>
        %lt3A_57 = arith.cmpi slt, %add3A_53, %lt3A : vector<16xi32>
        tpu.vector_store_idx %arg8[%add3A_53], %broadcast_in_dim3A_54 masked %lt3A_57 : memref<8288xi32, #tpu.memory_space<vmem>>[vector<16xi32>], vector<16xi32>, vector<16xi1>
        %add3A_58 = arith.constant 16 : i32
        %add3A_59 = arith.addi %scan3A_26, %add3A_58 : i32
        %add3A_60 = vector.broadcast %add3A_59 : i32 to vector<16xi32>
        %add3A_61 = arith.addi %add3A_60, %iota3A : vector<16xi32>
        %broadcast_in_dim3A_62 = arith.constant 163839 : i32
        %broadcast_in_dim3A_63 = vector.broadcast %broadcast_in_dim3A_62 : i32 to vector<16xi32>
        %mul3A_64 = arith.constant 64 : i32
        %mul3A_65 = arith.muli %select_n3A, %mul3A_64 : i32
        %lt3A_66 = vector.broadcast %mul3A_65 : i32 to vector<16xi32>
        %lt3A_67 = arith.cmpi slt, %add3A_61, %lt3A_66 : vector<16xi32>
        tpu.vector_store_idx %arg8[%add3A_61], %broadcast_in_dim3A_63 masked %lt3A_67 : memref<8288xi32, #tpu.memory_space<vmem>>[vector<16xi32>], vector<16xi32>, vector<16xi1>
        %add3A_68 = arith.constant 32 : i32
        %add3A_69 = arith.addi %scan3A_26, %add3A_68 : i32
        %add3A_70 = vector.broadcast %add3A_69 : i32 to vector<16xi32>
        %add3A_71 = arith.addi %add3A_70, %iota3A : vector<16xi32>
        %broadcast_in_dim3A_72 = arith.constant 163839 : i32
        %broadcast_in_dim3A_73 = vector.broadcast %broadcast_in_dim3A_72 : i32 to vector<16xi32>
        %mul3A_74 = arith.constant 64 : i32
        %mul3A_75 = arith.muli %select_n3A, %mul3A_74 : i32
        %lt3A_76 = vector.broadcast %mul3A_75 : i32 to vector<16xi32>
        %lt3A_77 = arith.cmpi slt, %add3A_71, %lt3A_76 : vector<16xi32>
        tpu.vector_store_idx %arg8[%add3A_71], %broadcast_in_dim3A_73 masked %lt3A_77 : memref<8288xi32, #tpu.memory_space<vmem>>[vector<16xi32>], vector<16xi32>, vector<16xi1>
        %add3A_78 = arith.constant 48 : i32
        %add3A_79 = arith.addi %scan3A_26, %add3A_78 : i32
        %add3A_80 = vector.broadcast %add3A_79 : i32 to vector<16xi32>
        %add3A_81 = arith.addi %add3A_80, %iota3A : vector<16xi32>
        %broadcast_in_dim3A_82 = arith.constant 163839 : i32
        %broadcast_in_dim3A_83 = vector.broadcast %broadcast_in_dim3A_82 : i32 to vector<16xi32>
        %mul3A_84 = arith.constant 64 : i32
        %mul3A_85 = arith.muli %select_n3A, %mul3A_84 : i32
        %lt3A_86 = vector.broadcast %mul3A_85 : i32 to vector<16xi32>
        %lt3A_87 = arith.cmpi slt, %add3A_81, %lt3A_86 : vector<16xi32>
        tpu.vector_store_idx %arg8[%add3A_81], %broadcast_in_dim3A_83 masked %lt3A_87 : memref<8288xi32, #tpu.memory_space<vmem>>[vector<16xi32>], vector<16xi32>, vector<16xi1>
        %add3A_88 = arith.constant 64 : i32
        %add3A_89 = arith.addi %scan3A_26, %add3A_88 : i32
        %add3A_90 = vector.broadcast %add3A_89 : i32 to vector<16xi32>
        %add3A_91 = arith.addi %add3A_90, %iota3A : vector<16xi32>
        %broadcast_in_dim3A_92 = arith.constant 163839 : i32
        %broadcast_in_dim3A_93 = vector.broadcast %broadcast_in_dim3A_92 : i32 to vector<16xi32>
        %mul3A_94 = arith.constant 64 : i32
        %mul3A_95 = arith.muli %select_n3A, %mul3A_94 : i32
        %lt3A_96 = vector.broadcast %mul3A_95 : i32 to vector<16xi32>
        %lt3A_97 = arith.cmpi slt, %add3A_91, %lt3A_96 : vector<16xi32>
        tpu.vector_store_idx %arg8[%add3A_91], %broadcast_in_dim3A_93 masked %lt3A_97 : memref<8288xi32, #tpu.memory_space<vmem>>[vector<16xi32>], vector<16xi32>, vector<16xi1>
        %while3A = arith.constant 0 : i32
        %while3A_98 = arith.constant 0 : i32
        %while3A_99 = arith.subi %select_n3A, %while3A_98 : i32
        %while3A_100 = arith.addi %while3A_98, %while3A_99 : i32
        %while3A_101 = arith.constant 1 : i32
        %while3A_102 = arith.divsi %while3A_99, %while3A_101 : i32
        %while3A_103 = arith.muli %while3A_102, %while3A_101 : i32
        %while3A_104 = arith.addi %while3A_98, %while3A_103 : i32
        %while3A_105 = arith.constant 1 : i32
        scf.for %while3A_107 = %while3A_98 to %while3A_104 step %while3A_105  : i32 {
          %mul3A_108 = arith.constant 64 : i32
          %mul3A_109 = arith.muli %while3A_107, %mul3A_108 : i32
          "tpu.region"() ({
            %run_scoped3A = tpu.sem_alloc : memref<!tpu.dma_semaphore, #tpu.memory_space<semaphore_mem>>
            %dma_start3A = tpu.memref_slice %arg8[%mul3A_109] : memref<8288xi32, #tpu.memory_space<vmem>> -> memref<64xi32, #tpu.memory_space<vmem>>
            %dma_start3A_200 = arith.constant 0 : i32
            %dma_start3A_201 = tpu.memref_slice %arg3[%dma_start3A_200] : memref<163840xi32, #tpu.memory_space<hbm>> -> memref<163840xi32, #tpu.memory_space<hbm>>
            tpu.enqueue_indirect_dma source(%dma_start3A_201 : memref<163840xi32, #tpu.memory_space<hbm>>) target(%arg9 : memref<64xi32, #tpu.memory_space<vmem>>) offsets(%dma_start3A : memref<64xi32, #tpu.memory_space<vmem>>) semaphore(%run_scoped3A : memref<!tpu.dma_semaphore, #tpu.memory_space<semaphore_mem>>)
            %dma_wait3A = tpu.memref_slice %arg8[%mul3A_109] : memref<8288xi32, #tpu.memory_space<vmem>> -> memref<64xi32, #tpu.memory_space<vmem>>
            %dma_wait3A_202 = arith.constant 0 : i32
            %dma_wait3A_203 = tpu.memref_slice %arg3[%dma_wait3A_202] : memref<163840xi32, #tpu.memory_space<hbm>> -> memref<163840xi32, #tpu.memory_space<hbm>>
            tpu.wait_indirect_dma semaphore(%run_scoped3A : memref<!tpu.dma_semaphore, #tpu.memory_space<semaphore_mem>>) src(%dma_wait3A_203 : memref<163840xi32, #tpu.memory_space<hbm>>) dst(%arg9 : memref<64xi32, #tpu.memory_space<vmem>>)
            tpu.yield
          }) : () -> ()
          "tpu.region"() ({
            %run_scoped3A = tpu.sem_alloc : memref<!tpu.dma_semaphore, #tpu.memory_space<semaphore_mem>>
            %dma_start3A = tpu.memref_slice %arg8[%mul3A_109] : memref<8288xi32, #tpu.memory_space<vmem>> -> memref<64xi32, #tpu.memory_space<vmem>>
            %dma_start3A_200 = arith.constant 0 : i32
            %dma_start3A_201 = tpu.memref_slice %arg4[%dma_start3A_200] : memref<163840xi32, #tpu.memory_space<hbm>> -> memref<163840xi32, #tpu.memory_space<hbm>>
            tpu.enqueue_indirect_dma source(%dma_start3A_201 : memref<163840xi32, #tpu.memory_space<hbm>>) target(%arg10 : memref<64xi32, #tpu.memory_space<vmem>>) offsets(%dma_start3A : memref<64xi32, #tpu.memory_space<vmem>>) semaphore(%run_scoped3A : memref<!tpu.dma_semaphore, #tpu.memory_space<semaphore_mem>>)
            %dma_wait3A = tpu.memref_slice %arg8[%mul3A_109] : memref<8288xi32, #tpu.memory_space<vmem>> -> memref<64xi32, #tpu.memory_space<vmem>>
            %dma_wait3A_202 = arith.constant 0 : i32
            %dma_wait3A_203 = tpu.memref_slice %arg4[%dma_wait3A_202] : memref<163840xi32, #tpu.memory_space<hbm>> -> memref<163840xi32, #tpu.memory_space<hbm>>
            tpu.wait_indirect_dma semaphore(%run_scoped3A : memref<!tpu.dma_semaphore, #tpu.memory_space<semaphore_mem>>) src(%dma_wait3A_203 : memref<163840xi32, #tpu.memory_space<hbm>>) dst(%arg10 : memref<64xi32, #tpu.memory_space<vmem>>)
            tpu.yield
          }) : () -> ()
          "tpu.region"() ({
            %run_scoped3A = tpu.sem_alloc : memref<!tpu.dma_semaphore, #tpu.memory_space<semaphore_mem>>
            %dma_start3A = arith.constant 0 : i32
            %dma_start3A_200 = arith.constant 0 : i32
            %dma_start3A_201 = tpu.memref_slice %arg2[%dma_start3A, %dma_start3A_200] : memref<10000x256xf32, #tpu.memory_space<hbm>> -> memref<10000x256xf32, #tpu.memory_space<hbm>>
            tpu.enqueue_indirect_dma source(%dma_start3A_201 : memref<10000x256xf32, #tpu.memory_space<hbm>>) target(%arg11 : memref<64x256xf32, #tpu.memory_space<vmem>>) offsets(%arg9 : memref<64xi32, #tpu.memory_space<vmem>>) semaphore(%run_scoped3A : memref<!tpu.dma_semaphore, #tpu.memory_space<semaphore_mem>>)
            %dma_wait3A = arith.constant 0 : i32
            %dma_wait3A_202 = arith.constant 0 : i32
            %dma_wait3A_203 = tpu.memref_slice %arg2[%dma_wait3A, %dma_wait3A_202] : memref<10000x256xf32, #tpu.memory_space<hbm>> -> memref<10000x256xf32, #tpu.memory_space<hbm>>
            tpu.wait_indirect_dma semaphore(%run_scoped3A : memref<!tpu.dma_semaphore, #tpu.memory_space<semaphore_mem>>) src(%dma_wait3A_203 : memref<10000x256xf32, #tpu.memory_space<hbm>>) dst(%arg11 : memref<64x256xf32, #tpu.memory_space<vmem>>)
            tpu.yield
          }) : () -> ()
          %get3A = arith.constant 0 : index
          %get3A_110 = tpu.vector_load %arg10[%get3A] {strides = array<i32>} : memref<64xi32, #tpu.memory_space<vmem>>, vector<16xi32>,
          %ge3A = vector.broadcast %mul3A_11 : i32 to vector<16xi32>
          %ge3A_111 = arith.cmpi sge, %get3A_110, %ge3A : vector<16xi32>
          %add3A_112 = arith.constant 232 : i32
          %add3A_113 = arith.addi %mul3A_11, %add3A_112 : i32
          %lt3A_114 = vector.broadcast %add3A_113 : i32 to vector<16xi32>
          %lt3A_115 = arith.cmpi slt, %get3A_110, %lt3A_114 : vector<16xi32>
          %and3A_116 = arith.andi %ge3A_111, %lt3A_115 : vector<16xi1>
          %sub3A_117 = vector.broadcast %mul3A_11 : i32 to vector<16xi32>
          %sub3A_118 = arith.subi %get3A_110, %sub3A_117 : vector<16xi32>
          %jit3A_119 = arith.constant 232 : i32
          %broadcast_in_dim3A_120 = vector.broadcast %jit3A_119 : i32 to vector<16xi32>
          %select_n3A_121 = arith.select %and3A_116, %sub3A_118, %broadcast_in_dim3A_120 : vector<16xi1>, vector<16xi32>
          %add3A_122 = arith.constant 0 : i32
          %add3A_123 = vector.broadcast %add3A_122 : i32 to vector<16xi32>
          %add3A_124 = arith.addi %add3A_123, %iota3A : vector<16xi32>
          %scan3A_125 = arith.constant 0 : i32
          %scan3A_126 = arith.constant 0 : i32
          %scan3A_127 = arith.constant 256 : i32
          %scan3A_128 = arith.addi %scan3A_126, %scan3A_127 : i32
          %scan3A_129 = arith.constant 1 : i32
          scf.for %scan3A_200 = %scan3A_126 to %scan3A_128 step %scan3A_129  : i32 {
            %broadcast_in_dim3A_201 = arith.constant 0 : i32
            %broadcast_in_dim3A_202 = vector.broadcast %broadcast_in_dim3A_201 : i32 to vector<16xi32>
            %add3A_203 = vector.broadcast %scan3A_200 : i32 to vector<16xi32>
            %add3A_204 = arith.addi %broadcast_in_dim3A_202, %add3A_203 : vector<16xi32>
            %gather3A = tpu.vector_load_idx %arg11[%add3A_124, %add3A_204] : memref<64x256xf32, #tpu.memory_space<vmem>>[vector<16xi32>, vector<16xi32>], vector<16xf32>,
            tpu.vector_store_idx %arg12[%select_n3A_121, %add3A_204], %gather3A masked %and3A_116 {add = true} : memref<240x256xf32, #tpu.memory_space<vmem>>[vector<16xi32>, vector<16xi32>], vector<16xf32>, vector<16xi1>
          }
          %scan3A_130 = arith.constant 256 : i32
          %get3A_131 = arith.constant 16 : index
          %get3A_132 = tpu.vector_load %arg10[%get3A_131] {strides = array<i32>} : memref<64xi32, #tpu.memory_space<vmem>>, vector<16xi32>,
          %ge3A_133 = vector.broadcast %mul3A_11 : i32 to vector<16xi32>
          %ge3A_134 = arith.cmpi sge, %get3A_132, %ge3A_133 : vector<16xi32>
          %add3A_135 = arith.constant 232 : i32
          %add3A_136 = arith.addi %mul3A_11, %add3A_135 : i32
          %lt3A_137 = vector.broadcast %add3A_136 : i32 to vector<16xi32>
          %lt3A_138 = arith.cmpi slt, %get3A_132, %lt3A_137 : vector<16xi32>
          %and3A_139 = arith.andi %ge3A_134, %lt3A_138 : vector<16xi1>
          %sub3A_140 = vector.broadcast %mul3A_11 : i32 to vector<16xi32>
          %sub3A_141 = arith.subi %get3A_132, %sub3A_140 : vector<16xi32>
          %jit3A_142 = arith.constant 232 : i32
          %broadcast_in_dim3A_143 = vector.broadcast %jit3A_142 : i32 to vector<16xi32>
          %select_n3A_144 = arith.select %and3A_139, %sub3A_141, %broadcast_in_dim3A_143 : vector<16xi1>, vector<16xi32>
          %add3A_145 = arith.constant 16 : i32
          %add3A_146 = vector.broadcast %add3A_145 : i32 to vector<16xi32>
          %add3A_147 = arith.addi %add3A_146, %iota3A : vector<16xi32>
          %scan3A_148 = arith.constant 0 : i32
          %scan3A_149 = arith.constant 0 : i32
          %scan3A_150 = arith.constant 256 : i32
          %scan3A_151 = arith.addi %scan3A_149, %scan3A_150 : i32
          %scan3A_152 = arith.constant 1 : i32
          scf.for %scan3A_200 = %scan3A_149 to %scan3A_151 step %scan3A_152  : i32 {
            %broadcast_in_dim3A_201 = arith.constant 0 : i32
            %broadcast_in_dim3A_202 = vector.broadcast %broadcast_in_dim3A_201 : i32 to vector<16xi32>
            %add3A_203 = vector.broadcast %scan3A_200 : i32 to vector<16xi32>
            %add3A_204 = arith.addi %broadcast_in_dim3A_202, %add3A_203 : vector<16xi32>
            %gather3A = tpu.vector_load_idx %arg11[%add3A_147, %add3A_204] : memref<64x256xf32, #tpu.memory_space<vmem>>[vector<16xi32>, vector<16xi32>], vector<16xf32>,
            tpu.vector_store_idx %arg12[%select_n3A_144, %add3A_204], %gather3A masked %and3A_139 {add = true} : memref<240x256xf32, #tpu.memory_space<vmem>>[vector<16xi32>, vector<16xi32>], vector<16xf32>, vector<16xi1>
          }
          %scan3A_153 = arith.constant 256 : i32
          %get3A_154 = arith.constant 32 : index
          %get3A_155 = tpu.vector_load %arg10[%get3A_154] {strides = array<i32>} : memref<64xi32, #tpu.memory_space<vmem>>, vector<16xi32>,
          %ge3A_156 = vector.broadcast %mul3A_11 : i32 to vector<16xi32>
          %ge3A_157 = arith.cmpi sge, %get3A_155, %ge3A_156 : vector<16xi32>
          %add3A_158 = arith.constant 232 : i32
          %add3A_159 = arith.addi %mul3A_11, %add3A_158 : i32
          %lt3A_160 = vector.broadcast %add3A_159 : i32 to vector<16xi32>
          %lt3A_161 = arith.cmpi slt, %get3A_155, %lt3A_160 : vector<16xi32>
          %and3A_162 = arith.andi %ge3A_157, %lt3A_161 : vector<16xi1>
          %sub3A_163 = vector.broadcast %mul3A_11 : i32 to vector<16xi32>
          %sub3A_164 = arith.subi %get3A_155, %sub3A_163 : vector<16xi32>
          %jit3A_165 = arith.constant 232 : i32
          %broadcast_in_dim3A_166 = vector.broadcast %jit3A_165 : i32 to vector<16xi32>
          %select_n3A_167 = arith.select %and3A_162, %sub3A_164, %broadcast_in_dim3A_166 : vector<16xi1>, vector<16xi32>
          %add3A_168 = arith.constant 32 : i32
          %add3A_169 = vector.broadcast %add3A_168 : i32 to vector<16xi32>
          %add3A_170 = arith.addi %add3A_169, %iota3A : vector<16xi32>
          %scan3A_171 = arith.constant 0 : i32
          %scan3A_172 = arith.constant 0 : i32
          %scan3A_173 = arith.constant 256 : i32
          %scan3A_174 = arith.addi %scan3A_172, %scan3A_173 : i32
          %scan3A_175 = arith.constant 1 : i32
          scf.for %scan3A_200 = %scan3A_172 to %scan3A_174 step %scan3A_175  : i32 {
            %broadcast_in_dim3A_201 = arith.constant 0 : i32
            %broadcast_in_dim3A_202 = vector.broadcast %broadcast_in_dim3A_201 : i32 to vector<16xi32>
            %add3A_203 = vector.broadcast %scan3A_200 : i32 to vector<16xi32>
            %add3A_204 = arith.addi %broadcast_in_dim3A_202, %add3A_203 : vector<16xi32>
            %gather3A = tpu.vector_load_idx %arg11[%add3A_170, %add3A_204] : memref<64x256xf32, #tpu.memory_space<vmem>>[vector<16xi32>, vector<16xi32>], vector<16xf32>,
            tpu.vector_store_idx %arg12[%select_n3A_167, %add3A_204], %gather3A masked %and3A_162 {add = true} : memref<240x256xf32, #tpu.memory_space<vmem>>[vector<16xi32>, vector<16xi32>], vector<16xf32>, vector<16xi1>
          }
          %scan3A_176 = arith.constant 256 : i32
          %get3A_177 = arith.constant 48 : index
          %get3A_178 = tpu.vector_load %arg10[%get3A_177] {strides = array<i32>} : memref<64xi32, #tpu.memory_space<vmem>>, vector<16xi32>,
          %ge3A_179 = vector.broadcast %mul3A_11 : i32 to vector<16xi32>
          %ge3A_180 = arith.cmpi sge, %get3A_178, %ge3A_179 : vector<16xi32>
          %add3A_181 = arith.constant 232 : i32
          %add3A_182 = arith.addi %mul3A_11, %add3A_181 : i32
          %lt3A_183 = vector.broadcast %add3A_182 : i32 to vector<16xi32>
          %lt3A_184 = arith.cmpi slt, %get3A_178, %lt3A_183 : vector<16xi32>
          %and3A_185 = arith.andi %ge3A_180, %lt3A_184 : vector<16xi1>
          %sub3A_186 = vector.broadcast %mul3A_11 : i32 to vector<16xi32>
          %sub3A_187 = arith.subi %get3A_178, %sub3A_186 : vector<16xi32>
          %jit3A_188 = arith.constant 232 : i32
          %broadcast_in_dim3A_189 = vector.broadcast %jit3A_188 : i32 to vector<16xi32>
          %select_n3A_190 = arith.select %and3A_185, %sub3A_187, %broadcast_in_dim3A_189 : vector<16xi1>, vector<16xi32>
          %add3A_191 = arith.constant 48 : i32
          %add3A_192 = vector.broadcast %add3A_191 : i32 to vector<16xi32>
          %add3A_193 = arith.addi %add3A_192, %iota3A : vector<16xi32>
          %scan3A_194 = arith.constant 0 : i32
          %scan3A_195 = arith.constant 0 : i32
          %scan3A_196 = arith.constant 256 : i32
          %scan3A_197 = arith.addi %scan3A_195, %scan3A_196 : i32
          %scan3A_198 = arith.constant 1 : i32
          scf.for %scan3A_200 = %scan3A_195 to %scan3A_197 step %scan3A_198  : i32 {
            %broadcast_in_dim3A_201 = arith.constant 0 : i32
            %broadcast_in_dim3A_202 = vector.broadcast %broadcast_in_dim3A_201 : i32 to vector<16xi32>
            %add3A_203 = vector.broadcast %scan3A_200 : i32 to vector<16xi32>
            %add3A_204 = arith.addi %broadcast_in_dim3A_202, %add3A_203 : vector<16xi32>
            %gather3A = tpu.vector_load_idx %arg11[%add3A_193, %add3A_204] : memref<64x256xf32, #tpu.memory_space<vmem>>[vector<16xi32>, vector<16xi32>], vector<16xf32>,
            tpu.vector_store_idx %arg12[%select_n3A_190, %add3A_204], %gather3A masked %and3A_185 {add = true} : memref<240x256xf32, #tpu.memory_space<vmem>>[vector<16xi32>, vector<16xi32>], vector<16xf32>, vector<16xi1>
          }
          %scan3A_199 = arith.constant 256 : i32
        }
        %while3A_106 = arith.constant 1 : i32
        scf.for %while3A_107 = %while3A_104 to %while3A_100 step %while3A_106  : i32 {
          %mul3A_108 = arith.constant 64 : i32
          %mul3A_109 = arith.muli %while3A_107, %mul3A_108 : i32
          "tpu.region"() ({
            %run_scoped3A = tpu.sem_alloc : memref<!tpu.dma_semaphore, #tpu.memory_space<semaphore_mem>>
            %dma_start3A = tpu.memref_slice %arg8[%mul3A_109] : memref<8288xi32, #tpu.memory_space<vmem>> -> memref<64xi32, #tpu.memory_space<vmem>>
            %dma_start3A_200 = arith.constant 0 : i32
            %dma_start3A_201 = tpu.memref_slice %arg3[%dma_start3A_200] : memref<163840xi32, #tpu.memory_space<hbm>> -> memref<163840xi32, #tpu.memory_space<hbm>>
            tpu.enqueue_indirect_dma source(%dma_start3A_201 : memref<163840xi32, #tpu.memory_space<hbm>>) target(%arg9 : memref<64xi32, #tpu.memory_space<vmem>>) offsets(%dma_start3A : memref<64xi32, #tpu.memory_space<vmem>>) semaphore(%run_scoped3A : memref<!tpu.dma_semaphore, #tpu.memory_space<semaphore_mem>>)
            %dma_wait3A = tpu.memref_slice %arg8[%mul3A_109] : memref<8288xi32, #tpu.memory_space<vmem>> -> memref<64xi32, #tpu.memory_space<vmem>>
            %dma_wait3A_202 = arith.constant 0 : i32
            %dma_wait3A_203 = tpu.memref_slice %arg3[%dma_wait3A_202] : memref<163840xi32, #tpu.memory_space<hbm>> -> memref<163840xi32, #tpu.memory_space<hbm>>
            tpu.wait_indirect_dma semaphore(%run_scoped3A : memref<!tpu.dma_semaphore, #tpu.memory_space<semaphore_mem>>) src(%dma_wait3A_203 : memref<163840xi32, #tpu.memory_space<hbm>>) dst(%arg9 : memref<64xi32, #tpu.memory_space<vmem>>)
            tpu.yield
          }) : () -> ()
          "tpu.region"() ({
            %run_scoped3A = tpu.sem_alloc : memref<!tpu.dma_semaphore, #tpu.memory_space<semaphore_mem>>
            %dma_start3A = tpu.memref_slice %arg8[%mul3A_109] : memref<8288xi32, #tpu.memory_space<vmem>> -> memref<64xi32, #tpu.memory_space<vmem>>
            %dma_start3A_200 = arith.constant 0 : i32
            %dma_start3A_201 = tpu.memref_slice %arg4[%dma_start3A_200] : memref<163840xi32, #tpu.memory_space<hbm>> -> memref<163840xi32, #tpu.memory_space<hbm>>
            tpu.enqueue_indirect_dma source(%dma_start3A_201 : memref<163840xi32, #tpu.memory_space<hbm>>) target(%arg10 : memref<64xi32, #tpu.memory_space<vmem>>) offsets(%dma_start3A : memref<64xi32, #tpu.memory_space<vmem>>) semaphore(%run_scoped3A : memref<!tpu.dma_semaphore, #tpu.memory_space<semaphore_mem>>)
            %dma_wait3A = tpu.memref_slice %arg8[%mul3A_109] : memref<8288xi32, #tpu.memory_space<vmem>> -> memref<64xi32, #tpu.memory_space<vmem>>
            %dma_wait3A_202 = arith.constant 0 : i32
            %dma_wait3A_203 = tpu.memref_slice %arg4[%dma_wait3A_202] : memref<163840xi32, #tpu.memory_space<hbm>> -> memref<163840xi32, #tpu.memory_space<hbm>>
            tpu.wait_indirect_dma semaphore(%run_scoped3A : memref<!tpu.dma_semaphore, #tpu.memory_space<semaphore_mem>>) src(%dma_wait3A_203 : memref<163840xi32, #tpu.memory_space<hbm>>) dst(%arg10 : memref<64xi32, #tpu.memory_space<vmem>>)
            tpu.yield
          }) : () -> ()
          "tpu.region"() ({
            %run_scoped3A = tpu.sem_alloc : memref<!tpu.dma_semaphore, #tpu.memory_space<semaphore_mem>>
            %dma_start3A = arith.constant 0 : i32
            %dma_start3A_200 = arith.constant 0 : i32
            %dma_start3A_201 = tpu.memref_slice %arg2[%dma_start3A, %dma_start3A_200] : memref<10000x256xf32, #tpu.memory_space<hbm>> -> memref<10000x256xf32, #tpu.memory_space<hbm>>
            tpu.enqueue_indirect_dma source(%dma_start3A_201 : memref<10000x256xf32, #tpu.memory_space<hbm>>) target(%arg11 : memref<64x256xf32, #tpu.memory_space<vmem>>) offsets(%arg9 : memref<64xi32, #tpu.memory_space<vmem>>) semaphore(%run_scoped3A : memref<!tpu.dma_semaphore, #tpu.memory_space<semaphore_mem>>)
            %dma_wait3A = arith.constant 0 : i32
            %dma_wait3A_202 = arith.constant 0 : i32
            %dma_wait3A_203 = tpu.memref_slice %arg2[%dma_wait3A, %dma_wait3A_202] : memref<10000x256xf32, #tpu.memory_space<hbm>> -> memref<10000x256xf32, #tpu.memory_space<hbm>>
            tpu.wait_indirect_dma semaphore(%run_scoped3A : memref<!tpu.dma_semaphore, #tpu.memory_space<semaphore_mem>>) src(%dma_wait3A_203 : memref<10000x256xf32, #tpu.memory_space<hbm>>) dst(%arg11 : memref<64x256xf32, #tpu.memory_space<vmem>>)
            tpu.yield
          }) : () -> ()
          %get3A = arith.constant 0 : index
          %get3A_110 = tpu.vector_load %arg10[%get3A] {strides = array<i32>} : memref<64xi32, #tpu.memory_space<vmem>>, vector<16xi32>,
          %ge3A = vector.broadcast %mul3A_11 : i32 to vector<16xi32>
          %ge3A_111 = arith.cmpi sge, %get3A_110, %ge3A : vector<16xi32>
          %add3A_112 = arith.constant 232 : i32
          %add3A_113 = arith.addi %mul3A_11, %add3A_112 : i32
          %lt3A_114 = vector.broadcast %add3A_113 : i32 to vector<16xi32>
          %lt3A_115 = arith.cmpi slt, %get3A_110, %lt3A_114 : vector<16xi32>
          %and3A_116 = arith.andi %ge3A_111, %lt3A_115 : vector<16xi1>
          %sub3A_117 = vector.broadcast %mul3A_11 : i32 to vector<16xi32>
          %sub3A_118 = arith.subi %get3A_110, %sub3A_117 : vector<16xi32>
          %jit3A_119 = arith.constant 232 : i32
          %broadcast_in_dim3A_120 = vector.broadcast %jit3A_119 : i32 to vector<16xi32>
          %select_n3A_121 = arith.select %and3A_116, %sub3A_118, %broadcast_in_dim3A_120 : vector<16xi1>, vector<16xi32>
          %add3A_122 = arith.constant 0 : i32
          %add3A_123 = vector.broadcast %add3A_122 : i32 to vector<16xi32>
          %add3A_124 = arith.addi %add3A_123, %iota3A : vector<16xi32>
          %scan3A_125 = arith.constant 0 : i32
          %scan3A_126 = arith.constant 0 : i32
          %scan3A_127 = arith.constant 256 : i32
          %scan3A_128 = arith.addi %scan3A_126, %scan3A_127 : i32
          %scan3A_129 = arith.constant 1 : i32
          scf.for %scan3A_200 = %scan3A_126 to %scan3A_128 step %scan3A_129  : i32 {
            %broadcast_in_dim3A_201 = arith.constant 0 : i32
            %broadcast_in_dim3A_202 = vector.broadcast %broadcast_in_dim3A_201 : i32 to vector<16xi32>
            %add3A_203 = vector.broadcast %scan3A_200 : i32 to vector<16xi32>
            %add3A_204 = arith.addi %broadcast_in_dim3A_202, %add3A_203 : vector<16xi32>
            %gather3A = tpu.vector_load_idx %arg11[%add3A_124, %add3A_204] : memref<64x256xf32, #tpu.memory_space<vmem>>[vector<16xi32>, vector<16xi32>], vector<16xf32>,
            tpu.vector_store_idx %arg12[%select_n3A_121, %add3A_204], %gather3A masked %and3A_116 {add = true} : memref<240x256xf32, #tpu.memory_space<vmem>>[vector<16xi32>, vector<16xi32>], vector<16xf32>, vector<16xi1>
          }
          %scan3A_130 = arith.constant 256 : i32
          %get3A_131 = arith.constant 16 : index
          %get3A_132 = tpu.vector_load %arg10[%get3A_131] {strides = array<i32>} : memref<64xi32, #tpu.memory_space<vmem>>, vector<16xi32>,
          %ge3A_133 = vector.broadcast %mul3A_11 : i32 to vector<16xi32>
          %ge3A_134 = arith.cmpi sge, %get3A_132, %ge3A_133 : vector<16xi32>
          %add3A_135 = arith.constant 232 : i32
          %add3A_136 = arith.addi %mul3A_11, %add3A_135 : i32
          %lt3A_137 = vector.broadcast %add3A_136 : i32 to vector<16xi32>
          %lt3A_138 = arith.cmpi slt, %get3A_132, %lt3A_137 : vector<16xi32>
          %and3A_139 = arith.andi %ge3A_134, %lt3A_138 : vector<16xi1>
          %sub3A_140 = vector.broadcast %mul3A_11 : i32 to vector<16xi32>
          %sub3A_141 = arith.subi %get3A_132, %sub3A_140 : vector<16xi32>
          %jit3A_142 = arith.constant 232 : i32
          %broadcast_in_dim3A_143 = vector.broadcast %jit3A_142 : i32 to vector<16xi32>
          %select_n3A_144 = arith.select %and3A_139, %sub3A_141, %broadcast_in_dim3A_143 : vector<16xi1>, vector<16xi32>
          %add3A_145 = arith.constant 16 : i32
          %add3A_146 = vector.broadcast %add3A_145 : i32 to vector<16xi32>
          %add3A_147 = arith.addi %add3A_146, %iota3A : vector<16xi32>
          %scan3A_148 = arith.constant 0 : i32
          %scan3A_149 = arith.constant 0 : i32
          %scan3A_150 = arith.constant 256 : i32
          %scan3A_151 = arith.addi %scan3A_149, %scan3A_150 : i32
          %scan3A_152 = arith.constant 1 : i32
          scf.for %scan3A_200 = %scan3A_149 to %scan3A_151 step %scan3A_152  : i32 {
            %broadcast_in_dim3A_201 = arith.constant 0 : i32
            %broadcast_in_dim3A_202 = vector.broadcast %broadcast_in_dim3A_201 : i32 to vector<16xi32>
            %add3A_203 = vector.broadcast %scan3A_200 : i32 to vector<16xi32>
            %add3A_204 = arith.addi %broadcast_in_dim3A_202, %add3A_203 : vector<16xi32>
            %gather3A = tpu.vector_load_idx %arg11[%add3A_147, %add3A_204] : memref<64x256xf32, #tpu.memory_space<vmem>>[vector<16xi32>, vector<16xi32>], vector<16xf32>,
            tpu.vector_store_idx %arg12[%select_n3A_144, %add3A_204], %gather3A masked %and3A_139 {add = true} : memref<240x256xf32, #tpu.memory_space<vmem>>[vector<16xi32>, vector<16xi32>], vector<16xf32>, vector<16xi1>
          }
          %scan3A_153 = arith.constant 256 : i32
          %get3A_154 = arith.constant 32 : index
          %get3A_155 = tpu.vector_load %arg10[%get3A_154] {strides = array<i32>} : memref<64xi32, #tpu.memory_space<vmem>>, vector<16xi32>,
          %ge3A_156 = vector.broadcast %mul3A_11 : i32 to vector<16xi32>
          %ge3A_157 = arith.cmpi sge, %get3A_155, %ge3A_156 : vector<16xi32>
          %add3A_158 = arith.constant 232 : i32
          %add3A_159 = arith.addi %mul3A_11, %add3A_158 : i32
          %lt3A_160 = vector.broadcast %add3A_159 : i32 to vector<16xi32>
          %lt3A_161 = arith.cmpi slt, %get3A_155, %lt3A_160 : vector<16xi32>
          %and3A_162 = arith.andi %ge3A_157, %lt3A_161 : vector<16xi1>
          %sub3A_163 = vector.broadcast %mul3A_11 : i32 to vector<16xi32>
          %sub3A_164 = arith.subi %get3A_155, %sub3A_163 : vector<16xi32>
          %jit3A_165 = arith.constant 232 : i32
          %broadcast_in_dim3A_166 = vector.broadcast %jit3A_165 : i32 to vector<16xi32>
          %select_n3A_167 = arith.select %and3A_162, %sub3A_164, %broadcast_in_dim3A_166 : vector<16xi1>, vector<16xi32>
          %add3A_168 = arith.constant 32 : i32
          %add3A_169 = vector.broadcast %add3A_168 : i32 to vector<16xi32>
          %add3A_170 = arith.addi %add3A_169, %iota3A : vector<16xi32>
          %scan3A_171 = arith.constant 0 : i32
          %scan3A_172 = arith.constant 0 : i32
          %scan3A_173 = arith.constant 256 : i32
          %scan3A_174 = arith.addi %scan3A_172, %scan3A_173 : i32
          %scan3A_175 = arith.constant 1 : i32
          scf.for %scan3A_200 = %scan3A_172 to %scan3A_174 step %scan3A_175  : i32 {
            %broadcast_in_dim3A_201 = arith.constant 0 : i32
            %broadcast_in_dim3A_202 = vector.broadcast %broadcast_in_dim3A_201 : i32 to vector<16xi32>
            %add3A_203 = vector.broadcast %scan3A_200 : i32 to vector<16xi32>
            %add3A_204 = arith.addi %broadcast_in_dim3A_202, %add3A_203 : vector<16xi32>
            %gather3A = tpu.vector_load_idx %arg11[%add3A_170, %add3A_204] : memref<64x256xf32, #tpu.memory_space<vmem>>[vector<16xi32>, vector<16xi32>], vector<16xf32>,
            tpu.vector_store_idx %arg12[%select_n3A_167, %add3A_204], %gather3A masked %and3A_162 {add = true} : memref<240x256xf32, #tpu.memory_space<vmem>>[vector<16xi32>, vector<16xi32>], vector<16xf32>, vector<16xi1>
          }
          %scan3A_176 = arith.constant 256 : i32
          %get3A_177 = arith.constant 48 : index
          %get3A_178 = tpu.vector_load %arg10[%get3A_177] {strides = array<i32>} : memref<64xi32, #tpu.memory_space<vmem>>, vector<16xi32>,
          %ge3A_179 = vector.broadcast %mul3A_11 : i32 to vector<16xi32>
          %ge3A_180 = arith.cmpi sge, %get3A_178, %ge3A_179 : vector<16xi32>
          %add3A_181 = arith.constant 232 : i32
          %add3A_182 = arith.addi %mul3A_11, %add3A_181 : i32
          %lt3A_183 = vector.broadcast %add3A_182 : i32 to vector<16xi32>
          %lt3A_184 = arith.cmpi slt, %get3A_178, %lt3A_183 : vector<16xi32>
          %and3A_185 = arith.andi %ge3A_180, %lt3A_184 : vector<16xi1>
          %sub3A_186 = vector.broadcast %mul3A_11 : i32 to vector<16xi32>
          %sub3A_187 = arith.subi %get3A_178, %sub3A_186 : vector<16xi32>
          %jit3A_188 = arith.constant 232 : i32
          %broadcast_in_dim3A_189 = vector.broadcast %jit3A_188 : i32 to vector<16xi32>
          %select_n3A_190 = arith.select %and3A_185, %sub3A_187, %broadcast_in_dim3A_189 : vector<16xi1>, vector<16xi32>
          %add3A_191 = arith.constant 48 : i32
          %add3A_192 = vector.broadcast %add3A_191 : i32 to vector<16xi32>
          %add3A_193 = arith.addi %add3A_192, %iota3A : vector<16xi32>
          %scan3A_194 = arith.constant 0 : i32
          %scan3A_195 = arith.constant 0 : i32
          %scan3A_196 = arith.constant 256 : i32
          %scan3A_197 = arith.addi %scan3A_195, %scan3A_196 : i32
          %scan3A_198 = arith.constant 1 : i32
          scf.for %scan3A_200 = %scan3A_195 to %scan3A_197 step %scan3A_198  : i32 {
            %broadcast_in_dim3A_201 = arith.constant 0 : i32
            %broadcast_in_dim3A_202 = vector.broadcast %broadcast_in_dim3A_201 : i32 to vector<16xi32>
            %add3A_203 = vector.broadcast %scan3A_200 : i32 to vector<16xi32>
            %add3A_204 = arith.addi %broadcast_in_dim3A_202, %add3A_203 : vector<16xi32>
            %gather3A = tpu.vector_load_idx %arg11[%add3A_193, %add3A_204] : memref<64x256xf32, #tpu.memory_space<vmem>>[vector<16xi32>, vector<16xi32>], vector<16xf32>,
            tpu.vector_store_idx %arg12[%select_n3A_190, %add3A_204], %gather3A masked %and3A_185 {add = true} : memref<240x256xf32, #tpu.memory_space<vmem>>[vector<16xi32>, vector<16xi32>], vector<16xf32>, vector<16xi1>
          }
          %scan3A_199 = arith.constant 256 : i32
        }
      }
      %scan3A_17 = arith.constant 20 : i32
      "tpu.region"() ({
        %run_scoped3A = tpu.sem_alloc : memref<!tpu.dma_semaphore, #tpu.memory_space<semaphore_mem>>
        %dma_start3A = arith.constant 0 : i32
        %dma_start3A_18 = arith.constant 0 : i32
        %dma_start3A_19 = tpu.memref_slice %arg12[%dma_start3A, %dma_start3A_18] : memref<240x256xf32, #tpu.memory_space<vmem>> -> memref<232x256xf32, #tpu.memory_space<vmem>>
        %dma_start3A_20 = arith.constant 0 : i32
        %dma_start3A_21 = tpu.memref_slice %arg6[%mul3A_11, %dma_start3A_20] : memref<89088x256xf32, #tpu.memory_space<hbm>> -> memref<232x256xf32, #tpu.memory_space<hbm>>
        %dma_start3A_22 = arith.constant 0 : i32
        %dma_start3A_23 = tpu.memref_slice %arg6[%mul3A_11, %dma_start3A_22] : memref<89088x256xf32, #tpu.memory_space<hbm>> -> memref<232x256xf32, #tpu.memory_space<hbm>>
        %dma_start3A_24 = arith.constant 0 : i32
        %dma_start3A_25 = arith.constant 0 : i32
        %dma_start3A_26 = tpu.memref_slice %arg12[%dma_start3A_24, %dma_start3A_25] : memref<240x256xf32, #tpu.memory_space<vmem>> -> memref<232x256xf32, #tpu.memory_space<vmem>>
        tpu.enqueue_dma source(%dma_start3A_26 : memref<232x256xf32, #tpu.memory_space<vmem>>) target(%dma_start3A_23 : memref<232x256xf32, #tpu.memory_space<hbm>>) target_semaphore(%run_scoped3A : memref<!tpu.dma_semaphore, #tpu.memory_space<semaphore_mem>>)
        %dma_wait3A = arith.constant 0 : i32
        %dma_wait3A_27 = arith.constant 0 : i32
        %dma_wait3A_28 = tpu.memref_slice %arg12[%dma_wait3A, %dma_wait3A_27] : memref<240x256xf32, #tpu.memory_space<vmem>> -> memref<232x256xf32, #tpu.memory_space<vmem>>
        %dma_wait3A_29 = arith.constant 0 : i32
        %dma_wait3A_30 = tpu.memref_slice %arg6[%mul3A_11, %dma_wait3A_29] : memref<89088x256xf32, #tpu.memory_space<hbm>> -> memref<232x256xf32, #tpu.memory_space<hbm>>
        %dma_wait3A_31 = arith.constant 0 : i32
        %dma_wait3A_32 = tpu.memref_slice %arg6[%mul3A_11, %dma_wait3A_31] : memref<89088x256xf32, #tpu.memory_space<hbm>> -> memref<232x256xf32, #tpu.memory_space<hbm>>
        %dma_wait3A_33 = arith.constant 0 : i32
        %dma_wait3A_34 = arith.constant 0 : i32
        %dma_wait3A_35 = tpu.memref_slice %arg12[%dma_wait3A_33, %dma_wait3A_34] : memref<240x256xf32, #tpu.memory_space<vmem>> -> memref<232x256xf32, #tpu.memory_space<vmem>>
        tpu.wait_dma2 semaphore(%run_scoped3A : memref<!tpu.dma_semaphore, #tpu.memory_space<semaphore_mem>>) src(%dma_wait3A_35 : memref<232x256xf32, #tpu.memory_space<vmem>>) dst(%dma_wait3A_32 : memref<232x256xf32, #tpu.memory_space<hbm>>)
        tpu.yield
      }) : () -> ()
    }
    %scan3A_5 = arith.constant 12 : i32
    return
  }
}

#map = affine_map<(d0, d1) -> (0)>
#map1 = affine_map<(d0, d1) -> (0, 0)>
module attributes {stable_mosaic.version = 14 : i64} {
  func.func @slots_k(%arg0: i32, %arg1: i32, %arg2: memref<163840xi32, #tpu.memory_space<hbm>>, %arg3: memref<163840xi32, #tpu.memory_space<hbm>>, %arg4: memref<32x81920xf32, #tpu.memory_space<hbm>>, %arg5: memref<163840xi32, #tpu.memory_space<hbm>>, %arg6: memref<5120xi32, #tpu.memory_space<vmem>>, %arg7: memref<5120xi32, #tpu.memory_space<vmem>>, %arg8: memref<5120xi32, #tpu.memory_space<vmem>>, %arg9: memref<81920xf32, #tpu.memory_space<vmem>>) attributes {dimension_semantics = [#tpu.dimension_semantics<core_parallel>, #tpu.dimension_semantics<subcore_parallel>], iteration_bounds = array<i64: 2, 16>, scalar_prefetch = 0 : i64, scratch_operands = 4 : i64, tpu.core_type = #tpu.core_type<sc_vector_subcore>, window_params = [{transform_indices = #map}, {transform_indices = #map}, {transform_indices = #map1}, {transform_indices = #map}]} {
    %mul3A = arith.constant 16 : i32
    %mul3A_0 = arith.muli %arg0, %mul3A : i32
    %add3A = arith.addi %mul3A_0, %arg1 : i32
    %mul3A_1 = arith.constant 5120 : i32
    %mul3A_2 = arith.muli %add3A, %mul3A_1 : i32
    "tpu.region"() ({
      %run_scoped3A = tpu.sem_alloc : memref<!tpu.dma_semaphore, #tpu.memory_space<semaphore_mem>>
      %dma_start3A = tpu.memref_slice %arg2[%mul3A_2] : memref<163840xi32, #tpu.memory_space<hbm>> -> memref<5120xi32, #tpu.memory_space<hbm>>
      %dma_start3A_19 = tpu.memref_slice %arg2[%mul3A_2] : memref<163840xi32, #tpu.memory_space<hbm>> -> memref<5120xi32, #tpu.memory_space<hbm>>
      tpu.enqueue_dma source(%dma_start3A_19 : memref<5120xi32, #tpu.memory_space<hbm>>) target(%arg6 : memref<5120xi32, #tpu.memory_space<vmem>>) target_semaphore(%run_scoped3A : memref<!tpu.dma_semaphore, #tpu.memory_space<semaphore_mem>>)
      %dma_wait3A = tpu.memref_slice %arg2[%mul3A_2] : memref<163840xi32, #tpu.memory_space<hbm>> -> memref<5120xi32, #tpu.memory_space<hbm>>
      %dma_wait3A_20 = tpu.memref_slice %arg2[%mul3A_2] : memref<163840xi32, #tpu.memory_space<hbm>> -> memref<5120xi32, #tpu.memory_space<hbm>>
      tpu.wait_dma2 semaphore(%run_scoped3A : memref<!tpu.dma_semaphore, #tpu.memory_space<semaphore_mem>>) src(%dma_wait3A_20 : memref<5120xi32, #tpu.memory_space<hbm>>) dst(%arg6 : memref<5120xi32, #tpu.memory_space<vmem>>)
      tpu.yield
    }) : () -> ()
    %mul3A_3 = arith.constant 5120 : i32
    %mul3A_4 = arith.muli %add3A, %mul3A_3 : i32
    "tpu.region"() ({
      %run_scoped3A = tpu.sem_alloc : memref<!tpu.dma_semaphore, #tpu.memory_space<semaphore_mem>>
      %dma_start3A = tpu.memref_slice %arg3[%mul3A_4] : memref<163840xi32, #tpu.memory_space<hbm>> -> memref<5120xi32, #tpu.memory_space<hbm>>
      %dma_start3A_19 = tpu.memref_slice %arg3[%mul3A_4] : memref<163840xi32, #tpu.memory_space<hbm>> -> memref<5120xi32, #tpu.memory_space<hbm>>
      tpu.enqueue_dma source(%dma_start3A_19 : memref<5120xi32, #tpu.memory_space<hbm>>) target(%arg7 : memref<5120xi32, #tpu.memory_space<vmem>>) target_semaphore(%run_scoped3A : memref<!tpu.dma_semaphore, #tpu.memory_space<semaphore_mem>>)
      %dma_wait3A = tpu.memref_slice %arg3[%mul3A_4] : memref<163840xi32, #tpu.memory_space<hbm>> -> memref<5120xi32, #tpu.memory_space<hbm>>
      %dma_wait3A_20 = tpu.memref_slice %arg3[%mul3A_4] : memref<163840xi32, #tpu.memory_space<hbm>> -> memref<5120xi32, #tpu.memory_space<hbm>>
      tpu.wait_dma2 semaphore(%run_scoped3A : memref<!tpu.dma_semaphore, #tpu.memory_space<semaphore_mem>>) src(%dma_wait3A_20 : memref<5120xi32, #tpu.memory_space<hbm>>) dst(%arg7 : memref<5120xi32, #tpu.memory_space<vmem>>)
      tpu.yield
    }) : () -> ()
    %scan3A = arith.constant 0 : i32
    %scan3A_5 = arith.constant 0 : i32
    %scan3A_6 = arith.constant 5120 : i32
    %scan3A_7 = arith.addi %scan3A_5, %scan3A_6 : i32
    %scan3A_8 = arith.constant 1 : i32
    scf.for %scan3A_19 = %scan3A_5 to %scan3A_7 step %scan3A_8  : i32 {
      %broadcast_in_dim3A_20 = arith.constant 0.000000e+00 : f32
      %broadcast_in_dim3A_21 = vector.broadcast %broadcast_in_dim3A_20 : f32 to vector<16xf32>
      %mul3A_22 = arith.constant 16 : i32
      %mul3A_23 = arith.muli %scan3A_19, %mul3A_22 : i32
      %swap3A = arith.index_cast %mul3A_23 : i32 to index
      %swap3A_24 = tpu.vector_load %arg9[%swap3A] {strides = array<i32>} : memref<81920xf32, #tpu.memory_space<vmem>>, vector<16xf32>,
      tpu.vector_store %arg9[%swap3A], %broadcast_in_dim3A_21 {strides = array<i32>} : memref<81920xf32, #tpu.memory_space<vmem>>, vector<16xf32>,
    }
    %scan3A_9 = arith.constant 5120 : i32
    %broadcast_in_dim3A = arith.constant 1.000000e+00 : f32
    %broadcast_in_dim3A_10 = vector.broadcast %broadcast_in_dim3A : f32 to vector<16xf32>
    %scan3A_11 = arith.constant 0 : i32
    %scan3A_12 = arith.constant 0 : i32
    %scan3A_13 = arith.constant 320 : i32
    %scan3A_14 = arith.addi %scan3A_12, %scan3A_13 : i32
    %scan3A_15 = arith.constant 1 : i32
    scf.for %scan3A_19 = %scan3A_12 to %scan3A_14 step %scan3A_15  : i32 {
      %mul3A_20 = arith.constant 16 : i32
      %mul3A_21 = arith.muli %scan3A_19, %mul3A_20 : i32
      %get3A = arith.index_cast %mul3A_21 : i32 to index
      %get3A_22 = tpu.vector_load %arg6[%get3A] {strides = array<i32>} : memref<5120xi32, #tpu.memory_space<vmem>>, vector<16xi32>,
      %mul3A_23 = arith.constant 16 : i32
      %mul3A_24 = arith.muli %scan3A_19, %mul3A_23 : i32
      %get3A_25 = arith.index_cast %mul3A_24 : i32 to index
      %get3A_26 = tpu.vector_load %arg7[%get3A_25] {strides = array<i32>} : memref<5120xi32, #tpu.memory_space<vmem>>, vector<16xi32>,
      %mul3A_27 = arith.constant 8 : i32
      %mul3A_28 = vector.broadcast %mul3A_27 : i32 to vector<16xi32>
      %mul3A_29 = arith.muli %get3A_22, %mul3A_28 : vector<16xi32>
      %add3A_30 = arith.addi %mul3A_29, %get3A_26 : vector<16xi32>
      %mul3A_31 = arith.constant 16 : i32
      %mul3A_32 = arith.muli %scan3A_19, %mul3A_31 : i32
      %swap3A = arith.index_cast %mul3A_32 : i32 to index
      %swap3A_33 = tpu.vector_load %arg8[%swap3A] {strides = array<i32>} : memref<5120xi32, #tpu.memory_space<vmem>>, vector<16xi32>,
      tpu.vector_store %arg8[%swap3A], %add3A_30 {strides = array<i32>} : memref<5120xi32, #tpu.memory_space<vmem>>, vector<16xi32>,
      tpu.vector_store_idx %arg9[%add3A_30], %broadcast_in_dim3A_10 {add = true} : memref<81920xf32, #tpu.memory_space<vmem>>[vector<16xi32>], vector<16xf32>,
    }
    %scan3A_16 = arith.constant 320 : i32
    %mul3A_17 = arith.constant 5120 : i32
    %mul3A_18 = arith.muli %add3A, %mul3A_17 : i32
    "tpu.region"() ({
      %run_scoped3A = tpu.sem_alloc : memref<!tpu.dma_semaphore, #tpu.memory_space<semaphore_mem>>
      %dma_start3A = tpu.memref_slice %arg5[%mul3A_18] : memref<163840xi32, #tpu.memory_space<hbm>> -> memref<5120xi32, #tpu.memory_space<hbm>>
      %dma_start3A_19 = tpu.memref_slice %arg5[%mul3A_18] : memref<163840xi32, #tpu.memory_space<hbm>> -> memref<5120xi32, #tpu.memory_space<hbm>>
      tpu.enqueue_dma source(%arg8 : memref<5120xi32, #tpu.memory_space<vmem>>) target(%dma_start3A_19 : memref<5120xi32, #tpu.memory_space<hbm>>) target_semaphore(%run_scoped3A : memref<!tpu.dma_semaphore, #tpu.memory_space<semaphore_mem>>)
      %dma_wait3A = tpu.memref_slice %arg5[%mul3A_18] : memref<163840xi32, #tpu.memory_space<hbm>> -> memref<5120xi32, #tpu.memory_space<hbm>>
      %dma_wait3A_20 = tpu.memref_slice %arg5[%mul3A_18] : memref<163840xi32, #tpu.memory_space<hbm>> -> memref<5120xi32, #tpu.memory_space<hbm>>
      tpu.wait_dma2 semaphore(%run_scoped3A : memref<!tpu.dma_semaphore, #tpu.memory_space<semaphore_mem>>) src(%arg8 : memref<5120xi32, #tpu.memory_space<vmem>>) dst(%dma_wait3A_20 : memref<5120xi32, #tpu.memory_space<hbm>>)
      tpu.yield
    }) : () -> ()
    "tpu.region"() ({
      %run_scoped3A = tpu.sem_alloc : memref<!tpu.dma_semaphore, #tpu.memory_space<semaphore_mem>>
      %dma_start3A = arith.constant 0 : i32
      %dma_start3A_19 = tpu.memref_slice %arg4[%add3A, %dma_start3A] : memref<32x81920xf32, #tpu.memory_space<hbm>> -> memref<1x81920xf32, #tpu.memory_space<hbm>>
      %dma_start3A_20 = tpu.memref_squeeze %dma_start3A_19 : memref<1x81920xf32, #tpu.memory_space<hbm>> -> memref<81920xf32, #tpu.memory_space<hbm>>
      %dma_start3A_21 = arith.constant 0 : i32
      %dma_start3A_22 = tpu.memref_slice %arg4[%add3A, %dma_start3A_21] : memref<32x81920xf32, #tpu.memory_space<hbm>> -> memref<1x81920xf32, #tpu.memory_space<hbm>>
      %dma_start3A_23 = tpu.memref_squeeze %dma_start3A_22 : memref<1x81920xf32, #tpu.memory_space<hbm>> -> memref<81920xf32, #tpu.memory_space<hbm>>
      tpu.enqueue_dma source(%arg9 : memref<81920xf32, #tpu.memory_space<vmem>>) target(%dma_start3A_23 : memref<81920xf32, #tpu.memory_space<hbm>>) target_semaphore(%run_scoped3A : memref<!tpu.dma_semaphore, #tpu.memory_space<semaphore_mem>>)
      %dma_wait3A = arith.constant 0 : i32
      %dma_wait3A_24 = tpu.memref_slice %arg4[%add3A, %dma_wait3A] : memref<32x81920xf32, #tpu.memory_space<hbm>> -> memref<1x81920xf32, #tpu.memory_space<hbm>>
      %dma_wait3A_25 = tpu.memref_squeeze %dma_wait3A_24 : memref<1x81920xf32, #tpu.memory_space<hbm>> -> memref<81920xf32, #tpu.memory_space<hbm>>
      %dma_wait3A_26 = arith.constant 0 : i32
      %dma_wait3A_27 = tpu.memref_slice %arg4[%add3A, %dma_wait3A_26] : memref<32x81920xf32, #tpu.memory_space<hbm>> -> memref<1x81920xf32, #tpu.memory_space<hbm>>
      %dma_wait3A_28 = tpu.memref_squeeze %dma_wait3A_27 : memref<1x81920xf32, #tpu.memory_space<hbm>> -> memref<81920xf32, #tpu.memory_space<hbm>>
      tpu.wait_dma2 semaphore(%run_scoped3A : memref<!tpu.dma_semaphore, #tpu.memory_space<semaphore_mem>>) src(%arg9 : memref<81920xf32, #tpu.memory_space<vmem>>) dst(%dma_wait3A_28 : memref<81920xf32, #tpu.memory_space<hbm>>)
      tpu.yield
    }) : () -> ()
    return
  }
}

#map = affine_map<(d0, d1) -> (0, 0)>
#map1 = affine_map<(d0, d1) -> (0)>
module attributes {stable_mosaic.version = 14 : i64} {
  func.func @reduce_k(%arg0: i32, %arg1: i32, %arg2: memref<32x81920xf32, #tpu.memory_space<hbm>>, %arg3: memref<81920xf32, #tpu.memory_space<hbm>>, %arg4: memref<2560xf32, #tpu.memory_space<vmem>>, %arg5: memref<2560xf32, #tpu.memory_space<vmem>>) attributes {dimension_semantics = [#tpu.dimension_semantics<core_parallel>, #tpu.dimension_semantics<subcore_parallel>], iteration_bounds = array<i64: 2, 16>, scalar_prefetch = 0 : i64, scratch_operands = 2 : i64, tpu.core_type = #tpu.core_type<sc_vector_subcore>, window_params = [{transform_indices = #map}, {transform_indices = #map1}]} {
    %mul3A = arith.constant 16 : i32
    %mul3A_0 = arith.muli %arg0, %mul3A : i32
    %add3A = arith.addi %mul3A_0, %arg1 : i32
    %scan3A = arith.constant 0 : i32
    %scan3A_1 = arith.constant 0 : i32
    %scan3A_2 = arith.constant 160 : i32
    %scan3A_3 = arith.addi %scan3A_1, %scan3A_2 : i32
    %scan3A_4 = arith.constant 1 : i32
    scf.for %scan3A_14 = %scan3A_1 to %scan3A_3 step %scan3A_4  : i32 {
      %broadcast_in_dim3A = arith.constant 0.000000e+00 : f32
      %broadcast_in_dim3A_15 = vector.broadcast %broadcast_in_dim3A : f32 to vector<16xf32>
      %mul3A_16 = arith.constant 16 : i32
      %mul3A_17 = arith.muli %scan3A_14, %mul3A_16 : i32
      %swap3A = arith.index_cast %mul3A_17 : i32 to index
      %swap3A_18 = tpu.vector_load %arg4[%swap3A] {strides = array<i32>} : memref<2560xf32, #tpu.memory_space<vmem>>, vector<16xf32>,
      tpu.vector_store %arg4[%swap3A], %broadcast_in_dim3A_15 {strides = array<i32>} : memref<2560xf32, #tpu.memory_space<vmem>>, vector<16xf32>,
    }
    %scan3A_5 = arith.constant 160 : i32
    %scan3A_6 = arith.constant 0 : i32
    %scan3A_7 = arith.constant 0 : i32
    %scan3A_8 = arith.constant 32 : i32
    %scan3A_9 = arith.addi %scan3A_7, %scan3A_8 : i32
    %scan3A_10 = arith.constant 1 : i32
    scf.for %scan3A_14 = %scan3A_7 to %scan3A_9 step %scan3A_10  : i32 {
      %mul3A_15 = arith.constant 2560 : i32
      %mul3A_16 = arith.muli %add3A, %mul3A_15 : i32
      "tpu.region"() ({
        %run_scoped3A = tpu.sem_alloc : memref<!tpu.dma_semaphore, #tpu.memory_space<semaphore_mem>>
        %dma_start3A = tpu.memref_slice %arg2[%scan3A_14, %mul3A_16] : memref<32x81920xf32, #tpu.memory_space<hbm>> -> memref<1x2560xf32, #tpu.memory_space<hbm>>
        %dma_start3A_23 = tpu.memref_squeeze %dma_start3A : memref<1x2560xf32, #tpu.memory_space<hbm>> -> memref<2560xf32, #tpu.memory_space<hbm>>
        %dma_start3A_24 = tpu.memref_slice %arg2[%scan3A_14, %mul3A_16] : memref<32x81920xf32, #tpu.memory_space<hbm>> -> memref<1x2560xf32, #tpu.memory_space<hbm>>
        %dma_start3A_25 = tpu.memref_squeeze %dma_start3A_24 : memref<1x2560xf32, #tpu.memory_space<hbm>> -> memref<2560xf32, #tpu.memory_space<hbm>>
        tpu.enqueue_dma source(%dma_start3A_25 : memref<2560xf32, #tpu.memory_space<hbm>>) target(%arg5 : memref<2560xf32, #tpu.memory_space<vmem>>) target_semaphore(%run_scoped3A : memref<!tpu.dma_semaphore, #tpu.memory_space<semaphore_mem>>)
        %dma_wait3A = tpu.memref_slice %arg2[%scan3A_14, %mul3A_16] : memref<32x81920xf32, #tpu.memory_space<hbm>> -> memref<1x2560xf32, #tpu.memory_space<hbm>>
        %dma_wait3A_26 = tpu.memref_squeeze %dma_wait3A : memref<1x2560xf32, #tpu.memory_space<hbm>> -> memref<2560xf32, #tpu.memory_space<hbm>>
        %dma_wait3A_27 = tpu.memref_slice %arg2[%scan3A_14, %mul3A_16] : memref<32x81920xf32, #tpu.memory_space<hbm>> -> memref<1x2560xf32, #tpu.memory_space<hbm>>
        %dma_wait3A_28 = tpu.memref_squeeze %dma_wait3A_27 : memref<1x2560xf32, #tpu.memory_space<hbm>> -> memref<2560xf32, #tpu.memory_space<hbm>>
        tpu.wait_dma2 semaphore(%run_scoped3A : memref<!tpu.dma_semaphore, #tpu.memory_space<semaphore_mem>>) src(%dma_wait3A_28 : memref<2560xf32, #tpu.memory_space<hbm>>) dst(%arg5 : memref<2560xf32, #tpu.memory_space<vmem>>)
        tpu.yield
      }) : () -> ()
      %scan3A_17 = arith.constant 0 : i32
      %scan3A_18 = arith.constant 0 : i32
      %scan3A_19 = arith.constant 160 : i32
      %scan3A_20 = arith.addi %scan3A_18, %scan3A_19 : i32
      %scan3A_21 = arith.constant 1 : i32
      scf.for %scan3A_23 = %scan3A_18 to %scan3A_20 step %scan3A_21  : i32 {
        %mul3A_24 = arith.constant 16 : i32
        %mul3A_25 = arith.muli %scan3A_23, %mul3A_24 : i32
        %get3A = arith.index_cast %mul3A_25 : i32 to index
        %get3A_26 = tpu.vector_load %arg4[%get3A] {strides = array<i32>} : memref<2560xf32, #tpu.memory_space<vmem>>, vector<16xf32>,
        %get3A_27 = arith.index_cast %mul3A_25 : i32 to index
        %get3A_28 = tpu.vector_load %arg5[%get3A_27] {strides = array<i32>} : memref<2560xf32, #tpu.memory_space<vmem>>, vector<16xf32>,
        %add3A_29 = arith.addf %get3A_26, %get3A_28 : vector<16xf32>
        %swap3A = arith.index_cast %mul3A_25 : i32 to index
        %swap3A_30 = tpu.vector_load %arg4[%swap3A] {strides = array<i32>} : memref<2560xf32, #tpu.memory_space<vmem>>, vector<16xf32>,
        tpu.vector_store %arg4[%swap3A], %add3A_29 {strides = array<i32>} : memref<2560xf32, #tpu.memory_space<vmem>>, vector<16xf32>,
      }
      %scan3A_22 = arith.constant 160 : i32
    }
    %scan3A_11 = arith.constant 32 : i32
    %mul3A_12 = arith.constant 2560 : i32
    %mul3A_13 = arith.muli %add3A, %mul3A_12 : i32
    "tpu.region"() ({
      %run_scoped3A = tpu.sem_alloc : memref<!tpu.dma_semaphore, #tpu.memory_space<semaphore_mem>>
      %dma_start3A = tpu.memref_slice %arg3[%mul3A_13] : memref<81920xf32, #tpu.memory_space<hbm>> -> memref<2560xf32, #tpu.memory_space<hbm>>
      %dma_start3A_14 = tpu.memref_slice %arg3[%mul3A_13] : memref<81920xf32, #tpu.memory_space<hbm>> -> memref<2560xf32, #tpu.memory_space<hbm>>
      tpu.enqueue_dma source(%arg4 : memref<2560xf32, #tpu.memory_space<vmem>>) target(%dma_start3A_14 : memref<2560xf32, #tpu.memory_space<hbm>>) target_semaphore(%run_scoped3A : memref<!tpu.dma_semaphore, #tpu.memory_space<semaphore_mem>>)
      %dma_wait3A = tpu.memref_slice %arg3[%mul3A_13] : memref<81920xf32, #tpu.memory_space<hbm>> -> memref<2560xf32, #tpu.memory_space<hbm>>
      %dma_wait3A_15 = tpu.memref_slice %arg3[%mul3A_13] : memref<81920xf32, #tpu.memory_space<hbm>> -> memref<2560xf32, #tpu.memory_space<hbm>>
      tpu.wait_dma2 semaphore(%run_scoped3A : memref<!tpu.dma_semaphore, #tpu.memory_space<semaphore_mem>>) src(%arg4 : memref<2560xf32, #tpu.memory_space<vmem>>) dst(%dma_wait3A_15 : memref<2560xf32, #tpu.memory_space<hbm>>)
      tpu.yield
    }) : () -> ()
    return
  }
}

#map = affine_map<(d0, d1) -> (0, 0)>
#map1 = affine_map<(d0, d1) -> (0)>
module attributes {stable_mosaic.version = 14 : i64} {
  func.func @sums_k(%arg0: i32, %arg1: i32, %arg2: memref<10000x512xf32, #tpu.memory_space<hbm>>, %arg3: memref<163840xi32, #tpu.memory_space<hbm>>, %arg4: memref<163840xi32, #tpu.memory_space<hbm>>, %arg5: memref<120x512xf32, #tpu.memory_space<hbm>>, %arg6: memref<82432x512xf32, #tpu.memory_space<hbm>>, %arg7: memref<8192xi32, #tpu.memory_space<vmem>>, %arg8: memref<8288xi32, #tpu.memory_space<vmem>>, %arg9: memref<64xi32, #tpu.memory_space<vmem>>, %arg10: memref<64xi32, #tpu.memory_space<vmem>>, %arg11: memref<64x512xf32, #tpu.memory_space<vmem>>, %arg12: memref<120x512xf32, #tpu.memory_space<vmem>>) attributes {dimension_semantics = [#tpu.dimension_semantics<core_parallel>, #tpu.dimension_semantics<subcore_parallel>], iteration_bounds = array<i64: 2, 16>, scalar_prefetch = 0 : i64, scratch_operands = 6 : i64, tpu.core_type = #tpu.core_type<sc_vector_subcore>, window_params = [{transform_indices = #map}, {transform_indices = #map1}, {transform_indices = #map1}, {transform_indices = #map}, {transform_indices = #map}]} {
    %mul3A = arith.constant 16 : i32
    %mul3A_0 = arith.muli %arg0, %mul3A : i32
    %add3A = arith.addi %mul3A_0, %arg1 : i32
    %iota3A = tpu.iota {dimensions = array<i32: 0>} : vector<16xi32>
    %scan3A = arith.constant 0 : i32
    %scan3A_1 = arith.constant 0 : i32
    %scan3A_2 = arith.constant 23 : i32
    %scan3A_3 = arith.addi %scan3A_1, %scan3A_2 : i32
    %scan3A_4 = arith.constant 1 : i32
    scf.for %scan3A_6 = %scan3A_1 to %scan3A_3 step %scan3A_4  : i32 {
      %mul3A_7 = arith.constant 32 : i32
      %mul3A_8 = arith.muli %scan3A_6, %mul3A_7 : i32
      %add3A_9 = arith.addi %mul3A_8, %add3A : i32
      %mul3A_10 = arith.constant 112 : i32
      %mul3A_11 = arith.muli %add3A_9, %mul3A_10 : i32
      "tpu.region"() ({
        %run_scoped3A = tpu.sem_alloc : memref<!tpu.dma_semaphore, #tpu.memory_space<semaphore_mem>>
        tpu.enqueue_dma source(%arg5 : memref<120x512xf32, #tpu.memory_space<hbm>>) target(%arg12 : memref<120x512xf32, #tpu.memory_space<vmem>>) target_semaphore(%run_scoped3A : memref<!tpu.dma_semaphore, #tpu.memory_space<semaphore_mem>>)
        tpu.wait_dma2 semaphore(%run_scoped3A : memref<!tpu.dma_semaphore, #tpu.memory_space<semaphore_mem>>) src(%arg5 : memref<120x512xf32, #tpu.memory_space<hbm>>) dst(%arg12 : memref<120x512xf32, #tpu.memory_space<vmem>>)
        tpu.yield
      }) : () -> ()
      %scan3A_12 = arith.constant 0 : i32
      %scan3A_13 = arith.constant 0 : i32
      %scan3A_14 = arith.constant 20 : i32
      %scan3A_15 = arith.addi %scan3A_13, %scan3A_14 : i32
      %scan3A_16 = arith.constant 1 : i32
      scf.for %scan3A_18 = %scan3A_13 to %scan3A_15 step %scan3A_16  : i32 {
        %mul3A_19 = arith.constant 8192 : i32
        %mul3A_20 = arith.muli %scan3A_18, %mul3A_19 : i32
        "tpu.region"() ({
          %run_scoped3A = tpu.sem_alloc : memref<!tpu.dma_semaphore, #tpu.memory_space<semaphore_mem>>
          %dma_start3A = tpu.memref_slice %arg4[%mul3A_20] : memref<163840xi32, #tpu.memory_space<hbm>> -> memref<8192xi32, #tpu.memory_space<hbm>>
          %dma_start3A_107 = tpu.memref_slice %arg4[%mul3A_20] : memref<163840xi32, #tpu.memory_space<hbm>> -> memref<8192xi32, #tpu.memory_space<hbm>>
          tpu.enqueue_dma source(%dma_start3A_107 : memref<8192xi32, #tpu.memory_space<hbm>>) target(%arg7 : memref<8192xi32, #tpu.memory_space<vmem>>) target_semaphore(%run_scoped3A : memref<!tpu.dma_semaphore, #tpu.memory_space<semaphore_mem>>)
          %dma_wait3A = tpu.memref_slice %arg4[%mul3A_20] : memref<163840xi32, #tpu.memory_space<hbm>> -> memref<8192xi32, #tpu.memory_space<hbm>>
          %dma_wait3A_108 = tpu.memref_slice %arg4[%mul3A_20] : memref<163840xi32, #tpu.memory_space<hbm>> -> memref<8192xi32, #tpu.memory_space<hbm>>
          tpu.wait_dma2 semaphore(%run_scoped3A : memref<!tpu.dma_semaphore, #tpu.memory_space<semaphore_mem>>) src(%dma_wait3A_108 : memref<8192xi32, #tpu.memory_space<hbm>>) dst(%arg7 : memref<8192xi32, #tpu.memory_space<vmem>>)
          tpu.yield
        }) : () -> ()
        %scan3A_21 = arith.constant 0 : i32
        %scan3A_22 = arith.constant 0 : i32
        %scan3A_23 = arith.constant 512 : i32
        %scan3A_24 = arith.addi %scan3A_22, %scan3A_23 : i32
        %scan3A_25 = arith.constant 1 : i32
        %scan3A_26 = scf.for %scan3A_107 = %scan3A_22 to %scan3A_24 step %scan3A_25 iter_args(%scan3A_108 = %scan3A_21) -> (i32)  : i32 {
          %mul3A_109 = arith.constant 16 : i32
          %mul3A_110 = arith.muli %scan3A_107, %mul3A_109 : i32
          %get3A = arith.index_cast %mul3A_110 : i32 to index
          %get3A_111 = tpu.vector_load %arg7[%get3A] {strides = array<i32>} : memref<8192xi32, #tpu.memory_space<vmem>>, vector<16xi32>,
          %ge3A = vector.broadcast %mul3A_11 : i32 to vector<16xi32>
          %ge3A_112 = arith.cmpi sge, %get3A_111, %ge3A : vector<16xi32>
          %add3A_113 = arith.constant 112 : i32
          %add3A_114 = arith.addi %mul3A_11, %add3A_113 : i32
          %lt3A_115 = vector.broadcast %add3A_114 : i32 to vector<16xi32>
          %lt3A_116 = arith.cmpi slt, %get3A_111, %lt3A_115 : vector<16xi32>
          %and3A_117 = arith.andi %ge3A_112, %lt3A_116 : vector<16xi1>
          %convert_element_type3A = arith.extui %and3A_117 : vector<16xi1> to vector<16xi32>
          %broadcast_in_dim3A_118 = arith.constant true
          %broadcast_in_dim3A_119 = vector.broadcast %broadcast_in_dim3A_118 : i1 to vector<16xi1>
          %masked_cumsum3A = tpu.scan <sum>, %convert_element_type3A masked %broadcast_in_dim3A_119 : vector<16xi32>, vector<16xi1> -> vector<16xi32>
          %add3A_120 = vector.broadcast %scan3A_108 : i32 to vector<16xi32>
          %add3A_121 = arith.addi %add3A_120, %masked_cumsum3A : vector<16xi32>
          %sub3A_122 = arith.subi %add3A_121, %convert_element_type3A : vector<16xi32>
          %mul3A_123 = arith.constant 8192 : i32
          %mul3A_124 = arith.muli %scan3A_18, %mul3A_123 : i32
          %mul3A_125 = arith.constant 16 : i32
          %mul3A_126 = arith.muli %scan3A_107, %mul3A_125 : i32
          %add3A_127 = arith.addi %mul3A_124, %mul3A_126 : i32
          %add3A_128 = vector.broadcast %add3A_127 : i32 to vector<16xi32>
          %add3A_129 = arith.addi %add3A_128, %iota3A : vector<16xi32>
          tpu.vector_store_idx %arg8[%sub3A_122], %add3A_129 masked %and3A_117 : memref<8288xi32, #tpu.memory_space<vmem>>[vector<16xi32>], vector<16xi32>, vector<16xi1>
          %reduce_sum3A = arith.constant true
          %reduce_sum3A_130 = vector.broadcast %reduce_sum3A : i1 to vector<16xi1>
          %reduce_sum3A_131 = tpu.scan <sum>, %convert_element_type3A masked %reduce_sum3A_130 : vector<16xi32>, vector<16xi1> -> vector<16xi32>
          %reduce_sum3A_132 = vector.extract %reduce_sum3A_131[15] : i32 from vector<16xi32>
          %add3A_133 = arith.addi %scan3A_108, %reduce_sum3A_132 : i32
          scf.yield %add3A_133 : i32
        }
        %scan3A_27 = arith.constant 512 : i32
        %add3A_28 = arith.constant 16 : i32
        %add3A_29 = arith.addi %scan3A_26, %add3A_28 : i32
        %add3A_30 = arith.constant 64 : i32
        %add3A_31 = arith.addi %add3A_29, %add3A_30 : i32
        %sub3A = arith.constant 1 : i32
        %sub3A_32 = arith.subi %add3A_31, %sub3A : i32
        %jit3A = arith.constant 64 : i32
        %div3A = arith.divsi %sub3A_32, %jit3A : i32
        %sign3A = arith.constant 0 : i32
        %sign3A_33 = arith.cmpi sgt, %sub3A_32, %sign3A : i32
        %sign3A_34 = arith.extui %sign3A_33 : i1 to i32
        %sign3A_35 = arith.constant 0 : i32
        %sign3A_36 = arith.cmpi slt, %sub3A_32, %sign3A_35 : i32
        %sign3A_37 = arith.extui %sign3A_36 : i1 to i32
        %sign3A_38 = arith.subi %sign3A_34, %sign3A_37 : i32
        %sign3A_39 = arith.constant 0 : i32
        %sign3A_40 = arith.cmpi sgt, %jit3A, %sign3A_39 : i32
        %sign3A_41 = arith.extui %sign3A_40 : i1 to i32
        %sign3A_42 = arith.constant 0 : i32
        %sign3A_43 = arith.cmpi slt, %jit3A, %sign3A_42 : i32
        %sign3A_44 = arith.extui %sign3A_43 : i1 to i32
        %sign3A_45 = arith.subi %sign3A_41, %sign3A_44 : i32
        %ne3A = arith.cmpi ne, %sign3A_38, %sign3A_45 : i32
        %rem3A = arith.remsi %sub3A_32, %jit3A : i32
        %ne3A_46 = arith.constant 0 : i32
        %ne3A_47 = arith.cmpi ne, %rem3A, %ne3A_46 : i32
        %and3A = arith.andi %ne3A, %ne3A_47 : i1
        %sub3A_48 = arith.constant 1 : i32
        %sub3A_49 = arith.subi %div3A, %sub3A_48 : i32
        %select_n3A = arith.select %and3A, %sub3A_49, %div3A : i32
        %add3A_50 = arith.constant 0 : i32
        %add3A_51 = arith.addi %scan3A_26, %add3A_50 : i32
        %add3A_52 = vector.broadcast %add3A_51 : i32 to vector<16xi32>
        %add3A_53 = arith.addi %add3A_52, %iota3A : vector<16xi32>
        %broadcast_in_dim3A = arith.constant 163839 : i32
        %broadcast_in_dim3A_54 = vector.broadcast %broadcast_in_dim3A : i32 to vector<16xi32>
        %mul3A_55 = arith.constant 64 : i32
        %mul3A_56 = arith.muli %select_n3A, %mul3A_55 : i32
        %lt3A = vector.broadcast %mul3A_56 : i32 to vector<16xi32>
        %lt3A_57 = arith.cmpi slt, %add3A_53, %lt3A : vector<16xi32>
        tpu.vector_store_idx %arg8[%add3A_53], %broadcast_in_dim3A_54 masked %lt3A_57 : memref<8288xi32, #tpu.memory_space<vmem>>[vector<16xi32>], vector<16xi32>, vector<16xi1>
        %add3A_58 = arith.constant 16 : i32
        %add3A_59 = arith.addi %scan3A_26, %add3A_58 : i32
        %add3A_60 = vector.broadcast %add3A_59 : i32 to vector<16xi32>
        %add3A_61 = arith.addi %add3A_60, %iota3A : vector<16xi32>
        %broadcast_in_dim3A_62 = arith.constant 163839 : i32
        %broadcast_in_dim3A_63 = vector.broadcast %broadcast_in_dim3A_62 : i32 to vector<16xi32>
        %mul3A_64 = arith.constant 64 : i32
        %mul3A_65 = arith.muli %select_n3A, %mul3A_64 : i32
        %lt3A_66 = vector.broadcast %mul3A_65 : i32 to vector<16xi32>
        %lt3A_67 = arith.cmpi slt, %add3A_61, %lt3A_66 : vector<16xi32>
        tpu.vector_store_idx %arg8[%add3A_61], %broadcast_in_dim3A_63 masked %lt3A_67 : memref<8288xi32, #tpu.memory_space<vmem>>[vector<16xi32>], vector<16xi32>, vector<16xi1>
        %add3A_68 = arith.constant 32 : i32
        %add3A_69 = arith.addi %scan3A_26, %add3A_68 : i32
        %add3A_70 = vector.broadcast %add3A_69 : i32 to vector<16xi32>
        %add3A_71 = arith.addi %add3A_70, %iota3A : vector<16xi32>
        %broadcast_in_dim3A_72 = arith.constant 163839 : i32
        %broadcast_in_dim3A_73 = vector.broadcast %broadcast_in_dim3A_72 : i32 to vector<16xi32>
        %mul3A_74 = arith.constant 64 : i32
        %mul3A_75 = arith.muli %select_n3A, %mul3A_74 : i32
        %lt3A_76 = vector.broadcast %mul3A_75 : i32 to vector<16xi32>
        %lt3A_77 = arith.cmpi slt, %add3A_71, %lt3A_76 : vector<16xi32>
        tpu.vector_store_idx %arg8[%add3A_71], %broadcast_in_dim3A_73 masked %lt3A_77 : memref<8288xi32, #tpu.memory_space<vmem>>[vector<16xi32>], vector<16xi32>, vector<16xi1>
        %add3A_78 = arith.constant 48 : i32
        %add3A_79 = arith.addi %scan3A_26, %add3A_78 : i32
        %add3A_80 = vector.broadcast %add3A_79 : i32 to vector<16xi32>
        %add3A_81 = arith.addi %add3A_80, %iota3A : vector<16xi32>
        %broadcast_in_dim3A_82 = arith.constant 163839 : i32
        %broadcast_in_dim3A_83 = vector.broadcast %broadcast_in_dim3A_82 : i32 to vector<16xi32>
        %mul3A_84 = arith.constant 64 : i32
        %mul3A_85 = arith.muli %select_n3A, %mul3A_84 : i32
        %lt3A_86 = vector.broadcast %mul3A_85 : i32 to vector<16xi32>
        %lt3A_87 = arith.cmpi slt, %add3A_81, %lt3A_86 : vector<16xi32>
        tpu.vector_store_idx %arg8[%add3A_81], %broadcast_in_dim3A_83 masked %lt3A_87 : memref<8288xi32, #tpu.memory_space<vmem>>[vector<16xi32>], vector<16xi32>, vector<16xi1>
        %add3A_88 = arith.constant 64 : i32
        %add3A_89 = arith.addi %scan3A_26, %add3A_88 : i32
        %add3A_90 = vector.broadcast %add3A_89 : i32 to vector<16xi32>
        %add3A_91 = arith.addi %add3A_90, %iota3A : vector<16xi32>
        %broadcast_in_dim3A_92 = arith.constant 163839 : i32
        %broadcast_in_dim3A_93 = vector.broadcast %broadcast_in_dim3A_92 : i32 to vector<16xi32>
        %mul3A_94 = arith.constant 64 : i32
        %mul3A_95 = arith.muli %select_n3A, %mul3A_94 : i32
        %lt3A_96 = vector.broadcast %mul3A_95 : i32 to vector<16xi32>
        %lt3A_97 = arith.cmpi slt, %add3A_91, %lt3A_96 : vector<16xi32>
        tpu.vector_store_idx %arg8[%add3A_91], %broadcast_in_dim3A_93 masked %lt3A_97 : memref<8288xi32, #tpu.memory_space<vmem>>[vector<16xi32>], vector<16xi32>, vector<16xi1>
        %while3A = arith.constant 0 : i32
        %while3A_98 = arith.constant 0 : i32
        %while3A_99 = arith.subi %select_n3A, %while3A_98 : i32
        %while3A_100 = arith.addi %while3A_98, %while3A_99 : i32
        %while3A_101 = arith.constant 1 : i32
        %while3A_102 = arith.divsi %while3A_99, %while3A_101 : i32
        %while3A_103 = arith.muli %while3A_102, %while3A_101 : i32
        %while3A_104 = arith.addi %while3A_98, %while3A_103 : i32
        %while3A_105 = arith.constant 1 : i32
        scf.for %while3A_107 = %while3A_98 to %while3A_104 step %while3A_105  : i32 {
          %mul3A_108 = arith.constant 64 : i32
          %mul3A_109 = arith.muli %while3A_107, %mul3A_108 : i32
          "tpu.region"() ({
            %run_scoped3A = tpu.sem_alloc : memref<!tpu.dma_semaphore, #tpu.memory_space<semaphore_mem>>
            %dma_start3A = tpu.memref_slice %arg8[%mul3A_109] : memref<8288xi32, #tpu.memory_space<vmem>> -> memref<64xi32, #tpu.memory_space<vmem>>
            %dma_start3A_200 = arith.constant 0 : i32
            %dma_start3A_201 = tpu.memref_slice %arg3[%dma_start3A_200] : memref<163840xi32, #tpu.memory_space<hbm>> -> memref<163840xi32, #tpu.memory_space<hbm>>
            tpu.enqueue_indirect_dma source(%dma_start3A_201 : memref<163840xi32, #tpu.memory_space<hbm>>) target(%arg9 : memref<64xi32, #tpu.memory_space<vmem>>) offsets(%dma_start3A : memref<64xi32, #tpu.memory_space<vmem>>) semaphore(%run_scoped3A : memref<!tpu.dma_semaphore, #tpu.memory_space<semaphore_mem>>)
            %dma_wait3A = tpu.memref_slice %arg8[%mul3A_109] : memref<8288xi32, #tpu.memory_space<vmem>> -> memref<64xi32, #tpu.memory_space<vmem>>
            %dma_wait3A_202 = arith.constant 0 : i32
            %dma_wait3A_203 = tpu.memref_slice %arg3[%dma_wait3A_202] : memref<163840xi32, #tpu.memory_space<hbm>> -> memref<163840xi32, #tpu.memory_space<hbm>>
            tpu.wait_indirect_dma semaphore(%run_scoped3A : memref<!tpu.dma_semaphore, #tpu.memory_space<semaphore_mem>>) src(%dma_wait3A_203 : memref<163840xi32, #tpu.memory_space<hbm>>) dst(%arg9 : memref<64xi32, #tpu.memory_space<vmem>>)
            tpu.yield
          }) : () -> ()
          "tpu.region"() ({
            %run_scoped3A = tpu.sem_alloc : memref<!tpu.dma_semaphore, #tpu.memory_space<semaphore_mem>>
            %dma_start3A = tpu.memref_slice %arg8[%mul3A_109] : memref<8288xi32, #tpu.memory_space<vmem>> -> memref<64xi32, #tpu.memory_space<vmem>>
            %dma_start3A_200 = arith.constant 0 : i32
            %dma_start3A_201 = tpu.memref_slice %arg4[%dma_start3A_200] : memref<163840xi32, #tpu.memory_space<hbm>> -> memref<163840xi32, #tpu.memory_space<hbm>>
            tpu.enqueue_indirect_dma source(%dma_start3A_201 : memref<163840xi32, #tpu.memory_space<hbm>>) target(%arg10 : memref<64xi32, #tpu.memory_space<vmem>>) offsets(%dma_start3A : memref<64xi32, #tpu.memory_space<vmem>>) semaphore(%run_scoped3A : memref<!tpu.dma_semaphore, #tpu.memory_space<semaphore_mem>>)
            %dma_wait3A = tpu.memref_slice %arg8[%mul3A_109] : memref<8288xi32, #tpu.memory_space<vmem>> -> memref<64xi32, #tpu.memory_space<vmem>>
            %dma_wait3A_202 = arith.constant 0 : i32
            %dma_wait3A_203 = tpu.memref_slice %arg4[%dma_wait3A_202] : memref<163840xi32, #tpu.memory_space<hbm>> -> memref<163840xi32, #tpu.memory_space<hbm>>
            tpu.wait_indirect_dma semaphore(%run_scoped3A : memref<!tpu.dma_semaphore, #tpu.memory_space<semaphore_mem>>) src(%dma_wait3A_203 : memref<163840xi32, #tpu.memory_space<hbm>>) dst(%arg10 : memref<64xi32, #tpu.memory_space<vmem>>)
            tpu.yield
          }) : () -> ()
          "tpu.region"() ({
            %run_scoped3A = tpu.sem_alloc : memref<!tpu.dma_semaphore, #tpu.memory_space<semaphore_mem>>
            %dma_start3A = arith.constant 0 : i32
            %dma_start3A_200 = arith.constant 0 : i32
            %dma_start3A_201 = tpu.memref_slice %arg2[%dma_start3A, %dma_start3A_200] : memref<10000x512xf32, #tpu.memory_space<hbm>> -> memref<10000x512xf32, #tpu.memory_space<hbm>>
            tpu.enqueue_indirect_dma source(%dma_start3A_201 : memref<10000x512xf32, #tpu.memory_space<hbm>>) target(%arg11 : memref<64x512xf32, #tpu.memory_space<vmem>>) offsets(%arg9 : memref<64xi32, #tpu.memory_space<vmem>>) semaphore(%run_scoped3A : memref<!tpu.dma_semaphore, #tpu.memory_space<semaphore_mem>>)
            %dma_wait3A = arith.constant 0 : i32
            %dma_wait3A_202 = arith.constant 0 : i32
            %dma_wait3A_203 = tpu.memref_slice %arg2[%dma_wait3A, %dma_wait3A_202] : memref<10000x512xf32, #tpu.memory_space<hbm>> -> memref<10000x512xf32, #tpu.memory_space<hbm>>
            tpu.wait_indirect_dma semaphore(%run_scoped3A : memref<!tpu.dma_semaphore, #tpu.memory_space<semaphore_mem>>) src(%dma_wait3A_203 : memref<10000x512xf32, #tpu.memory_space<hbm>>) dst(%arg11 : memref<64x512xf32, #tpu.memory_space<vmem>>)
            tpu.yield
          }) : () -> ()
          %get3A = arith.constant 0 : index
          %get3A_110 = tpu.vector_load %arg10[%get3A] {strides = array<i32>} : memref<64xi32, #tpu.memory_space<vmem>>, vector<16xi32>,
          %ge3A = vector.broadcast %mul3A_11 : i32 to vector<16xi32>
          %ge3A_111 = arith.cmpi sge, %get3A_110, %ge3A : vector<16xi32>
          %add3A_112 = arith.constant 112 : i32
          %add3A_113 = arith.addi %mul3A_11, %add3A_112 : i32
          %lt3A_114 = vector.broadcast %add3A_113 : i32 to vector<16xi32>
          %lt3A_115 = arith.cmpi slt, %get3A_110, %lt3A_114 : vector<16xi32>
          %and3A_116 = arith.andi %ge3A_111, %lt3A_115 : vector<16xi1>
          %sub3A_117 = vector.broadcast %mul3A_11 : i32 to vector<16xi32>
          %sub3A_118 = arith.subi %get3A_110, %sub3A_117 : vector<16xi32>
          %jit3A_119 = arith.constant 112 : i32
          %broadcast_in_dim3A_120 = vector.broadcast %jit3A_119 : i32 to vector<16xi32>
          %select_n3A_121 = arith.select %and3A_116, %sub3A_118, %broadcast_in_dim3A_120 : vector<16xi1>, vector<16xi32>
          %add3A_122 = arith.constant 0 : i32
          %add3A_123 = vector.broadcast %add3A_122 : i32 to vector<16xi32>
          %add3A_124 = arith.addi %add3A_123, %iota3A : vector<16xi32>
          %scan3A_125 = arith.constant 0 : i32
          %scan3A_126 = arith.constant 0 : i32
          %scan3A_127 = arith.constant 512 : i32
          %scan3A_128 = arith.addi %scan3A_126, %scan3A_127 : i32
          %scan3A_129 = arith.constant 1 : i32
          scf.for %scan3A_200 = %scan3A_126 to %scan3A_128 step %scan3A_129  : i32 {
            %broadcast_in_dim3A_201 = arith.constant 0 : i32
            %broadcast_in_dim3A_202 = vector.broadcast %broadcast_in_dim3A_201 : i32 to vector<16xi32>
            %add3A_203 = vector.broadcast %scan3A_200 : i32 to vector<16xi32>
            %add3A_204 = arith.addi %broadcast_in_dim3A_202, %add3A_203 : vector<16xi32>
            %gather3A = tpu.vector_load_idx %arg11[%add3A_124, %add3A_204] : memref<64x512xf32, #tpu.memory_space<vmem>>[vector<16xi32>, vector<16xi32>], vector<16xf32>,
            tpu.vector_store_idx %arg12[%select_n3A_121, %add3A_204], %gather3A masked %and3A_116 {add = true} : memref<120x512xf32, #tpu.memory_space<vmem>>[vector<16xi32>, vector<16xi32>], vector<16xf32>, vector<16xi1>
          }
          %scan3A_130 = arith.constant 512 : i32
          %get3A_131 = arith.constant 16 : index
          %get3A_132 = tpu.vector_load %arg10[%get3A_131] {strides = array<i32>} : memref<64xi32, #tpu.memory_space<vmem>>, vector<16xi32>,
          %ge3A_133 = vector.broadcast %mul3A_11 : i32 to vector<16xi32>
          %ge3A_134 = arith.cmpi sge, %get3A_132, %ge3A_133 : vector<16xi32>
          %add3A_135 = arith.constant 112 : i32
          %add3A_136 = arith.addi %mul3A_11, %add3A_135 : i32
          %lt3A_137 = vector.broadcast %add3A_136 : i32 to vector<16xi32>
          %lt3A_138 = arith.cmpi slt, %get3A_132, %lt3A_137 : vector<16xi32>
          %and3A_139 = arith.andi %ge3A_134, %lt3A_138 : vector<16xi1>
          %sub3A_140 = vector.broadcast %mul3A_11 : i32 to vector<16xi32>
          %sub3A_141 = arith.subi %get3A_132, %sub3A_140 : vector<16xi32>
          %jit3A_142 = arith.constant 112 : i32
          %broadcast_in_dim3A_143 = vector.broadcast %jit3A_142 : i32 to vector<16xi32>
          %select_n3A_144 = arith.select %and3A_139, %sub3A_141, %broadcast_in_dim3A_143 : vector<16xi1>, vector<16xi32>
          %add3A_145 = arith.constant 16 : i32
          %add3A_146 = vector.broadcast %add3A_145 : i32 to vector<16xi32>
          %add3A_147 = arith.addi %add3A_146, %iota3A : vector<16xi32>
          %scan3A_148 = arith.constant 0 : i32
          %scan3A_149 = arith.constant 0 : i32
          %scan3A_150 = arith.constant 512 : i32
          %scan3A_151 = arith.addi %scan3A_149, %scan3A_150 : i32
          %scan3A_152 = arith.constant 1 : i32
          scf.for %scan3A_200 = %scan3A_149 to %scan3A_151 step %scan3A_152  : i32 {
            %broadcast_in_dim3A_201 = arith.constant 0 : i32
            %broadcast_in_dim3A_202 = vector.broadcast %broadcast_in_dim3A_201 : i32 to vector<16xi32>
            %add3A_203 = vector.broadcast %scan3A_200 : i32 to vector<16xi32>
            %add3A_204 = arith.addi %broadcast_in_dim3A_202, %add3A_203 : vector<16xi32>
            %gather3A = tpu.vector_load_idx %arg11[%add3A_147, %add3A_204] : memref<64x512xf32, #tpu.memory_space<vmem>>[vector<16xi32>, vector<16xi32>], vector<16xf32>,
            tpu.vector_store_idx %arg12[%select_n3A_144, %add3A_204], %gather3A masked %and3A_139 {add = true} : memref<120x512xf32, #tpu.memory_space<vmem>>[vector<16xi32>, vector<16xi32>], vector<16xf32>, vector<16xi1>
          }
          %scan3A_153 = arith.constant 512 : i32
          %get3A_154 = arith.constant 32 : index
          %get3A_155 = tpu.vector_load %arg10[%get3A_154] {strides = array<i32>} : memref<64xi32, #tpu.memory_space<vmem>>, vector<16xi32>,
          %ge3A_156 = vector.broadcast %mul3A_11 : i32 to vector<16xi32>
          %ge3A_157 = arith.cmpi sge, %get3A_155, %ge3A_156 : vector<16xi32>
          %add3A_158 = arith.constant 112 : i32
          %add3A_159 = arith.addi %mul3A_11, %add3A_158 : i32
          %lt3A_160 = vector.broadcast %add3A_159 : i32 to vector<16xi32>
          %lt3A_161 = arith.cmpi slt, %get3A_155, %lt3A_160 : vector<16xi32>
          %and3A_162 = arith.andi %ge3A_157, %lt3A_161 : vector<16xi1>
          %sub3A_163 = vector.broadcast %mul3A_11 : i32 to vector<16xi32>
          %sub3A_164 = arith.subi %get3A_155, %sub3A_163 : vector<16xi32>
          %jit3A_165 = arith.constant 112 : i32
          %broadcast_in_dim3A_166 = vector.broadcast %jit3A_165 : i32 to vector<16xi32>
          %select_n3A_167 = arith.select %and3A_162, %sub3A_164, %broadcast_in_dim3A_166 : vector<16xi1>, vector<16xi32>
          %add3A_168 = arith.constant 32 : i32
          %add3A_169 = vector.broadcast %add3A_168 : i32 to vector<16xi32>
          %add3A_170 = arith.addi %add3A_169, %iota3A : vector<16xi32>
          %scan3A_171 = arith.constant 0 : i32
          %scan3A_172 = arith.constant 0 : i32
          %scan3A_173 = arith.constant 512 : i32
          %scan3A_174 = arith.addi %scan3A_172, %scan3A_173 : i32
          %scan3A_175 = arith.constant 1 : i32
          scf.for %scan3A_200 = %scan3A_172 to %scan3A_174 step %scan3A_175  : i32 {
            %broadcast_in_dim3A_201 = arith.constant 0 : i32
            %broadcast_in_dim3A_202 = vector.broadcast %broadcast_in_dim3A_201 : i32 to vector<16xi32>
            %add3A_203 = vector.broadcast %scan3A_200 : i32 to vector<16xi32>
            %add3A_204 = arith.addi %broadcast_in_dim3A_202, %add3A_203 : vector<16xi32>
            %gather3A = tpu.vector_load_idx %arg11[%add3A_170, %add3A_204] : memref<64x512xf32, #tpu.memory_space<vmem>>[vector<16xi32>, vector<16xi32>], vector<16xf32>,
            tpu.vector_store_idx %arg12[%select_n3A_167, %add3A_204], %gather3A masked %and3A_162 {add = true} : memref<120x512xf32, #tpu.memory_space<vmem>>[vector<16xi32>, vector<16xi32>], vector<16xf32>, vector<16xi1>
          }
          %scan3A_176 = arith.constant 512 : i32
          %get3A_177 = arith.constant 48 : index
          %get3A_178 = tpu.vector_load %arg10[%get3A_177] {strides = array<i32>} : memref<64xi32, #tpu.memory_space<vmem>>, vector<16xi32>,
          %ge3A_179 = vector.broadcast %mul3A_11 : i32 to vector<16xi32>
          %ge3A_180 = arith.cmpi sge, %get3A_178, %ge3A_179 : vector<16xi32>
          %add3A_181 = arith.constant 112 : i32
          %add3A_182 = arith.addi %mul3A_11, %add3A_181 : i32
          %lt3A_183 = vector.broadcast %add3A_182 : i32 to vector<16xi32>
          %lt3A_184 = arith.cmpi slt, %get3A_178, %lt3A_183 : vector<16xi32>
          %and3A_185 = arith.andi %ge3A_180, %lt3A_184 : vector<16xi1>
          %sub3A_186 = vector.broadcast %mul3A_11 : i32 to vector<16xi32>
          %sub3A_187 = arith.subi %get3A_178, %sub3A_186 : vector<16xi32>
          %jit3A_188 = arith.constant 112 : i32
          %broadcast_in_dim3A_189 = vector.broadcast %jit3A_188 : i32 to vector<16xi32>
          %select_n3A_190 = arith.select %and3A_185, %sub3A_187, %broadcast_in_dim3A_189 : vector<16xi1>, vector<16xi32>
          %add3A_191 = arith.constant 48 : i32
          %add3A_192 = vector.broadcast %add3A_191 : i32 to vector<16xi32>
          %add3A_193 = arith.addi %add3A_192, %iota3A : vector<16xi32>
          %scan3A_194 = arith.constant 0 : i32
          %scan3A_195 = arith.constant 0 : i32
          %scan3A_196 = arith.constant 512 : i32
          %scan3A_197 = arith.addi %scan3A_195, %scan3A_196 : i32
          %scan3A_198 = arith.constant 1 : i32
          scf.for %scan3A_200 = %scan3A_195 to %scan3A_197 step %scan3A_198  : i32 {
            %broadcast_in_dim3A_201 = arith.constant 0 : i32
            %broadcast_in_dim3A_202 = vector.broadcast %broadcast_in_dim3A_201 : i32 to vector<16xi32>
            %add3A_203 = vector.broadcast %scan3A_200 : i32 to vector<16xi32>
            %add3A_204 = arith.addi %broadcast_in_dim3A_202, %add3A_203 : vector<16xi32>
            %gather3A = tpu.vector_load_idx %arg11[%add3A_193, %add3A_204] : memref<64x512xf32, #tpu.memory_space<vmem>>[vector<16xi32>, vector<16xi32>], vector<16xf32>,
            tpu.vector_store_idx %arg12[%select_n3A_190, %add3A_204], %gather3A masked %and3A_185 {add = true} : memref<120x512xf32, #tpu.memory_space<vmem>>[vector<16xi32>, vector<16xi32>], vector<16xf32>, vector<16xi1>
          }
          %scan3A_199 = arith.constant 512 : i32
        }
        %while3A_106 = arith.constant 1 : i32
        scf.for %while3A_107 = %while3A_104 to %while3A_100 step %while3A_106  : i32 {
          %mul3A_108 = arith.constant 64 : i32
          %mul3A_109 = arith.muli %while3A_107, %mul3A_108 : i32
          "tpu.region"() ({
            %run_scoped3A = tpu.sem_alloc : memref<!tpu.dma_semaphore, #tpu.memory_space<semaphore_mem>>
            %dma_start3A = tpu.memref_slice %arg8[%mul3A_109] : memref<8288xi32, #tpu.memory_space<vmem>> -> memref<64xi32, #tpu.memory_space<vmem>>
            %dma_start3A_200 = arith.constant 0 : i32
            %dma_start3A_201 = tpu.memref_slice %arg3[%dma_start3A_200] : memref<163840xi32, #tpu.memory_space<hbm>> -> memref<163840xi32, #tpu.memory_space<hbm>>
            tpu.enqueue_indirect_dma source(%dma_start3A_201 : memref<163840xi32, #tpu.memory_space<hbm>>) target(%arg9 : memref<64xi32, #tpu.memory_space<vmem>>) offsets(%dma_start3A : memref<64xi32, #tpu.memory_space<vmem>>) semaphore(%run_scoped3A : memref<!tpu.dma_semaphore, #tpu.memory_space<semaphore_mem>>)
            %dma_wait3A = tpu.memref_slice %arg8[%mul3A_109] : memref<8288xi32, #tpu.memory_space<vmem>> -> memref<64xi32, #tpu.memory_space<vmem>>
            %dma_wait3A_202 = arith.constant 0 : i32
            %dma_wait3A_203 = tpu.memref_slice %arg3[%dma_wait3A_202] : memref<163840xi32, #tpu.memory_space<hbm>> -> memref<163840xi32, #tpu.memory_space<hbm>>
            tpu.wait_indirect_dma semaphore(%run_scoped3A : memref<!tpu.dma_semaphore, #tpu.memory_space<semaphore_mem>>) src(%dma_wait3A_203 : memref<163840xi32, #tpu.memory_space<hbm>>) dst(%arg9 : memref<64xi32, #tpu.memory_space<vmem>>)
            tpu.yield
          }) : () -> ()
          "tpu.region"() ({
            %run_scoped3A = tpu.sem_alloc : memref<!tpu.dma_semaphore, #tpu.memory_space<semaphore_mem>>
            %dma_start3A = tpu.memref_slice %arg8[%mul3A_109] : memref<8288xi32, #tpu.memory_space<vmem>> -> memref<64xi32, #tpu.memory_space<vmem>>
            %dma_start3A_200 = arith.constant 0 : i32
            %dma_start3A_201 = tpu.memref_slice %arg4[%dma_start3A_200] : memref<163840xi32, #tpu.memory_space<hbm>> -> memref<163840xi32, #tpu.memory_space<hbm>>
            tpu.enqueue_indirect_dma source(%dma_start3A_201 : memref<163840xi32, #tpu.memory_space<hbm>>) target(%arg10 : memref<64xi32, #tpu.memory_space<vmem>>) offsets(%dma_start3A : memref<64xi32, #tpu.memory_space<vmem>>) semaphore(%run_scoped3A : memref<!tpu.dma_semaphore, #tpu.memory_space<semaphore_mem>>)
            %dma_wait3A = tpu.memref_slice %arg8[%mul3A_109] : memref<8288xi32, #tpu.memory_space<vmem>> -> memref<64xi32, #tpu.memory_space<vmem>>
            %dma_wait3A_202 = arith.constant 0 : i32
            %dma_wait3A_203 = tpu.memref_slice %arg4[%dma_wait3A_202] : memref<163840xi32, #tpu.memory_space<hbm>> -> memref<163840xi32, #tpu.memory_space<hbm>>
            tpu.wait_indirect_dma semaphore(%run_scoped3A : memref<!tpu.dma_semaphore, #tpu.memory_space<semaphore_mem>>) src(%dma_wait3A_203 : memref<163840xi32, #tpu.memory_space<hbm>>) dst(%arg10 : memref<64xi32, #tpu.memory_space<vmem>>)
            tpu.yield
          }) : () -> ()
          "tpu.region"() ({
            %run_scoped3A = tpu.sem_alloc : memref<!tpu.dma_semaphore, #tpu.memory_space<semaphore_mem>>
            %dma_start3A = arith.constant 0 : i32
            %dma_start3A_200 = arith.constant 0 : i32
            %dma_start3A_201 = tpu.memref_slice %arg2[%dma_start3A, %dma_start3A_200] : memref<10000x512xf32, #tpu.memory_space<hbm>> -> memref<10000x512xf32, #tpu.memory_space<hbm>>
            tpu.enqueue_indirect_dma source(%dma_start3A_201 : memref<10000x512xf32, #tpu.memory_space<hbm>>) target(%arg11 : memref<64x512xf32, #tpu.memory_space<vmem>>) offsets(%arg9 : memref<64xi32, #tpu.memory_space<vmem>>) semaphore(%run_scoped3A : memref<!tpu.dma_semaphore, #tpu.memory_space<semaphore_mem>>)
            %dma_wait3A = arith.constant 0 : i32
            %dma_wait3A_202 = arith.constant 0 : i32
            %dma_wait3A_203 = tpu.memref_slice %arg2[%dma_wait3A, %dma_wait3A_202] : memref<10000x512xf32, #tpu.memory_space<hbm>> -> memref<10000x512xf32, #tpu.memory_space<hbm>>
            tpu.wait_indirect_dma semaphore(%run_scoped3A : memref<!tpu.dma_semaphore, #tpu.memory_space<semaphore_mem>>) src(%dma_wait3A_203 : memref<10000x512xf32, #tpu.memory_space<hbm>>) dst(%arg11 : memref<64x512xf32, #tpu.memory_space<vmem>>)
            tpu.yield
          }) : () -> ()
          %get3A = arith.constant 0 : index
          %get3A_110 = tpu.vector_load %arg10[%get3A] {strides = array<i32>} : memref<64xi32, #tpu.memory_space<vmem>>, vector<16xi32>,
          %ge3A = vector.broadcast %mul3A_11 : i32 to vector<16xi32>
          %ge3A_111 = arith.cmpi sge, %get3A_110, %ge3A : vector<16xi32>
          %add3A_112 = arith.constant 112 : i32
          %add3A_113 = arith.addi %mul3A_11, %add3A_112 : i32
          %lt3A_114 = vector.broadcast %add3A_113 : i32 to vector<16xi32>
          %lt3A_115 = arith.cmpi slt, %get3A_110, %lt3A_114 : vector<16xi32>
          %and3A_116 = arith.andi %ge3A_111, %lt3A_115 : vector<16xi1>
          %sub3A_117 = vector.broadcast %mul3A_11 : i32 to vector<16xi32>
          %sub3A_118 = arith.subi %get3A_110, %sub3A_117 : vector<16xi32>
          %jit3A_119 = arith.constant 112 : i32
          %broadcast_in_dim3A_120 = vector.broadcast %jit3A_119 : i32 to vector<16xi32>
          %select_n3A_121 = arith.select %and3A_116, %sub3A_118, %broadcast_in_dim3A_120 : vector<16xi1>, vector<16xi32>
          %add3A_122 = arith.constant 0 : i32
          %add3A_123 = vector.broadcast %add3A_122 : i32 to vector<16xi32>
          %add3A_124 = arith.addi %add3A_123, %iota3A : vector<16xi32>
          %scan3A_125 = arith.constant 0 : i32
          %scan3A_126 = arith.constant 0 : i32
          %scan3A_127 = arith.constant 512 : i32
          %scan3A_128 = arith.addi %scan3A_126, %scan3A_127 : i32
          %scan3A_129 = arith.constant 1 : i32
          scf.for %scan3A_200 = %scan3A_126 to %scan3A_128 step %scan3A_129  : i32 {
            %broadcast_in_dim3A_201 = arith.constant 0 : i32
            %broadcast_in_dim3A_202 = vector.broadcast %broadcast_in_dim3A_201 : i32 to vector<16xi32>
            %add3A_203 = vector.broadcast %scan3A_200 : i32 to vector<16xi32>
            %add3A_204 = arith.addi %broadcast_in_dim3A_202, %add3A_203 : vector<16xi32>
            %gather3A = tpu.vector_load_idx %arg11[%add3A_124, %add3A_204] : memref<64x512xf32, #tpu.memory_space<vmem>>[vector<16xi32>, vector<16xi32>], vector<16xf32>,
            tpu.vector_store_idx %arg12[%select_n3A_121, %add3A_204], %gather3A masked %and3A_116 {add = true} : memref<120x512xf32, #tpu.memory_space<vmem>>[vector<16xi32>, vector<16xi32>], vector<16xf32>, vector<16xi1>
          }
          %scan3A_130 = arith.constant 512 : i32
          %get3A_131 = arith.constant 16 : index
          %get3A_132 = tpu.vector_load %arg10[%get3A_131] {strides = array<i32>} : memref<64xi32, #tpu.memory_space<vmem>>, vector<16xi32>,
          %ge3A_133 = vector.broadcast %mul3A_11 : i32 to vector<16xi32>
          %ge3A_134 = arith.cmpi sge, %get3A_132, %ge3A_133 : vector<16xi32>
          %add3A_135 = arith.constant 112 : i32
          %add3A_136 = arith.addi %mul3A_11, %add3A_135 : i32
          %lt3A_137 = vector.broadcast %add3A_136 : i32 to vector<16xi32>
          %lt3A_138 = arith.cmpi slt, %get3A_132, %lt3A_137 : vector<16xi32>
          %and3A_139 = arith.andi %ge3A_134, %lt3A_138 : vector<16xi1>
          %sub3A_140 = vector.broadcast %mul3A_11 : i32 to vector<16xi32>
          %sub3A_141 = arith.subi %get3A_132, %sub3A_140 : vector<16xi32>
          %jit3A_142 = arith.constant 112 : i32
          %broadcast_in_dim3A_143 = vector.broadcast %jit3A_142 : i32 to vector<16xi32>
          %select_n3A_144 = arith.select %and3A_139, %sub3A_141, %broadcast_in_dim3A_143 : vector<16xi1>, vector<16xi32>
          %add3A_145 = arith.constant 16 : i32
          %add3A_146 = vector.broadcast %add3A_145 : i32 to vector<16xi32>
          %add3A_147 = arith.addi %add3A_146, %iota3A : vector<16xi32>
          %scan3A_148 = arith.constant 0 : i32
          %scan3A_149 = arith.constant 0 : i32
          %scan3A_150 = arith.constant 512 : i32
          %scan3A_151 = arith.addi %scan3A_149, %scan3A_150 : i32
          %scan3A_152 = arith.constant 1 : i32
          scf.for %scan3A_200 = %scan3A_149 to %scan3A_151 step %scan3A_152  : i32 {
            %broadcast_in_dim3A_201 = arith.constant 0 : i32
            %broadcast_in_dim3A_202 = vector.broadcast %broadcast_in_dim3A_201 : i32 to vector<16xi32>
            %add3A_203 = vector.broadcast %scan3A_200 : i32 to vector<16xi32>
            %add3A_204 = arith.addi %broadcast_in_dim3A_202, %add3A_203 : vector<16xi32>
            %gather3A = tpu.vector_load_idx %arg11[%add3A_147, %add3A_204] : memref<64x512xf32, #tpu.memory_space<vmem>>[vector<16xi32>, vector<16xi32>], vector<16xf32>,
            tpu.vector_store_idx %arg12[%select_n3A_144, %add3A_204], %gather3A masked %and3A_139 {add = true} : memref<120x512xf32, #tpu.memory_space<vmem>>[vector<16xi32>, vector<16xi32>], vector<16xf32>, vector<16xi1>
          }
          %scan3A_153 = arith.constant 512 : i32
          %get3A_154 = arith.constant 32 : index
          %get3A_155 = tpu.vector_load %arg10[%get3A_154] {strides = array<i32>} : memref<64xi32, #tpu.memory_space<vmem>>, vector<16xi32>,
          %ge3A_156 = vector.broadcast %mul3A_11 : i32 to vector<16xi32>
          %ge3A_157 = arith.cmpi sge, %get3A_155, %ge3A_156 : vector<16xi32>
          %add3A_158 = arith.constant 112 : i32
          %add3A_159 = arith.addi %mul3A_11, %add3A_158 : i32
          %lt3A_160 = vector.broadcast %add3A_159 : i32 to vector<16xi32>
          %lt3A_161 = arith.cmpi slt, %get3A_155, %lt3A_160 : vector<16xi32>
          %and3A_162 = arith.andi %ge3A_157, %lt3A_161 : vector<16xi1>
          %sub3A_163 = vector.broadcast %mul3A_11 : i32 to vector<16xi32>
          %sub3A_164 = arith.subi %get3A_155, %sub3A_163 : vector<16xi32>
          %jit3A_165 = arith.constant 112 : i32
          %broadcast_in_dim3A_166 = vector.broadcast %jit3A_165 : i32 to vector<16xi32>
          %select_n3A_167 = arith.select %and3A_162, %sub3A_164, %broadcast_in_dim3A_166 : vector<16xi1>, vector<16xi32>
          %add3A_168 = arith.constant 32 : i32
          %add3A_169 = vector.broadcast %add3A_168 : i32 to vector<16xi32>
          %add3A_170 = arith.addi %add3A_169, %iota3A : vector<16xi32>
          %scan3A_171 = arith.constant 0 : i32
          %scan3A_172 = arith.constant 0 : i32
          %scan3A_173 = arith.constant 512 : i32
          %scan3A_174 = arith.addi %scan3A_172, %scan3A_173 : i32
          %scan3A_175 = arith.constant 1 : i32
          scf.for %scan3A_200 = %scan3A_172 to %scan3A_174 step %scan3A_175  : i32 {
            %broadcast_in_dim3A_201 = arith.constant 0 : i32
            %broadcast_in_dim3A_202 = vector.broadcast %broadcast_in_dim3A_201 : i32 to vector<16xi32>
            %add3A_203 = vector.broadcast %scan3A_200 : i32 to vector<16xi32>
            %add3A_204 = arith.addi %broadcast_in_dim3A_202, %add3A_203 : vector<16xi32>
            %gather3A = tpu.vector_load_idx %arg11[%add3A_170, %add3A_204] : memref<64x512xf32, #tpu.memory_space<vmem>>[vector<16xi32>, vector<16xi32>], vector<16xf32>,
            tpu.vector_store_idx %arg12[%select_n3A_167, %add3A_204], %gather3A masked %and3A_162 {add = true} : memref<120x512xf32, #tpu.memory_space<vmem>>[vector<16xi32>, vector<16xi32>], vector<16xf32>, vector<16xi1>
          }
          %scan3A_176 = arith.constant 512 : i32
          %get3A_177 = arith.constant 48 : index
          %get3A_178 = tpu.vector_load %arg10[%get3A_177] {strides = array<i32>} : memref<64xi32, #tpu.memory_space<vmem>>, vector<16xi32>,
          %ge3A_179 = vector.broadcast %mul3A_11 : i32 to vector<16xi32>
          %ge3A_180 = arith.cmpi sge, %get3A_178, %ge3A_179 : vector<16xi32>
          %add3A_181 = arith.constant 112 : i32
          %add3A_182 = arith.addi %mul3A_11, %add3A_181 : i32
          %lt3A_183 = vector.broadcast %add3A_182 : i32 to vector<16xi32>
          %lt3A_184 = arith.cmpi slt, %get3A_178, %lt3A_183 : vector<16xi32>
          %and3A_185 = arith.andi %ge3A_180, %lt3A_184 : vector<16xi1>
          %sub3A_186 = vector.broadcast %mul3A_11 : i32 to vector<16xi32>
          %sub3A_187 = arith.subi %get3A_178, %sub3A_186 : vector<16xi32>
          %jit3A_188 = arith.constant 112 : i32
          %broadcast_in_dim3A_189 = vector.broadcast %jit3A_188 : i32 to vector<16xi32>
          %select_n3A_190 = arith.select %and3A_185, %sub3A_187, %broadcast_in_dim3A_189 : vector<16xi1>, vector<16xi32>
          %add3A_191 = arith.constant 48 : i32
          %add3A_192 = vector.broadcast %add3A_191 : i32 to vector<16xi32>
          %add3A_193 = arith.addi %add3A_192, %iota3A : vector<16xi32>
          %scan3A_194 = arith.constant 0 : i32
          %scan3A_195 = arith.constant 0 : i32
          %scan3A_196 = arith.constant 512 : i32
          %scan3A_197 = arith.addi %scan3A_195, %scan3A_196 : i32
          %scan3A_198 = arith.constant 1 : i32
          scf.for %scan3A_200 = %scan3A_195 to %scan3A_197 step %scan3A_198  : i32 {
            %broadcast_in_dim3A_201 = arith.constant 0 : i32
            %broadcast_in_dim3A_202 = vector.broadcast %broadcast_in_dim3A_201 : i32 to vector<16xi32>
            %add3A_203 = vector.broadcast %scan3A_200 : i32 to vector<16xi32>
            %add3A_204 = arith.addi %broadcast_in_dim3A_202, %add3A_203 : vector<16xi32>
            %gather3A = tpu.vector_load_idx %arg11[%add3A_193, %add3A_204] : memref<64x512xf32, #tpu.memory_space<vmem>>[vector<16xi32>, vector<16xi32>], vector<16xf32>,
            tpu.vector_store_idx %arg12[%select_n3A_190, %add3A_204], %gather3A masked %and3A_185 {add = true} : memref<120x512xf32, #tpu.memory_space<vmem>>[vector<16xi32>, vector<16xi32>], vector<16xf32>, vector<16xi1>
          }
          %scan3A_199 = arith.constant 512 : i32
        }
      }
      %scan3A_17 = arith.constant 20 : i32
      "tpu.region"() ({
        %run_scoped3A = tpu.sem_alloc : memref<!tpu.dma_semaphore, #tpu.memory_space<semaphore_mem>>
        %dma_start3A = arith.constant 0 : i32
        %dma_start3A_18 = arith.constant 0 : i32
        %dma_start3A_19 = tpu.memref_slice %arg12[%dma_start3A, %dma_start3A_18] : memref<120x512xf32, #tpu.memory_space<vmem>> -> memref<112x512xf32, #tpu.memory_space<vmem>>
        %dma_start3A_20 = arith.constant 0 : i32
        %dma_start3A_21 = tpu.memref_slice %arg6[%mul3A_11, %dma_start3A_20] : memref<82432x512xf32, #tpu.memory_space<hbm>> -> memref<112x512xf32, #tpu.memory_space<hbm>>
        %dma_start3A_22 = arith.constant 0 : i32
        %dma_start3A_23 = tpu.memref_slice %arg6[%mul3A_11, %dma_start3A_22] : memref<82432x512xf32, #tpu.memory_space<hbm>> -> memref<112x512xf32, #tpu.memory_space<hbm>>
        %dma_start3A_24 = arith.constant 0 : i32
        %dma_start3A_25 = arith.constant 0 : i32
        %dma_start3A_26 = tpu.memref_slice %arg12[%dma_start3A_24, %dma_start3A_25] : memref<120x512xf32, #tpu.memory_space<vmem>> -> memref<112x512xf32, #tpu.memory_space<vmem>>
        tpu.enqueue_dma source(%dma_start3A_26 : memref<112x512xf32, #tpu.memory_space<vmem>>) target(%dma_start3A_23 : memref<112x512xf32, #tpu.memory_space<hbm>>) target_semaphore(%run_scoped3A : memref<!tpu.dma_semaphore, #tpu.memory_space<semaphore_mem>>)
        %dma_wait3A = arith.constant 0 : i32
        %dma_wait3A_27 = arith.constant 0 : i32
        %dma_wait3A_28 = tpu.memref_slice %arg12[%dma_wait3A, %dma_wait3A_27] : memref<120x512xf32, #tpu.memory_space<vmem>> -> memref<112x512xf32, #tpu.memory_space<vmem>>
        %dma_wait3A_29 = arith.constant 0 : i32
        %dma_wait3A_30 = tpu.memref_slice %arg6[%mul3A_11, %dma_wait3A_29] : memref<82432x512xf32, #tpu.memory_space<hbm>> -> memref<112x512xf32, #tpu.memory_space<hbm>>
        %dma_wait3A_31 = arith.constant 0 : i32
        %dma_wait3A_32 = tpu.memref_slice %arg6[%mul3A_11, %dma_wait3A_31] : memref<82432x512xf32, #tpu.memory_space<hbm>> -> memref<112x512xf32, #tpu.memory_space<hbm>>
        %dma_wait3A_33 = arith.constant 0 : i32
        %dma_wait3A_34 = arith.constant 0 : i32
        %dma_wait3A_35 = tpu.memref_slice %arg12[%dma_wait3A_33, %dma_wait3A_34] : memref<120x512xf32, #tpu.memory_space<vmem>> -> memref<112x512xf32, #tpu.memory_space<vmem>>
        tpu.wait_dma2 semaphore(%run_scoped3A : memref<!tpu.dma_semaphore, #tpu.memory_space<semaphore_mem>>) src(%dma_wait3A_35 : memref<112x512xf32, #tpu.memory_space<vmem>>) dst(%dma_wait3A_32 : memref<112x512xf32, #tpu.memory_space<hbm>>)
        tpu.yield
      }) : () -> ()
    }
    %scan3A_5 = arith.constant 23 : i32
    return
  }
}

#map = affine_map<(d0, d1) -> (0, 0)>
#map1 = affine_map<(d0, d1) -> (0)>
module attributes {stable_mosaic.version = 14 : i64} {
  func.func @gather_k(%arg0: i32, %arg1: i32, %arg2: memref<10000x512xf32, #tpu.memory_space<hbm>>, %arg3: memref<512xi32, #tpu.memory_space<hbm>>, %arg4: memref<512x512xf32, #tpu.memory_space<hbm>>, %arg5: memref<16xi32, #tpu.memory_space<vmem>>, %arg6: memref<16xi32, #tpu.memory_space<vmem>>, %arg7: memref<16x512xf32, #tpu.memory_space<vmem>>) attributes {dimension_semantics = [#tpu.dimension_semantics<core_parallel>, #tpu.dimension_semantics<subcore_parallel>], iteration_bounds = array<i64: 2, 16>, scalar_prefetch = 0 : i64, scratch_operands = 3 : i64, tpu.core_type = #tpu.core_type<sc_vector_subcore>, window_params = [{transform_indices = #map}, {transform_indices = #map1}, {transform_indices = #map}]} {
    %mul3A = arith.constant 16 : i32
    %mul3A_0 = arith.muli %arg0, %mul3A : i32
    %add3A = arith.addi %mul3A_0, %arg1 : i32
    %mul3A_1 = arith.constant 16 : i32
    %mul3A_2 = arith.muli %add3A, %mul3A_1 : i32
    "tpu.region"() ({
      %run_scoped3A = tpu.sem_alloc : memref<!tpu.dma_semaphore, #tpu.memory_space<semaphore_mem>>
      %dma_start3A = tpu.memref_slice %arg3[%mul3A_2] : memref<512xi32, #tpu.memory_space<hbm>> -> memref<16xi32, #tpu.memory_space<hbm>>
      %dma_start3A_14 = tpu.memref_slice %arg3[%mul3A_2] : memref<512xi32, #tpu.memory_space<hbm>> -> memref<16xi32, #tpu.memory_space<hbm>>
      tpu.enqueue_dma source(%dma_start3A_14 : memref<16xi32, #tpu.memory_space<hbm>>) target(%arg5 : memref<16xi32, #tpu.memory_space<vmem>>) target_semaphore(%run_scoped3A : memref<!tpu.dma_semaphore, #tpu.memory_space<semaphore_mem>>)
      %dma_wait3A = tpu.memref_slice %arg3[%mul3A_2] : memref<512xi32, #tpu.memory_space<hbm>> -> memref<16xi32, #tpu.memory_space<hbm>>
      %dma_wait3A_15 = tpu.memref_slice %arg3[%mul3A_2] : memref<512xi32, #tpu.memory_space<hbm>> -> memref<16xi32, #tpu.memory_space<hbm>>
      tpu.wait_dma2 semaphore(%run_scoped3A : memref<!tpu.dma_semaphore, #tpu.memory_space<semaphore_mem>>) src(%dma_wait3A_15 : memref<16xi32, #tpu.memory_space<hbm>>) dst(%arg5 : memref<16xi32, #tpu.memory_space<vmem>>)
      tpu.yield
    }) : () -> ()
    %scan3A = arith.constant 0 : i32
    %scan3A_3 = arith.constant 0 : i32
    %mul3A_4 = arith.constant 16 : i32
    %mul3A_5 = arith.muli %scan3A_3, %mul3A_4 : i32
    %get3A = arith.index_cast %mul3A_5 : i32 to index
    %get3A_6 = tpu.vector_load %arg5[%get3A] {strides = array<i32>} : memref<16xi32, #tpu.memory_space<vmem>>, vector<16xi32>,
    %add3A_7 = arith.constant 9000 : i32
    %add3A_8 = vector.broadcast %add3A_7 : i32 to vector<16xi32>
    %add3A_9 = arith.addi %get3A_6, %add3A_8 : vector<16xi32>
    %swap3A = arith.index_cast %mul3A_5 : i32 to index
    %swap3A_10 = tpu.vector_load %arg6[%swap3A] {strides = array<i32>} : memref<16xi32, #tpu.memory_space<vmem>>, vector<16xi32>,
    tpu.vector_store %arg6[%swap3A], %add3A_9 {strides = array<i32>} : memref<16xi32, #tpu.memory_space<vmem>>, vector<16xi32>,
    %scan3A_11 = arith.constant 1 : i32
    "tpu.region"() ({
      %run_scoped3A = tpu.sem_alloc : memref<!tpu.dma_semaphore, #tpu.memory_space<semaphore_mem>>
      %dma_start3A = arith.constant 0 : i32
      %dma_start3A_14 = arith.constant 0 : i32
      %dma_start3A_15 = tpu.memref_slice %arg2[%dma_start3A, %dma_start3A_14] : memref<10000x512xf32, #tpu.memory_space<hbm>> -> memref<10000x512xf32, #tpu.memory_space<hbm>>
      tpu.enqueue_indirect_dma source(%dma_start3A_15 : memref<10000x512xf32, #tpu.memory_space<hbm>>) target(%arg7 : memref<16x512xf32, #tpu.memory_space<vmem>>) offsets(%arg6 : memref<16xi32, #tpu.memory_space<vmem>>) semaphore(%run_scoped3A : memref<!tpu.dma_semaphore, #tpu.memory_space<semaphore_mem>>)
      %dma_wait3A = arith.constant 0 : i32
      %dma_wait3A_16 = arith.constant 0 : i32
      %dma_wait3A_17 = tpu.memref_slice %arg2[%dma_wait3A, %dma_wait3A_16] : memref<10000x512xf32, #tpu.memory_space<hbm>> -> memref<10000x512xf32, #tpu.memory_space<hbm>>
      tpu.wait_indirect_dma semaphore(%run_scoped3A : memref<!tpu.dma_semaphore, #tpu.memory_space<semaphore_mem>>) src(%dma_wait3A_17 : memref<10000x512xf32, #tpu.memory_space<hbm>>) dst(%arg7 : memref<16x512xf32, #tpu.memory_space<vmem>>)
      tpu.yield
    }) : () -> ()
    %mul3A_12 = arith.constant 16 : i32
    %mul3A_13 = arith.muli %add3A, %mul3A_12 : i32
    "tpu.region"() ({
      %run_scoped3A = tpu.sem_alloc : memref<!tpu.dma_semaphore, #tpu.memory_space<semaphore_mem>>
      %dma_start3A = arith.constant 0 : i32
      %dma_start3A_14 = tpu.memref_slice %arg4[%mul3A_13, %dma_start3A] : memref<512x512xf32, #tpu.memory_space<hbm>> -> memref<16x512xf32, #tpu.memory_space<hbm>>
      %dma_start3A_15 = arith.constant 0 : i32
      %dma_start3A_16 = tpu.memref_slice %arg4[%mul3A_13, %dma_start3A_15] : memref<512x512xf32, #tpu.memory_space<hbm>> -> memref<16x512xf32, #tpu.memory_space<hbm>>
      tpu.enqueue_dma source(%arg7 : memref<16x512xf32, #tpu.memory_space<vmem>>) target(%dma_start3A_16 : memref<16x512xf32, #tpu.memory_space<hbm>>) target_semaphore(%run_scoped3A : memref<!tpu.dma_semaphore, #tpu.memory_space<semaphore_mem>>)
      %dma_wait3A = arith.constant 0 : i32
      %dma_wait3A_17 = tpu.memref_slice %arg4[%mul3A_13, %dma_wait3A] : memref<512x512xf32, #tpu.memory_space<hbm>> -> memref<16x512xf32, #tpu.memory_space<hbm>>
      %dma_wait3A_18 = arith.constant 0 : i32
      %dma_wait3A_19 = tpu.memref_slice %arg4[%mul3A_13, %dma_wait3A_18] : memref<512x512xf32, #tpu.memory_space<hbm>> -> memref<16x512xf32, #tpu.memory_space<hbm>>
      tpu.wait_dma2 semaphore(%run_scoped3A : memref<!tpu.dma_semaphore, #tpu.memory_space<semaphore_mem>>) src(%arg7 : memref<16x512xf32, #tpu.memory_space<vmem>>) dst(%dma_wait3A_19 : memref<16x512xf32, #tpu.memory_space<hbm>>)
      tpu.yield
    }) : () -> ()
    return
  }
}

module attributes {stable_mosaic.version = 14 : i64} {
  func.func @k(%arg0: i32, %arg1: memref<8x32xf32, #tpu.memory_space<vmem>>, %arg2: memref<32x16384xf32, #tpu.memory_space<vmem>>, %arg3: memref<8x16384xf32, #tpu.memory_space<vmem>>) attributes {dimension_semantics = [#tpu.dimension_semantics<arbitrary>], iteration_bounds = array<i64: 8>, scalar_prefetch = 0 : i64, scratch_operands = 0 : i64, tpu.core_type = #tpu.core_type<tc>, window_params = [{pipeline_mode = #tpu.pipeline_mode<synchronous>, transform_indices = @transform_0, window_bounds = array<i64: 8, 32>}, {transform_indices = @transform_1, window_bounds = array<i64: 32, 16384>}, {transform_indices = @transform_2, window_bounds = array<i64: 8, 16384>}]} {
    %get3A = arith.constant 0 : index
    %get3A_0 = arith.constant 0 : index
    %get3A_1 = vector.load %arg1[%get3A, %get3A_0] : memref<8x32xf32, #tpu.memory_space<vmem>>, vector<8x32xf32>
    %get3A_2 = arith.constant 0 : index
    %get3A_3 = arith.constant 0 : index
    %get3A_4 = vector.load %arg2[%get3A_2, %get3A_3] : memref<32x16384xf32, #tpu.memory_space<vmem>>, vector<32x16384xf32>
    %dot_general3A = arith.constant dense<0.000000e+00> : vector<8x16384xf32>
    %dot_general3A_5 = tpu.matmul %get3A_1, %get3A_4, %dot_general3A {dimension_numbers = #tpu.dot_dimension_numbers<[1], [0], [0], [1], [0, 0, 1, 1], [], []>, transpose_lhs_hint = false} : vector<8x32xf32>, vector<32x16384xf32>, vector<8x16384xf32> -> vector<8x16384xf32>
    %swap3A = arith.constant 0 : index
    %swap3A_6 = arith.constant 0 : index
    %swap3A_7 = vector.load %arg3[%swap3A, %swap3A_6] : memref<8x16384xf32, #tpu.memory_space<vmem>>, vector<8x16384xf32>
    tpu.vector_store %arg3[%swap3A, %swap3A_6], %dot_general3A_5 {strides = array<i32>} : memref<8x16384xf32, #tpu.memory_space<vmem>>, vector<8x16384xf32>,
    return
  }
  func.func @transform_0(%arg0: i32) -> (i32, i32) {
    %c0_i32 = arith.constant 0 : i32
    %c0_i32_0 = arith.constant 0 : i32
    %c0_i32_1 = arith.constant 0 : i32
    return %c0_i32, %c0_i32_0 : i32, i32
  }
  func.func @transform_1(%arg0: i32) -> (i32, i32) {
    %c0_i32 = arith.constant 0 : i32
    %c0_i32_0 = arith.constant 0 : i32
    return %c0_i32, %arg0 : i32, i32
  }
  func.func @transform_2(%arg0: i32) -> (i32, i32) {
    %c0_i32 = arith.constant 0 : i32
    %c0_i32_0 = arith.constant 0 : i32
    return %c0_i32, %arg0 : i32, i32
  }
}

module attributes {stable_mosaic.version = 14 : i64} {
  func.func @k(%arg0: i32, %arg1: memref<1000x256xf32, #tpu.memory_space<vmem>>, %arg2: memref<1000x8x256xf32, #tpu.memory_space<vmem>>, %arg3: memref<1000x128xf32, #tpu.memory_space<vmem>>, %arg4: memref<256x512xf32, #tpu.memory_space<vmem>>, %arg5: memref<1x512xf32, #tpu.memory_space<vmem>>, %arg6: memref<8x256x512xf32, #tpu.memory_space<vmem>>, %arg7: memref<1000x512xf32, #tpu.memory_space<vmem>>) attributes {dimension_semantics = [#tpu.dimension_semantics<arbitrary>], iteration_bounds = array<i64: 10>, scalar_prefetch = 0 : i64, scratch_operands = 0 : i64, tpu.core_type = #tpu.core_type<tc>, window_params = [{transform_indices = @transform_0, window_bounds = array<i64: 1000, 256>}, {transform_indices = @transform_1, window_bounds = array<i64: 1000, 8, 256>}, {transform_indices = @transform_2, window_bounds = array<i64: 1000, 128>}, {pipeline_mode = #tpu.pipeline_mode<synchronous>, transform_indices = @transform_3, window_bounds = array<i64: 256, 512>}, {pipeline_mode = #tpu.pipeline_mode<synchronous>, transform_indices = @transform_4, window_bounds = array<i64: 1, 512>}, {pipeline_mode = #tpu.pipeline_mode<synchronous>, transform_indices = @transform_5, window_bounds = array<i64: 8, 256, 512>}, {transform_indices = @transform_6, window_bounds = array<i64: 1000, 512>}]} {
    %get3A = arith.constant 0 : index
    %get3A_0 = arith.constant 0 : index
    %get3A_1 = vector.load %arg1[%get3A, %get3A_0] : memref<1000x256xf32, #tpu.memory_space<vmem>>, vector<1000x256xf32>
    %get3A_2 = arith.constant 0 : index
    %get3A_3 = arith.constant 0 : index
    %get3A_4 = vector.load %arg4[%get3A_2, %get3A_3] : memref<256x512xf32, #tpu.memory_space<vmem>>, vector<256x512xf32>
    %dot_general3A = arith.constant dense<0.000000e+00> : vector<1000x512xf32>
    %dot_general3A_5 = tpu.matmul %get3A_1, %get3A_4, %dot_general3A {dimension_numbers = #tpu.dot_dimension_numbers<[1], [0], [0], [1], [0, 0, 1, 1], [], []>, transpose_lhs_hint = false} : vector<1000x256xf32>, vector<256x512xf32>, vector<1000x512xf32> -> vector<1000x512xf32>
    %get3A_6 = arith.constant 0 : index
    %get3A_7 = arith.constant 0 : index
    %get3A_8 = vector.load %arg3[%get3A_6, %get3A_7] : memref<1000x128xf32, #tpu.memory_space<vmem>>, vector<1000x1xf32>
    %max3A = arith.constant 1.000000e+00 : f32
    %max3A_9 = vector.broadcast %max3A : f32 to vector<1000x1xf32>
    %max3A_10 = arith.maximumf %get3A_8, %max3A_9 : vector<1000x1xf32>
    %div3A = arith.constant 1.000000e+00 : f32
    %div3A_11 = vector.broadcast %div3A : f32 to vector<1000x1xf32>
    %div3A_12 = arith.divf %div3A_11, %max3A_10 : vector<1000x1xf32>
    %get3A_13 = arith.constant 0 : index
    %get3A_14 = arith.constant 0 : index
    %get3A_15 = arith.constant 0 : index
    %get3A_16 = vector.load %arg2[%get3A_13, %get3A_14, %get3A_15] : memref<1000x8x256xf32, #tpu.memory_space<vmem>>, vector<1000x1x256xf32>
    %get3A_17 = vector.shape_cast %get3A_16 : vector<1000x1x256xf32> to vector<1000x256xf32>
    %mul3A = vector.broadcast %div3A_12 : vector<1000x1xf32> to vector<1000x256xf32>
    %mul3A_18 = arith.mulf %get3A_17, %mul3A : vector<1000x256xf32>
    %get3A_19 = arith.constant 0 : index
    %get3A_20 = arith.constant 0 : index
    %get3A_21 = arith.constant 0 : index
    %get3A_22 = vector.load %arg6[%get3A_19, %get3A_20, %get3A_21] : memref<8x256x512xf32, #tpu.memory_space<vmem>>, vector<1x256x512xf32>
    %get3A_23 = vector.shape_cast %get3A_22 : vector<1x256x512xf32> to vector<256x512xf32>
    %dot_general3A_24 = arith.constant dense<0.000000e+00> : vector<1000x512xf32>
    %dot_general3A_25 = tpu.matmul %mul3A_18, %get3A_23, %dot_general3A_24 {dimension_numbers = #tpu.dot_dimension_numbers<[1], [0], [0], [1], [0, 0, 1, 1], [], []>, transpose_lhs_hint = false} : vector<1000x256xf32>, vector<256x512xf32>, vector<1000x512xf32> -> vector<1000x512xf32>
    %add3A = arith.addf %dot_general3A_5, %dot_general3A_25 : vector<1000x512xf32>
    %get3A_26 = arith.constant 0 : index
    %get3A_27 = arith.constant 1 : index
    %get3A_28 = vector.load %arg3[%get3A_26, %get3A_27] : memref<1000x128xf32, #tpu.memory_space<vmem>>, vector<1000x1xf32>
    %max3A_29 = arith.constant 1.000000e+00 : f32
    %max3A_30 = vector.broadcast %max3A_29 : f32 to vector<1000x1xf32>
    %max3A_31 = arith.maximumf %get3A_28, %max3A_30 : vector<1000x1xf32>
    %div3A_32 = arith.constant 1.000000e+00 : f32
    %div3A_33 = vector.broadcast %div3A_32 : f32 to vector<1000x1xf32>
    %div3A_34 = arith.divf %div3A_33, %max3A_31 : vector<1000x1xf32>
    %get3A_35 = arith.constant 0 : index
    %get3A_36 = arith.constant 1 : index
    %get3A_37 = arith.constant 0 : index
    %get3A_38 = vector.load %arg2[%get3A_35, %get3A_36, %get3A_37] : memref<1000x8x256xf32, #tpu.memory_space<vmem>>, vector<1000x1x256xf32>
    %get3A_39 = vector.shape_cast %get3A_38 : vector<1000x1x256xf32> to vector<1000x256xf32>
    %mul3A_40 = vector.broadcast %div3A_34 : vector<1000x1xf32> to vector<1000x256xf32>
    %mul3A_41 = arith.mulf %get3A_39, %mul3A_40 : vector<1000x256xf32>
    %get3A_42 = arith.constant 1 : index
    %get3A_43 = arith.constant 0 : index
    %get3A_44 = arith.constant 0 : index
    %get3A_45 = vector.load %arg6[%get3A_42, %get3A_43, %get3A_44] : memref<8x256x512xf32, #tpu.memory_space<vmem>>, vector<1x256x512xf32>
    %get3A_46 = vector.shape_cast %get3A_45 : vector<1x256x512xf32> to vector<256x512xf32>
    %dot_general3A_47 = arith.constant dense<0.000000e+00> : vector<1000x512xf32>
    %dot_general3A_48 = tpu.matmul %mul3A_41, %get3A_46, %dot_general3A_47 {dimension_numbers = #tpu.dot_dimension_numbers<[1], [0], [0], [1], [0, 0, 1, 1], [], []>, transpose_lhs_hint = false} : vector<1000x256xf32>, vector<256x512xf32>, vector<1000x512xf32> -> vector<1000x512xf32>
    %add3A_49 = arith.addf %add3A, %dot_general3A_48 : vector<1000x512xf32>
    %get3A_50 = arith.constant 0 : index
    %get3A_51 = arith.constant 2 : index
    %get3A_52 = vector.load %arg3[%get3A_50, %get3A_51] : memref<1000x128xf32, #tpu.memory_space<vmem>>, vector<1000x1xf32>
    %max3A_53 = arith.constant 1.000000e+00 : f32
    %max3A_54 = vector.broadcast %max3A_53 : f32 to vector<1000x1xf32>
    %max3A_55 = arith.maximumf %get3A_52, %max3A_54 : vector<1000x1xf32>
    %div3A_56 = arith.constant 1.000000e+00 : f32
    %div3A_57 = vector.broadcast %div3A_56 : f32 to vector<1000x1xf32>
    %div3A_58 = arith.divf %div3A_57, %max3A_55 : vector<1000x1xf32>
    %get3A_59 = arith.constant 0 : index
    %get3A_60 = arith.constant 2 : index
    %get3A_61 = arith.constant 0 : index
    %get3A_62 = vector.load %arg2[%get3A_59, %get3A_60, %get3A_61] : memref<1000x8x256xf32, #tpu.memory_space<vmem>>, vector<1000x1x256xf32>
    %get3A_63 = vector.shape_cast %get3A_62 : vector<1000x1x256xf32> to vector<1000x256xf32>
    %mul3A_64 = vector.broadcast %div3A_58 : vector<1000x1xf32> to vector<1000x256xf32>
    %mul3A_65 = arith.mulf %get3A_63, %mul3A_64 : vector<1000x256xf32>
    %get3A_66 = arith.constant 2 : index
    %get3A_67 = arith.constant 0 : index
    %get3A_68 = arith.constant 0 : index
    %get3A_69 = vector.load %arg6[%get3A_66, %get3A_67, %get3A_68] : memref<8x256x512xf32, #tpu.memory_space<vmem>>, vector<1x256x512xf32>
    %get3A_70 = vector.shape_cast %get3A_69 : vector<1x256x512xf32> to vector<256x512xf32>
    %dot_general3A_71 = arith.constant dense<0.000000e+00> : vector<1000x512xf32>
    %dot_general3A_72 = tpu.matmul %mul3A_65, %get3A_70, %dot_general3A_71 {dimension_numbers = #tpu.dot_dimension_numbers<[1], [0], [0], [1], [0, 0, 1, 1], [], []>, transpose_lhs_hint = false} : vector<1000x256xf32>, vector<256x512xf32>, vector<1000x512xf32> -> vector<1000x512xf32>
    %add3A_73 = arith.addf %add3A_49, %dot_general3A_72 : vector<1000x512xf32>
    %get3A_74 = arith.constant 0 : index
    %get3A_75 = arith.constant 3 : index
    %get3A_76 = vector.load %arg3[%get3A_74, %get3A_75] : memref<1000x128xf32, #tpu.memory_space<vmem>>, vector<1000x1xf32>
    %max3A_77 = arith.constant 1.000000e+00 : f32
    %max3A_78 = vector.broadcast %max3A_77 : f32 to vector<1000x1xf32>
    %max3A_79 = arith.maximumf %get3A_76, %max3A_78 : vector<1000x1xf32>
    %div3A_80 = arith.constant 1.000000e+00 : f32
    %div3A_81 = vector.broadcast %div3A_80 : f32 to vector<1000x1xf32>
    %div3A_82 = arith.divf %div3A_81, %max3A_79 : vector<1000x1xf32>
    %get3A_83 = arith.constant 0 : index
    %get3A_84 = arith.constant 3 : index
    %get3A_85 = arith.constant 0 : index
    %get3A_86 = vector.load %arg2[%get3A_83, %get3A_84, %get3A_85] : memref<1000x8x256xf32, #tpu.memory_space<vmem>>, vector<1000x1x256xf32>
    %get3A_87 = vector.shape_cast %get3A_86 : vector<1000x1x256xf32> to vector<1000x256xf32>
    %mul3A_88 = vector.broadcast %div3A_82 : vector<1000x1xf32> to vector<1000x256xf32>
    %mul3A_89 = arith.mulf %get3A_87, %mul3A_88 : vector<1000x256xf32>
    %get3A_90 = arith.constant 3 : index
    %get3A_91 = arith.constant 0 : index
    %get3A_92 = arith.constant 0 : index
    %get3A_93 = vector.load %arg6[%get3A_90, %get3A_91, %get3A_92] : memref<8x256x512xf32, #tpu.memory_space<vmem>>, vector<1x256x512xf32>
    %get3A_94 = vector.shape_cast %get3A_93 : vector<1x256x512xf32> to vector<256x512xf32>
    %dot_general3A_95 = arith.constant dense<0.000000e+00> : vector<1000x512xf32>
    %dot_general3A_96 = tpu.matmul %mul3A_89, %get3A_94, %dot_general3A_95 {dimension_numbers = #tpu.dot_dimension_numbers<[1], [0], [0], [1], [0, 0, 1, 1], [], []>, transpose_lhs_hint = false} : vector<1000x256xf32>, vector<256x512xf32>, vector<1000x512xf32> -> vector<1000x512xf32>
    %add3A_97 = arith.addf %add3A_73, %dot_general3A_96 : vector<1000x512xf32>
    %get3A_98 = arith.constant 0 : index
    %get3A_99 = arith.constant 4 : index
    %get3A_100 = vector.load %arg3[%get3A_98, %get3A_99] : memref<1000x128xf32, #tpu.memory_space<vmem>>, vector<1000x1xf32>
    %max3A_101 = arith.constant 1.000000e+00 : f32
    %max3A_102 = vector.broadcast %max3A_101 : f32 to vector<1000x1xf32>
    %max3A_103 = arith.maximumf %get3A_100, %max3A_102 : vector<1000x1xf32>
    %div3A_104 = arith.constant 1.000000e+00 : f32
    %div3A_105 = vector.broadcast %div3A_104 : f32 to vector<1000x1xf32>
    %div3A_106 = arith.divf %div3A_105, %max3A_103 : vector<1000x1xf32>
    %get3A_107 = arith.constant 0 : index
    %get3A_108 = arith.constant 4 : index
    %get3A_109 = arith.constant 0 : index
    %get3A_110 = vector.load %arg2[%get3A_107, %get3A_108, %get3A_109] : memref<1000x8x256xf32, #tpu.memory_space<vmem>>, vector<1000x1x256xf32>
    %get3A_111 = vector.shape_cast %get3A_110 : vector<1000x1x256xf32> to vector<1000x256xf32>
    %mul3A_112 = vector.broadcast %div3A_106 : vector<1000x1xf32> to vector<1000x256xf32>
    %mul3A_113 = arith.mulf %get3A_111, %mul3A_112 : vector<1000x256xf32>
    %get3A_114 = arith.constant 4 : index
    %get3A_115 = arith.constant 0 : index
    %get3A_116 = arith.constant 0 : index
    %get3A_117 = vector.load %arg6[%get3A_114, %get3A_115, %get3A_116] : memref<8x256x512xf32, #tpu.memory_space<vmem>>, vector<1x256x512xf32>
    %get3A_118 = vector.shape_cast %get3A_117 : vector<1x256x512xf32> to vector<256x512xf32>
    %dot_general3A_119 = arith.constant dense<0.000000e+00> : vector<1000x512xf32>
    %dot_general3A_120 = tpu.matmul %mul3A_113, %get3A_118, %dot_general3A_119 {dimension_numbers = #tpu.dot_dimension_numbers<[1], [0], [0], [1], [0, 0, 1, 1], [], []>, transpose_lhs_hint = false} : vector<1000x256xf32>, vector<256x512xf32>, vector<1000x512xf32> -> vector<1000x512xf32>
    %add3A_121 = arith.addf %add3A_97, %dot_general3A_120 : vector<1000x512xf32>
    %get3A_122 = arith.constant 0 : index
    %get3A_123 = arith.constant 5 : index
    %get3A_124 = vector.load %arg3[%get3A_122, %get3A_123] : memref<1000x128xf32, #tpu.memory_space<vmem>>, vector<1000x1xf32>
    %max3A_125 = arith.constant 1.000000e+00 : f32
    %max3A_126 = vector.broadcast %max3A_125 : f32 to vector<1000x1xf32>
    %max3A_127 = arith.maximumf %get3A_124, %max3A_126 : vector<1000x1xf32>
    %div3A_128 = arith.constant 1.000000e+00 : f32
    %div3A_129 = vector.broadcast %div3A_128 : f32 to vector<1000x1xf32>
    %div3A_130 = arith.divf %div3A_129, %max3A_127 : vector<1000x1xf32>
    %get3A_131 = arith.constant 0 : index
    %get3A_132 = arith.constant 5 : index
    %get3A_133 = arith.constant 0 : index
    %get3A_134 = vector.load %arg2[%get3A_131, %get3A_132, %get3A_133] : memref<1000x8x256xf32, #tpu.memory_space<vmem>>, vector<1000x1x256xf32>
    %get3A_135 = vector.shape_cast %get3A_134 : vector<1000x1x256xf32> to vector<1000x256xf32>
    %mul3A_136 = vector.broadcast %div3A_130 : vector<1000x1xf32> to vector<1000x256xf32>
    %mul3A_137 = arith.mulf %get3A_135, %mul3A_136 : vector<1000x256xf32>
    %get3A_138 = arith.constant 5 : index
    %get3A_139 = arith.constant 0 : index
    %get3A_140 = arith.constant 0 : index
    %get3A_141 = vector.load %arg6[%get3A_138, %get3A_139, %get3A_140] : memref<8x256x512xf32, #tpu.memory_space<vmem>>, vector<1x256x512xf32>
    %get3A_142 = vector.shape_cast %get3A_141 : vector<1x256x512xf32> to vector<256x512xf32>
    %dot_general3A_143 = arith.constant dense<0.000000e+00> : vector<1000x512xf32>
    %dot_general3A_144 = tpu.matmul %mul3A_137, %get3A_142, %dot_general3A_143 {dimension_numbers = #tpu.dot_dimension_numbers<[1], [0], [0], [1], [0, 0, 1, 1], [], []>, transpose_lhs_hint = false} : vector<1000x256xf32>, vector<256x512xf32>, vector<1000x512xf32> -> vector<1000x512xf32>
    %add3A_145 = arith.addf %add3A_121, %dot_general3A_144 : vector<1000x512xf32>
    %get3A_146 = arith.constant 0 : index
    %get3A_147 = arith.constant 6 : index
    %get3A_148 = vector.load %arg3[%get3A_146, %get3A_147] : memref<1000x128xf32, #tpu.memory_space<vmem>>, vector<1000x1xf32>
    %max3A_149 = arith.constant 1.000000e+00 : f32
    %max3A_150 = vector.broadcast %max3A_149 : f32 to vector<1000x1xf32>
    %max3A_151 = arith.maximumf %get3A_148, %max3A_150 : vector<1000x1xf32>
    %div3A_152 = arith.constant 1.000000e+00 : f32
    %div3A_153 = vector.broadcast %div3A_152 : f32 to vector<1000x1xf32>
    %div3A_154 = arith.divf %div3A_153, %max3A_151 : vector<1000x1xf32>
    %get3A_155 = arith.constant 0 : index
    %get3A_156 = arith.constant 6 : index
    %get3A_157 = arith.constant 0 : index
    %get3A_158 = vector.load %arg2[%get3A_155, %get3A_156, %get3A_157] : memref<1000x8x256xf32, #tpu.memory_space<vmem>>, vector<1000x1x256xf32>
    %get3A_159 = vector.shape_cast %get3A_158 : vector<1000x1x256xf32> to vector<1000x256xf32>
    %mul3A_160 = vector.broadcast %div3A_154 : vector<1000x1xf32> to vector<1000x256xf32>
    %mul3A_161 = arith.mulf %get3A_159, %mul3A_160 : vector<1000x256xf32>
    %get3A_162 = arith.constant 6 : index
    %get3A_163 = arith.constant 0 : index
    %get3A_164 = arith.constant 0 : index
    %get3A_165 = vector.load %arg6[%get3A_162, %get3A_163, %get3A_164] : memref<8x256x512xf32, #tpu.memory_space<vmem>>, vector<1x256x512xf32>
    %get3A_166 = vector.shape_cast %get3A_165 : vector<1x256x512xf32> to vector<256x512xf32>
    %dot_general3A_167 = arith.constant dense<0.000000e+00> : vector<1000x512xf32>
    %dot_general3A_168 = tpu.matmul %mul3A_161, %get3A_166, %dot_general3A_167 {dimension_numbers = #tpu.dot_dimension_numbers<[1], [0], [0], [1], [0, 0, 1, 1], [], []>, transpose_lhs_hint = false} : vector<1000x256xf32>, vector<256x512xf32>, vector<1000x512xf32> -> vector<1000x512xf32>
    %add3A_169 = arith.addf %add3A_145, %dot_general3A_168 : vector<1000x512xf32>
    %get3A_170 = arith.constant 0 : index
    %get3A_171 = arith.constant 7 : index
    %get3A_172 = vector.load %arg3[%get3A_170, %get3A_171] : memref<1000x128xf32, #tpu.memory_space<vmem>>, vector<1000x1xf32>
    %max3A_173 = arith.constant 1.000000e+00 : f32
    %max3A_174 = vector.broadcast %max3A_173 : f32 to vector<1000x1xf32>
    %max3A_175 = arith.maximumf %get3A_172, %max3A_174 : vector<1000x1xf32>
    %div3A_176 = arith.constant 1.000000e+00 : f32
    %div3A_177 = vector.broadcast %div3A_176 : f32 to vector<1000x1xf32>
    %div3A_178 = arith.divf %div3A_177, %max3A_175 : vector<1000x1xf32>
    %get3A_179 = arith.constant 0 : index
    %get3A_180 = arith.constant 7 : index
    %get3A_181 = arith.constant 0 : index
    %get3A_182 = vector.load %arg2[%get3A_179, %get3A_180, %get3A_181] : memref<1000x8x256xf32, #tpu.memory_space<vmem>>, vector<1000x1x256xf32>
    %get3A_183 = vector.shape_cast %get3A_182 : vector<1000x1x256xf32> to vector<1000x256xf32>
    %mul3A_184 = vector.broadcast %div3A_178 : vector<1000x1xf32> to vector<1000x256xf32>
    %mul3A_185 = arith.mulf %get3A_183, %mul3A_184 : vector<1000x256xf32>
    %get3A_186 = arith.constant 7 : index
    %get3A_187 = arith.constant 0 : index
    %get3A_188 = arith.constant 0 : index
    %get3A_189 = vector.load %arg6[%get3A_186, %get3A_187, %get3A_188] : memref<8x256x512xf32, #tpu.memory_space<vmem>>, vector<1x256x512xf32>
    %get3A_190 = vector.shape_cast %get3A_189 : vector<1x256x512xf32> to vector<256x512xf32>
    %dot_general3A_191 = arith.constant dense<0.000000e+00> : vector<1000x512xf32>
    %dot_general3A_192 = tpu.matmul %mul3A_185, %get3A_190, %dot_general3A_191 {dimension_numbers = #tpu.dot_dimension_numbers<[1], [0], [0], [1], [0, 0, 1, 1], [], []>, transpose_lhs_hint = false} : vector<1000x256xf32>, vector<256x512xf32>, vector<1000x512xf32> -> vector<1000x512xf32>
    %add3A_193 = arith.addf %add3A_169, %dot_general3A_192 : vector<1000x512xf32>
    %get3A_194 = arith.constant 0 : index
    %get3A_195 = arith.constant 0 : index
    %get3A_196 = vector.load %arg5[%get3A_194, %get3A_195] : memref<1x512xf32, #tpu.memory_space<vmem>>, vector<1x512xf32>
    %add3A_197 = vector.broadcast %get3A_196 : vector<1x512xf32> to vector<1000x512xf32>
    %add3A_198 = arith.addf %add3A_193, %add3A_197 : vector<1000x512xf32>
    %swap3A = arith.constant 0 : index
    %swap3A_199 = arith.constant 0 : index
    %swap3A_200 = vector.load %arg7[%swap3A, %swap3A_199] : memref<1000x512xf32, #tpu.memory_space<vmem>>, vector<1000x512xf32>
    tpu.vector_store %arg7[%swap3A, %swap3A_199], %add3A_198 {strides = array<i32>} : memref<1000x512xf32, #tpu.memory_space<vmem>>, vector<1000x512xf32>,
    return
  }
  func.func @transform_0(%arg0: i32) -> (i32, i32) {
    %c0_i32 = arith.constant 0 : i32
    %c0_i32_0 = arith.constant 0 : i32
    return %arg0, %c0_i32 : i32, i32
  }
  func.func @transform_1(%arg0: i32) -> (i32, i32, i32) {
    %c0_i32 = arith.constant 0 : i32
    %c0_i32_0 = arith.constant 0 : i32
    %c0_i32_1 = arith.constant 0 : i32
    return %arg0, %c0_i32, %c0_i32_0 : i32, i32, i32
  }
  func.func @transform_2(%arg0: i32) -> (i32, i32) {
    %c0_i32 = arith.constant 0 : i32
    %c0_i32_0 = arith.constant 0 : i32
    return %arg0, %c0_i32 : i32, i32
  }
  func.func @transform_3(%arg0: i32) -> (i32, i32) {
    %c0_i32 = arith.constant 0 : i32
    %c0_i32_0 = arith.constant 0 : i32
    %c0_i32_1 = arith.constant 0 : i32
    return %c0_i32, %c0_i32_0 : i32, i32
  }
  func.func @transform_4(%arg0: i32) -> (i32, i32) {
    %c0_i32 = arith.constant 0 : i32
    %c0_i32_0 = arith.constant 0 : i32
    %c0_i32_1 = arith.constant 0 : i32
    return %c0_i32, %c0_i32_0 : i32, i32
  }
  func.func @transform_5(%arg0: i32) -> (i32, i32, i32) {
    %c0_i32 = arith.constant 0 : i32
    %c0_i32_0 = arith.constant 0 : i32
    %c0_i32_1 = arith.constant 0 : i32
    %c0_i32_2 = arith.constant 0 : i32
    return %c0_i32, %c0_i32_0, %c0_i32_1 : i32, i32, i32
  }
  func.func @transform_6(%arg0: i32) -> (i32, i32) {
    %c0_i32 = arith.constant 0 : i32
    %c0_i32_0 = arith.constant 0 : i32
    return %arg0, %c0_i32 : i32, i32
  }
}

module attributes {stable_mosaic.version = 14 : i64} {
  func.func @k(%arg0: i32, %arg1: memref<8x32xf32, #tpu.memory_space<vmem>>, %arg2: memref<32x32768xf32, #tpu.memory_space<vmem>>, %arg3: memref<8x32768xf32, #tpu.memory_space<vmem>>) attributes {dimension_semantics = [#tpu.dimension_semantics<arbitrary>], iteration_bounds = array<i64: 8>, scalar_prefetch = 0 : i64, scratch_operands = 0 : i64, tpu.core_type = #tpu.core_type<tc>, window_params = [{pipeline_mode = #tpu.pipeline_mode<synchronous>, transform_indices = @transform_0, window_bounds = array<i64: 8, 32>}, {transform_indices = @transform_1, window_bounds = array<i64: 32, 32768>}, {transform_indices = @transform_2, window_bounds = array<i64: 8, 32768>}]} {
    %get3A = arith.constant 0 : index
    %get3A_0 = arith.constant 0 : index
    %get3A_1 = vector.load %arg1[%get3A, %get3A_0] : memref<8x32xf32, #tpu.memory_space<vmem>>, vector<8x32xf32>
    %get3A_2 = arith.constant 0 : index
    %get3A_3 = arith.constant 0 : index
    %get3A_4 = vector.load %arg2[%get3A_2, %get3A_3] : memref<32x32768xf32, #tpu.memory_space<vmem>>, vector<32x32768xf32>
    %dot_general3A = arith.constant dense<0.000000e+00> : vector<8x32768xf32>
    %dot_general3A_5 = tpu.matmul %get3A_1, %get3A_4, %dot_general3A {dimension_numbers = #tpu.dot_dimension_numbers<[1], [0], [0], [1], [0, 0, 1, 1], [], []>, transpose_lhs_hint = false} : vector<8x32xf32>, vector<32x32768xf32>, vector<8x32768xf32> -> vector<8x32768xf32>
    %swap3A = arith.constant 0 : index
    %swap3A_6 = arith.constant 0 : index
    %swap3A_7 = vector.load %arg3[%swap3A, %swap3A_6] : memref<8x32768xf32, #tpu.memory_space<vmem>>, vector<8x32768xf32>
    tpu.vector_store %arg3[%swap3A, %swap3A_6], %dot_general3A_5 {strides = array<i32>} : memref<8x32768xf32, #tpu.memory_space<vmem>>, vector<8x32768xf32>,
    return
  }
  func.func @transform_0(%arg0: i32) -> (i32, i32) {
    %c0_i32 = arith.constant 0 : i32
    %c0_i32_0 = arith.constant 0 : i32
    %c0_i32_1 = arith.constant 0 : i32
    return %c0_i32, %c0_i32_0 : i32, i32
  }
  func.func @transform_1(%arg0: i32) -> (i32, i32) {
    %c0_i32 = arith.constant 0 : i32
    %c0_i32_0 = arith.constant 0 : i32
    return %c0_i32, %arg0 : i32, i32
  }
  func.func @transform_2(%arg0: i32) -> (i32, i32) {
    %c0_i32 = arith.constant 0 : i32
    %c0_i32_0 = arith.constant 0 : i32
    return %c0_i32, %arg0 : i32, i32
  }
}

module attributes {stable_mosaic.version = 14 : i64} {
  func.func @k(%arg0: i32, %arg1: memref<400x512xf32, #tpu.memory_space<vmem>>, %arg2: memref<400x8x512xf32, #tpu.memory_space<vmem>>, %arg3: memref<400x128xf32, #tpu.memory_space<vmem>>, %arg4: memref<512x512xf32, #tpu.memory_space<vmem>>, %arg5: memref<1x512xf32, #tpu.memory_space<vmem>>, %arg6: memref<8x512x512xf32, #tpu.memory_space<vmem>>, %arg7: memref<400x512xf32, #tpu.memory_space<vmem>>) attributes {dimension_semantics = [#tpu.dimension_semantics<arbitrary>], iteration_bounds = array<i64: 25>, scalar_prefetch = 0 : i64, scratch_operands = 0 : i64, tpu.core_type = #tpu.core_type<tc>, window_params = [{transform_indices = @transform_0, window_bounds = array<i64: 400, 512>}, {transform_indices = @transform_1, window_bounds = array<i64: 400, 8, 512>}, {transform_indices = @transform_2, window_bounds = array<i64: 400, 128>}, {pipeline_mode = #tpu.pipeline_mode<synchronous>, transform_indices = @transform_3, window_bounds = array<i64: 512, 512>}, {pipeline_mode = #tpu.pipeline_mode<synchronous>, transform_indices = @transform_4, window_bounds = array<i64: 1, 512>}, {pipeline_mode = #tpu.pipeline_mode<synchronous>, transform_indices = @transform_5, window_bounds = array<i64: 8, 512, 512>}, {transform_indices = @transform_6, window_bounds = array<i64: 400, 512>}]} {
    %get3A = arith.constant 0 : index
    %get3A_0 = arith.constant 0 : index
    %get3A_1 = vector.load %arg1[%get3A, %get3A_0] : memref<400x512xf32, #tpu.memory_space<vmem>>, vector<400x512xf32>
    %get3A_2 = arith.constant 0 : index
    %get3A_3 = arith.constant 0 : index
    %get3A_4 = vector.load %arg4[%get3A_2, %get3A_3] : memref<512x512xf32, #tpu.memory_space<vmem>>, vector<512x512xf32>
    %dot_general3A = arith.constant dense<0.000000e+00> : vector<400x512xf32>
    %dot_general3A_5 = tpu.matmul %get3A_1, %get3A_4, %dot_general3A {dimension_numbers = #tpu.dot_dimension_numbers<[1], [0], [0], [1], [0, 0, 1, 1], [], []>, transpose_lhs_hint = false} : vector<400x512xf32>, vector<512x512xf32>, vector<400x512xf32> -> vector<400x512xf32>
    %get3A_6 = arith.constant 0 : index
    %get3A_7 = arith.constant 0 : index
    %get3A_8 = vector.load %arg3[%get3A_6, %get3A_7] : memref<400x128xf32, #tpu.memory_space<vmem>>, vector<400x1xf32>
    %max3A = arith.constant 1.000000e+00 : f32
    %max3A_9 = vector.broadcast %max3A : f32 to vector<400x1xf32>
    %max3A_10 = arith.maximumf %get3A_8, %max3A_9 : vector<400x1xf32>
    %div3A = arith.constant 1.000000e+00 : f32
    %div3A_11 = vector.broadcast %div3A : f32 to vector<400x1xf32>
    %div3A_12 = arith.divf %div3A_11, %max3A_10 : vector<400x1xf32>
    %get3A_13 = arith.constant 0 : index
    %get3A_14 = arith.constant 0 : index
    %get3A_15 = arith.constant 0 : index
    %get3A_16 = vector.load %arg2[%get3A_13, %get3A_14, %get3A_15] : memref<400x8x512xf32, #tpu.memory_space<vmem>>, vector<400x1x512xf32>
    %get3A_17 = vector.shape_cast %get3A_16 : vector<400x1x512xf32> to vector<400x512xf32>
    %mul3A = vector.broadcast %div3A_12 : vector<400x1xf32> to vector<400x512xf32>
    %mul3A_18 = arith.mulf %get3A_17, %mul3A : vector<400x512xf32>
    %get3A_19 = arith.constant 0 : index
    %get3A_20 = arith.constant 0 : index
    %get3A_21 = arith.constant 0 : index
    %get3A_22 = vector.load %arg6[%get3A_19, %get3A_20, %get3A_21] : memref<8x512x512xf32, #tpu.memory_space<vmem>>, vector<1x512x512xf32>
    %get3A_23 = vector.shape_cast %get3A_22 : vector<1x512x512xf32> to vector<512x512xf32>
    %dot_general3A_24 = arith.constant dense<0.000000e+00> : vector<400x512xf32>
    %dot_general3A_25 = tpu.matmul %mul3A_18, %get3A_23, %dot_general3A_24 {dimension_numbers = #tpu.dot_dimension_numbers<[1], [0], [0], [1], [0, 0, 1, 1], [], []>, transpose_lhs_hint = false} : vector<400x512xf32>, vector<512x512xf32>, vector<400x512xf32> -> vector<400x512xf32>
    %add3A = arith.addf %dot_general3A_5, %dot_general3A_25 : vector<400x512xf32>
    %get3A_26 = arith.constant 0 : index
    %get3A_27 = arith.constant 1 : index
    %get3A_28 = vector.load %arg3[%get3A_26, %get3A_27] : memref<400x128xf32, #tpu.memory_space<vmem>>, vector<400x1xf32>
    %max3A_29 = arith.constant 1.000000e+00 : f32
    %max3A_30 = vector.broadcast %max3A_29 : f32 to vector<400x1xf32>
    %max3A_31 = arith.maximumf %get3A_28, %max3A_30 : vector<400x1xf32>
    %div3A_32 = arith.constant 1.000000e+00 : f32
    %div3A_33 = vector.broadcast %div3A_32 : f32 to vector<400x1xf32>
    %div3A_34 = arith.divf %div3A_33, %max3A_31 : vector<400x1xf32>
    %get3A_35 = arith.constant 0 : index
    %get3A_36 = arith.constant 1 : index
    %get3A_37 = arith.constant 0 : index
    %get3A_38 = vector.load %arg2[%get3A_35, %get3A_36, %get3A_37] : memref<400x8x512xf32, #tpu.memory_space<vmem>>, vector<400x1x512xf32>
    %get3A_39 = vector.shape_cast %get3A_38 : vector<400x1x512xf32> to vector<400x512xf32>
    %mul3A_40 = vector.broadcast %div3A_34 : vector<400x1xf32> to vector<400x512xf32>
    %mul3A_41 = arith.mulf %get3A_39, %mul3A_40 : vector<400x512xf32>
    %get3A_42 = arith.constant 1 : index
    %get3A_43 = arith.constant 0 : index
    %get3A_44 = arith.constant 0 : index
    %get3A_45 = vector.load %arg6[%get3A_42, %get3A_43, %get3A_44] : memref<8x512x512xf32, #tpu.memory_space<vmem>>, vector<1x512x512xf32>
    %get3A_46 = vector.shape_cast %get3A_45 : vector<1x512x512xf32> to vector<512x512xf32>
    %dot_general3A_47 = arith.constant dense<0.000000e+00> : vector<400x512xf32>
    %dot_general3A_48 = tpu.matmul %mul3A_41, %get3A_46, %dot_general3A_47 {dimension_numbers = #tpu.dot_dimension_numbers<[1], [0], [0], [1], [0, 0, 1, 1], [], []>, transpose_lhs_hint = false} : vector<400x512xf32>, vector<512x512xf32>, vector<400x512xf32> -> vector<400x512xf32>
    %add3A_49 = arith.addf %add3A, %dot_general3A_48 : vector<400x512xf32>
    %get3A_50 = arith.constant 0 : index
    %get3A_51 = arith.constant 2 : index
    %get3A_52 = vector.load %arg3[%get3A_50, %get3A_51] : memref<400x128xf32, #tpu.memory_space<vmem>>, vector<400x1xf32>
    %max3A_53 = arith.constant 1.000000e+00 : f32
    %max3A_54 = vector.broadcast %max3A_53 : f32 to vector<400x1xf32>
    %max3A_55 = arith.maximumf %get3A_52, %max3A_54 : vector<400x1xf32>
    %div3A_56 = arith.constant 1.000000e+00 : f32
    %div3A_57 = vector.broadcast %div3A_56 : f32 to vector<400x1xf32>
    %div3A_58 = arith.divf %div3A_57, %max3A_55 : vector<400x1xf32>
    %get3A_59 = arith.constant 0 : index
    %get3A_60 = arith.constant 2 : index
    %get3A_61 = arith.constant 0 : index
    %get3A_62 = vector.load %arg2[%get3A_59, %get3A_60, %get3A_61] : memref<400x8x512xf32, #tpu.memory_space<vmem>>, vector<400x1x512xf32>
    %get3A_63 = vector.shape_cast %get3A_62 : vector<400x1x512xf32> to vector<400x512xf32>
    %mul3A_64 = vector.broadcast %div3A_58 : vector<400x1xf32> to vector<400x512xf32>
    %mul3A_65 = arith.mulf %get3A_63, %mul3A_64 : vector<400x512xf32>
    %get3A_66 = arith.constant 2 : index
    %get3A_67 = arith.constant 0 : index
    %get3A_68 = arith.constant 0 : index
    %get3A_69 = vector.load %arg6[%get3A_66, %get3A_67, %get3A_68] : memref<8x512x512xf32, #tpu.memory_space<vmem>>, vector<1x512x512xf32>
    %get3A_70 = vector.shape_cast %get3A_69 : vector<1x512x512xf32> to vector<512x512xf32>
    %dot_general3A_71 = arith.constant dense<0.000000e+00> : vector<400x512xf32>
    %dot_general3A_72 = tpu.matmul %mul3A_65, %get3A_70, %dot_general3A_71 {dimension_numbers = #tpu.dot_dimension_numbers<[1], [0], [0], [1], [0, 0, 1, 1], [], []>, transpose_lhs_hint = false} : vector<400x512xf32>, vector<512x512xf32>, vector<400x512xf32> -> vector<400x512xf32>
    %add3A_73 = arith.addf %add3A_49, %dot_general3A_72 : vector<400x512xf32>
    %get3A_74 = arith.constant 0 : index
    %get3A_75 = arith.constant 3 : index
    %get3A_76 = vector.load %arg3[%get3A_74, %get3A_75] : memref<400x128xf32, #tpu.memory_space<vmem>>, vector<400x1xf32>
    %max3A_77 = arith.constant 1.000000e+00 : f32
    %max3A_78 = vector.broadcast %max3A_77 : f32 to vector<400x1xf32>
    %max3A_79 = arith.maximumf %get3A_76, %max3A_78 : vector<400x1xf32>
    %div3A_80 = arith.constant 1.000000e+00 : f32
    %div3A_81 = vector.broadcast %div3A_80 : f32 to vector<400x1xf32>
    %div3A_82 = arith.divf %div3A_81, %max3A_79 : vector<400x1xf32>
    %get3A_83 = arith.constant 0 : index
    %get3A_84 = arith.constant 3 : index
    %get3A_85 = arith.constant 0 : index
    %get3A_86 = vector.load %arg2[%get3A_83, %get3A_84, %get3A_85] : memref<400x8x512xf32, #tpu.memory_space<vmem>>, vector<400x1x512xf32>
    %get3A_87 = vector.shape_cast %get3A_86 : vector<400x1x512xf32> to vector<400x512xf32>
    %mul3A_88 = vector.broadcast %div3A_82 : vector<400x1xf32> to vector<400x512xf32>
    %mul3A_89 = arith.mulf %get3A_87, %mul3A_88 : vector<400x512xf32>
    %get3A_90 = arith.constant 3 : index
    %get3A_91 = arith.constant 0 : index
    %get3A_92 = arith.constant 0 : index
    %get3A_93 = vector.load %arg6[%get3A_90, %get3A_91, %get3A_92] : memref<8x512x512xf32, #tpu.memory_space<vmem>>, vector<1x512x512xf32>
    %get3A_94 = vector.shape_cast %get3A_93 : vector<1x512x512xf32> to vector<512x512xf32>
    %dot_general3A_95 = arith.constant dense<0.000000e+00> : vector<400x512xf32>
    %dot_general3A_96 = tpu.matmul %mul3A_89, %get3A_94, %dot_general3A_95 {dimension_numbers = #tpu.dot_dimension_numbers<[1], [0], [0], [1], [0, 0, 1, 1], [], []>, transpose_lhs_hint = false} : vector<400x512xf32>, vector<512x512xf32>, vector<400x512xf32> -> vector<400x512xf32>
    %add3A_97 = arith.addf %add3A_73, %dot_general3A_96 : vector<400x512xf32>
    %get3A_98 = arith.constant 0 : index
    %get3A_99 = arith.constant 4 : index
    %get3A_100 = vector.load %arg3[%get3A_98, %get3A_99] : memref<400x128xf32, #tpu.memory_space<vmem>>, vector<400x1xf32>
    %max3A_101 = arith.constant 1.000000e+00 : f32
    %max3A_102 = vector.broadcast %max3A_101 : f32 to vector<400x1xf32>
    %max3A_103 = arith.maximumf %get3A_100, %max3A_102 : vector<400x1xf32>
    %div3A_104 = arith.constant 1.000000e+00 : f32
    %div3A_105 = vector.broadcast %div3A_104 : f32 to vector<400x1xf32>
    %div3A_106 = arith.divf %div3A_105, %max3A_103 : vector<400x1xf32>
    %get3A_107 = arith.constant 0 : index
    %get3A_108 = arith.constant 4 : index
    %get3A_109 = arith.constant 0 : index
    %get3A_110 = vector.load %arg2[%get3A_107, %get3A_108, %get3A_109] : memref<400x8x512xf32, #tpu.memory_space<vmem>>, vector<400x1x512xf32>
    %get3A_111 = vector.shape_cast %get3A_110 : vector<400x1x512xf32> to vector<400x512xf32>
    %mul3A_112 = vector.broadcast %div3A_106 : vector<400x1xf32> to vector<400x512xf32>
    %mul3A_113 = arith.mulf %get3A_111, %mul3A_112 : vector<400x512xf32>
    %get3A_114 = arith.constant 4 : index
    %get3A_115 = arith.constant 0 : index
    %get3A_116 = arith.constant 0 : index
    %get3A_117 = vector.load %arg6[%get3A_114, %get3A_115, %get3A_116] : memref<8x512x512xf32, #tpu.memory_space<vmem>>, vector<1x512x512xf32>
    %get3A_118 = vector.shape_cast %get3A_117 : vector<1x512x512xf32> to vector<512x512xf32>
    %dot_general3A_119 = arith.constant dense<0.000000e+00> : vector<400x512xf32>
    %dot_general3A_120 = tpu.matmul %mul3A_113, %get3A_118, %dot_general3A_119 {dimension_numbers = #tpu.dot_dimension_numbers<[1], [0], [0], [1], [0, 0, 1, 1], [], []>, transpose_lhs_hint = false} : vector<400x512xf32>, vector<512x512xf32>, vector<400x512xf32> -> vector<400x512xf32>
    %add3A_121 = arith.addf %add3A_97, %dot_general3A_120 : vector<400x512xf32>
    %get3A_122 = arith.constant 0 : index
    %get3A_123 = arith.constant 5 : index
    %get3A_124 = vector.load %arg3[%get3A_122, %get3A_123] : memref<400x128xf32, #tpu.memory_space<vmem>>, vector<400x1xf32>
    %max3A_125 = arith.constant 1.000000e+00 : f32
    %max3A_126 = vector.broadcast %max3A_125 : f32 to vector<400x1xf32>
    %max3A_127 = arith.maximumf %get3A_124, %max3A_126 : vector<400x1xf32>
    %div3A_128 = arith.constant 1.000000e+00 : f32
    %div3A_129 = vector.broadcast %div3A_128 : f32 to vector<400x1xf32>
    %div3A_130 = arith.divf %div3A_129, %max3A_127 : vector<400x1xf32>
    %get3A_131 = arith.constant 0 : index
    %get3A_132 = arith.constant 5 : index
    %get3A_133 = arith.constant 0 : index
    %get3A_134 = vector.load %arg2[%get3A_131, %get3A_132, %get3A_133] : memref<400x8x512xf32, #tpu.memory_space<vmem>>, vector<400x1x512xf32>
    %get3A_135 = vector.shape_cast %get3A_134 : vector<400x1x512xf32> to vector<400x512xf32>
    %mul3A_136 = vector.broadcast %div3A_130 : vector<400x1xf32> to vector<400x512xf32>
    %mul3A_137 = arith.mulf %get3A_135, %mul3A_136 : vector<400x512xf32>
    %get3A_138 = arith.constant 5 : index
    %get3A_139 = arith.constant 0 : index
    %get3A_140 = arith.constant 0 : index
    %get3A_141 = vector.load %arg6[%get3A_138, %get3A_139, %get3A_140] : memref<8x512x512xf32, #tpu.memory_space<vmem>>, vector<1x512x512xf32>
    %get3A_142 = vector.shape_cast %get3A_141 : vector<1x512x512xf32> to vector<512x512xf32>
    %dot_general3A_143 = arith.constant dense<0.000000e+00> : vector<400x512xf32>
    %dot_general3A_144 = tpu.matmul %mul3A_137, %get3A_142, %dot_general3A_143 {dimension_numbers = #tpu.dot_dimension_numbers<[1], [0], [0], [1], [0, 0, 1, 1], [], []>, transpose_lhs_hint = false} : vector<400x512xf32>, vector<512x512xf32>, vector<400x512xf32> -> vector<400x512xf32>
    %add3A_145 = arith.addf %add3A_121, %dot_general3A_144 : vector<400x512xf32>
    %get3A_146 = arith.constant 0 : index
    %get3A_147 = arith.constant 6 : index
    %get3A_148 = vector.load %arg3[%get3A_146, %get3A_147] : memref<400x128xf32, #tpu.memory_space<vmem>>, vector<400x1xf32>
    %max3A_149 = arith.constant 1.000000e+00 : f32
    %max3A_150 = vector.broadcast %max3A_149 : f32 to vector<400x1xf32>
    %max3A_151 = arith.maximumf %get3A_148, %max3A_150 : vector<400x1xf32>
    %div3A_152 = arith.constant 1.000000e+00 : f32
    %div3A_153 = vector.broadcast %div3A_152 : f32 to vector<400x1xf32>
    %div3A_154 = arith.divf %div3A_153, %max3A_151 : vector<400x1xf32>
    %get3A_155 = arith.constant 0 : index
    %get3A_156 = arith.constant 6 : index
    %get3A_157 = arith.constant 0 : index
    %get3A_158 = vector.load %arg2[%get3A_155, %get3A_156, %get3A_157] : memref<400x8x512xf32, #tpu.memory_space<vmem>>, vector<400x1x512xf32>
    %get3A_159 = vector.shape_cast %get3A_158 : vector<400x1x512xf32> to vector<400x512xf32>
    %mul3A_160 = vector.broadcast %div3A_154 : vector<400x1xf32> to vector<400x512xf32>
    %mul3A_161 = arith.mulf %get3A_159, %mul3A_160 : vector<400x512xf32>
    %get3A_162 = arith.constant 6 : index
    %get3A_163 = arith.constant 0 : index
    %get3A_164 = arith.constant 0 : index
    %get3A_165 = vector.load %arg6[%get3A_162, %get3A_163, %get3A_164] : memref<8x512x512xf32, #tpu.memory_space<vmem>>, vector<1x512x512xf32>
    %get3A_166 = vector.shape_cast %get3A_165 : vector<1x512x512xf32> to vector<512x512xf32>
    %dot_general3A_167 = arith.constant dense<0.000000e+00> : vector<400x512xf32>
    %dot_general3A_168 = tpu.matmul %mul3A_161, %get3A_166, %dot_general3A_167 {dimension_numbers = #tpu.dot_dimension_numbers<[1], [0], [0], [1], [0, 0, 1, 1], [], []>, transpose_lhs_hint = false} : vector<400x512xf32>, vector<512x512xf32>, vector<400x512xf32> -> vector<400x512xf32>
    %add3A_169 = arith.addf %add3A_145, %dot_general3A_168 : vector<400x512xf32>
    %get3A_170 = arith.constant 0 : index
    %get3A_171 = arith.constant 7 : index
    %get3A_172 = vector.load %arg3[%get3A_170, %get3A_171] : memref<400x128xf32, #tpu.memory_space<vmem>>, vector<400x1xf32>
    %max3A_173 = arith.constant 1.000000e+00 : f32
    %max3A_174 = vector.broadcast %max3A_173 : f32 to vector<400x1xf32>
    %max3A_175 = arith.maximumf %get3A_172, %max3A_174 : vector<400x1xf32>
    %div3A_176 = arith.constant 1.000000e+00 : f32
    %div3A_177 = vector.broadcast %div3A_176 : f32 to vector<400x1xf32>
    %div3A_178 = arith.divf %div3A_177, %max3A_175 : vector<400x1xf32>
    %get3A_179 = arith.constant 0 : index
    %get3A_180 = arith.constant 7 : index
    %get3A_181 = arith.constant 0 : index
    %get3A_182 = vector.load %arg2[%get3A_179, %get3A_180, %get3A_181] : memref<400x8x512xf32, #tpu.memory_space<vmem>>, vector<400x1x512xf32>
    %get3A_183 = vector.shape_cast %get3A_182 : vector<400x1x512xf32> to vector<400x512xf32>
    %mul3A_184 = vector.broadcast %div3A_178 : vector<400x1xf32> to vector<400x512xf32>
    %mul3A_185 = arith.mulf %get3A_183, %mul3A_184 : vector<400x512xf32>
    %get3A_186 = arith.constant 7 : index
    %get3A_187 = arith.constant 0 : index
    %get3A_188 = arith.constant 0 : index
    %get3A_189 = vector.load %arg6[%get3A_186, %get3A_187, %get3A_188] : memref<8x512x512xf32, #tpu.memory_space<vmem>>, vector<1x512x512xf32>
    %get3A_190 = vector.shape_cast %get3A_189 : vector<1x512x512xf32> to vector<512x512xf32>
    %dot_general3A_191 = arith.constant dense<0.000000e+00> : vector<400x512xf32>
    %dot_general3A_192 = tpu.matmul %mul3A_185, %get3A_190, %dot_general3A_191 {dimension_numbers = #tpu.dot_dimension_numbers<[1], [0], [0], [1], [0, 0, 1, 1], [], []>, transpose_lhs_hint = false} : vector<400x512xf32>, vector<512x512xf32>, vector<400x512xf32> -> vector<400x512xf32>
    %add3A_193 = arith.addf %add3A_169, %dot_general3A_192 : vector<400x512xf32>
    %get3A_194 = arith.constant 0 : index
    %get3A_195 = arith.constant 0 : index
    %get3A_196 = vector.load %arg5[%get3A_194, %get3A_195] : memref<1x512xf32, #tpu.memory_space<vmem>>, vector<1x512xf32>
    %add3A_197 = vector.broadcast %get3A_196 : vector<1x512xf32> to vector<400x512xf32>
    %add3A_198 = arith.addf %add3A_193, %add3A_197 : vector<400x512xf32>
    %swap3A = arith.constant 0 : index
    %swap3A_199 = arith.constant 0 : index
    %swap3A_200 = vector.load %arg7[%swap3A, %swap3A_199] : memref<400x512xf32, #tpu.memory_space<vmem>>, vector<400x512xf32>
    tpu.vector_store %arg7[%swap3A, %swap3A_199], %add3A_198 {strides = array<i32>} : memref<400x512xf32, #tpu.memory_space<vmem>>, vector<400x512xf32>,
    return
  }
  func.func @transform_0(%arg0: i32) -> (i32, i32) {
    %c0_i32 = arith.constant 0 : i32
    %c0_i32_0 = arith.constant 0 : i32
    return %arg0, %c0_i32 : i32, i32
  }
  func.func @transform_1(%arg0: i32) -> (i32, i32, i32) {
    %c0_i32 = arith.constant 0 : i32
    %c0_i32_0 = arith.constant 0 : i32
    %c0_i32_1 = arith.constant 0 : i32
    return %arg0, %c0_i32, %c0_i32_0 : i32, i32, i32
  }
  func.func @transform_2(%arg0: i32) -> (i32, i32) {
    %c0_i32 = arith.constant 0 : i32
    %c0_i32_0 = arith.constant 0 : i32
    return %arg0, %c0_i32 : i32, i32
  }
  func.func @transform_3(%arg0: i32) -> (i32, i32) {
    %c0_i32 = arith.constant 0 : i32
    %c0_i32_0 = arith.constant 0 : i32
    %c0_i32_1 = arith.constant 0 : i32
    return %c0_i32, %c0_i32_0 : i32, i32
  }
  func.func @transform_4(%arg0: i32) -> (i32, i32) {
    %c0_i32 = arith.constant 0 : i32
    %c0_i32_0 = arith.constant 0 : i32
    %c0_i32_1 = arith.constant 0 : i32
    return %c0_i32, %c0_i32_0 : i32, i32
  }
  func.func @transform_5(%arg0: i32) -> (i32, i32, i32) {
    %c0_i32 = arith.constant 0 : i32
    %c0_i32_0 = arith.constant 0 : i32
    %c0_i32_1 = arith.constant 0 : i32
    %c0_i32_2 = arith.constant 0 : i32
    return %c0_i32, %c0_i32_0, %c0_i32_1 : i32, i32, i32
  }
  func.func @transform_6(%arg0: i32) -> (i32, i32) {
    %c0_i32 = arith.constant 0 : i32
    %c0_i32_0 = arith.constant 0 : i32
    return %arg0, %c0_i32 : i32, i32
  }
}

</mosaic_0001>

<sc_bundles>
// kernel: kernel.11.cloned.1.call-start
scs
__scs_entry_jumppad:
0x0: {  	(pc) =	sbr.rel $0x88, $3  }
0x1: {  	(tag) =	ssettag $0x0;
	lr =	simm.s32 $0x1  }
0x2: {  	[smem:$0x3F95] =	sst lr;
	_ =	strace $0xD0000000  }
0x3: {  	_ = 	snop  }
0x4: {  	_ = 	snop  }
0x5: {  	_ = 	snop  }
0x6: {  	_ = 	snop  }
0x7: {  	_ = 	snop  }
__scs_overlays_trampoline_lowered:
0x8: {  	[smem:$0x3FA4] =	sst s0  }
0x9: {  	[smem:$0x3FA5] =	sst s1  }
0xa: {  	[smem:$0x3FA6] =	sst s2  }
0xb: {  	[smem:$0x3FA7] =	sst s3  }
0xc: {  	[smem:$0x3FA8] =	sst s4  }
0xd: {  	[smem:$0x3FA9] =	sst s5  }
0xe: {  	[smem:$0x3FAA] =	sst s6  }
0xf: {  	[smem:$0x3FAB] =	sst s7  }
0x10: {  	[smem:$0x3FAC] =	sst s8  }
0x11: {  	[smem:$0x3FAD] =	sst s9;
	s0 =	simm.s32 @!p0 $0x0  }
0x12: {  	s1 =	sld [smem:$0x3F93];
	s0 =	simm.s32 @p0 $0x1  }
0x13: {  	[smem:$0x3FAE] =	sst s0;
	s0 =	simm.s32 @!p1 $0x0  }
0x14: {  	s2 =	sld [smem:$0x3F92];
	s0 =	simm.s32 @p1 $0x1  }
0x15: {  	[smem:$0x3FAF] =	sst s0;
	s0 =	simm.s32 @!p2 $0x0  }
0x16: {  	s3 =	sld [smem:$0x3FDB];
	s0 =	simm.s32 @p2 $0x1  }
0x17: {  	s4 =	simm.s32 $0x1BF5;
	[smem:$0x3FB1] =	sst s0  }
0x18: {  	s0 =	sld [smem:$0x3F94];
	_ =	swait.ge [sflag:s4], $0x0  }
0x19: {  	s7 =	sld [smem:$0x3F95]  }
0x1a: {  	s8 =	sadd.s32 $0xFFFFE003, lr  }
0x1b: {  	s9 =	sadd.s32 $0xFFFFFEF7, lr;
	s5 =	simm.s32 $0xFFFFFFFF;
	p2 =	slt.u32 s8, $0xFFFFF086  }
0x1c: {  	p1 =	slt.u32 s9, $0xF7A;
	s5 =	simm.s32 @!p2 $0x0  }
0x1d: {  	s5 =	simm.s32 @p1 $0x1;
	p0 =	seq.s32 s7, s2  }
0x1e: {  	s7 =	smul.u32 @!p0 $0xF7A, s2;
	p2 =	seq.s32 @!p0 s5, $0x0  }
0x1f: {  	s9 =	smul.u32 $0xF7A, s1;
	s8 =	simm.s32 @!p0 $0x1BF5;
	p2 =	por !p2, p0  }
0x20: {  	[sflag:s8] =	ssyncset.s32 @!p0 $0xFFFFF086;
	s6 =	sadd.s32 @!p0 s3, s7;
	s7 =	simm.s32 @!p0 $0x108  }
0x21: {  	s3 =	sadd.s32 s3, s9;
	s6 =	sadd.s32 @!p0 $0x88, s6;
	s7 =	simm.s32 @p2 $0x1082  }
0x22: {  	[simem:s7], [sflag:s8] =	dma.local @!p0 [hbm:s6], $0xF7A  }
0x23: {  	s9 =	sor.u32 $0xD0000000, s2;
	s6 =	simm.s32 $0x108;
	_ =	swait.ge @!p0 [sflag:s8], $0x0  }
0x24: {  	s3 =	sadd.s32 $0x88, s3;
	s6 =	simm.s32 @!p1 $0x1082;
	[sflag:s4] =	ssyncset.s32 $0xFFFFF086  }
0x25: {  	[simem:s6], [sflag:s4] =	dma.local [hbm:s3], $0xF7A  }
0x26: {  	[smem:$0x3F95] =	sst s1;
	(tag) =	ssettag s2;
	_ =	strace s9  }
0x27: {  	s1 =	sld [smem:$0x3FA5]  }
0x28: {  	s2 =	sld [smem:$0x3FA6]  }
0x29: {  	s4 =	sld [smem:$0x3FA8]  }
0x2a: {  	p0 =	seq.s32 s5, $0x0;
	s5 =	sld [smem:$0x3FA9]  }
0x2b: {  	s6 =	sld [smem:$0x3FAA]  }
0x2c: {  	s7 =	sld [smem:$0x3FAB]  }
0x2d: {  	s3 =	simm.s32 $0x108;
	s8 =	sld [smem:$0x3FAC]  }
0x2e: {  	s3 =	simm.s32 @!p0 $0x1082;
	s9 =	sld [smem:$0x3FAD]  }
0x2f: {  	lr =	sadd.s32 s0, s3;
	s0 =	sld [smem:$0x3FA4]  }
0x30: {  	s3 =	sld [smem:$0x3FA7]  }
0x31: {  	[smem:$0x3FB0] =	sst s10  }
0x32: {  	s10 =	sld [smem:$0x3FAE];
	_ =	sdelay $0x3  }
0x33: {  	p0 =	seq.s32 s10, $0x1;
	s10 =	sld [smem:$0x3FB0];
	_ =	sdelay $0x3  }
0x34: {  	[smem:$0x3FB0] =	sst s10  }
0x35: {  	s10 =	sld [smem:$0x3FAF];
	_ =	sdelay $0x3  }
0x36: {  	p1 =	seq.s32 s10, $0x1;
	s10 =	sld [smem:$0x3FB0];
	_ =	sdelay $0x3  }
0x37: {  	[smem:$0x3FB0] =	sst s10  }
0x38: {  	s10 =	sld [smem:$0x3FB1]  }
0x39: {  	_ = 	snop;
	(pc) =	sbr.ind lr, $3  }
0x3a: {  	_ = 	snop  }
0x3b: {  	_ = 	snop  }
0x3c: {  	p2 =	seq.s32 s10, $0x1;
	s10 =	sld [smem:$0x3FB0]  }
0x3d: {  	_ =	shalt  }
0x3e: {  	_ =	shalt  }
0x3f: {  	_ =	shalt  }
0x40: {  	_ =	shalt  }
0x41: {  	_ =	shalt  }
0x42: {  	_ =	shalt  }
0x43: {  	_ =	shalt  }
0x44: {  	_ =	shalt  }
0x45: {  	_ =	shalt  }
0x46: {  	_ =	shalt  }
0x47: {  	_ =	shalt  }
0x48: {  	_ =	shalt  }
0x49: {  	_ =	shalt  }
0x4a: {  	_ =	shalt  }
0x4b: {  	_ =	shalt  }
0x4c: {  	_ =	shalt  }
0x4d: {  	_ =	shalt  }
0x4e: {  	_ =	shalt  }
0x4f: {  	_ =	shalt  }
0x50: {  	_ =	shalt  }
0x51: {  	_ =	shalt  }
0x52: {  	_ =	shalt  }
0x53: {  	_ =	shalt  }
0x54: {  	_ =	shalt  }
0x55: {  	_ =	shalt  }
0x56: {  	_ =	shalt  }
0x57: {  	_ =	shalt  }
0x58: {  	_ =	shalt  }
0x59: {  	_ =	shalt  }
0x5a: {  	_ =	shalt  }
0x5b: {  	_ =	shalt  }
0x5c: {  	_ =	shalt  }
0x5d: {  	_ =	shalt  }
0x5e: {  	_ =	shalt  }
0x5f: {  	_ =	shalt  }
0x60: {  	_ =	shalt  }
0x61: {  	_ =	shalt  }
0x62: {  	_ =	shalt  }
0x63: {  	_ =	shalt  }
0x64: {  	_ =	shalt  }
0x65: {  	_ =	shalt  }
0x66: {  	_ =	shalt  }
0x67: {  	_ =	shalt  }
0x68: {  	_ =	shalt  }
0x69: {  	_ =	shalt  }
0x6a: {  	_ =	shalt  }
0x6b: {  	_ =	shalt  }
0x6c: {  	_ =	shalt  }
0x6d: {  	_ =	shalt  }
0x6e: {  	_ =	shalt  }
0x6f: {  	_ =	shalt  }
0x70: {  	_ =	shalt  }
0x71: {  	_ =	shalt  }
0x72: {  	_ =	shalt  }
0x73: {  	_ =	shalt  }
0x74: {  	_ =	shalt  }
0x75: {  	_ =	shalt  }
0x76: {  	_ =	shalt  }
0x77: {  	_ =	shalt  }
0x78: {  	_ =	shalt  }
0x79: {  	_ =	shalt  }
0x7a: {  	_ =	shalt  }
0x7b: {  	_ =	shalt  }
0x7c: {  	_ =	shalt  }
0x7d: {  	_ =	shalt  }
0x7e: {  	_ =	shalt  }
0x7f: {  	_ =	shalt  }
0x80: {  	_ =	shalt  }
0x81: {  	_ =	shalt  }
0x82: {  	_ =	shalt  }
0x83: {  	_ =	shalt  }
0x84: {  	_ =	shalt  }
0x85: {  	_ =	shalt  }
0x86: {  	_ =	shalt  }
0x87: {  	_ =	shalt  }
.Lfunc_end0:
.L_simem_size_0:
called_computation.1_lowered:
.L_overlay_start_0:
0x88: {  	s2 =	sld [smem:$0x3FD9]  }
0x89: {  	s3 =	sld [smem:$0x3FFE];
	_ =	sdelay $0x1  }
0x8a: {  	s1 =	srdreg.scid  }
0x8b: {  	s0 =	sand.u32 $0x1, s1  }
0x8c: {  	s16 =	sshll.u32 s0, $0xA;
	s2 =	sadd.s32 s3, s2  }
0x8d: {  	s2 =	sadd.s32 s2, s16  }
0x8e: {  	[smem:$0x3FBC] =	sst s2  }
0x8f: {  	_ = 	snop  }
0x90: {  	(tm) =	ssettm $0x1  }
0x91: {  	s17 =	sld [smem:$0x3FFB];
	_ =	sdelay $0x3  }
0x92: {  	_ =	strace s17  }
0x93: {  	s2 =	sld [smem:$0x3FFC];
	_ =	sdelay $0x3  }
0x94: {  	_ =	strace s2  }
0x95: {  	s2 =	sld [smem:$0x3FFD];
	_ =	sdelay $0x3  }
0x96: {  	_ =	strace s2  }
0x97: {  	_ =	strace $0x8FFFFFFF  }
0x98: {  	s18 =	sld [smem:$0x3FDB];
	_ =	sdelay $0x1  }
0x99: {  	s19 =	simm.s32 $_scs_section_size  }
0x9a: {  	s4 =	simm.s32 $_size__tile_overlayer_lowered;
	s5 =	simm.s32 $_tile_overlayer_lowered  }
0x9b: {  	s22 =	simm.s32 $0x1BFF;
	s21 =	sshll.u32 s5, $0x1;
	s2 =	sadd.s32 s19, s18  }
0x9c: {  	s6 =	simm.s32 $0x0;
	s20 =	sshll.u32 s4, $0x1;
	s4 =	sadd.s32 s21, s2  }
0x9d: {  	[timem:s6], [sflag:s22] =	dma.local [hbm:s4], s20  }
0x9e: {  	_ =	swait.ge [sflag:s22], s20  }
0x9f: {  	s3 =	ssub.s32 $0x0, s20;
	[sflag:s22] =	ssyncset.done $0x0  }
0xa0: {  	[sflag:s22] =	ssyncadd.s32 s3;
	_ =	sdelay $0x1  }
0xa1: {  	s23 =	simm.s32 $0x1B8B  }
0xa2: {  	_ =	swait.ge [sflag:s23], $0x1  }
0xa3: {  	[sflag:s23] =	ssyncset.done $0x0  }
0xa4: {  	s25 =	simm.s32 $0x1B8E;
	s24 =	sld [smem:$0x3FFE];
	[sflag:s23] =	ssyncadd.s32 $0xFFFFFFFF  }
0xa5: {  	s26 =	simm.s32 $execute0_lowered;
	[smem:$0x3FD2] =	sst s25  }
0xa6: {  	s4 =	sshll.u32 s26, $0x1;
	_ =	strace $0x80000046;
	[dreg:$0x1] =	wrdreg $0xFFFFFFFF  }
0xa7: {  	s28 =	simm.s32 $_size_execute0_lowered;
	s2 =	sadd.s32 s2, s4;
	[dreg:$0x0] =	wrdreg $0x0  }
0xa8: {  	s4 =	sshll.u32 s28, $0x1;
	[dreg:$0x2] =	wrdreg s2  }
0xa9: {  	[dreg:$0x3] =	wrdreg s4  }
0xaa: {  	[dreg:$0x4] =	wrdreg $0xC0  }
0xab: {  	_ =	task [dreg:s6], $0x5FFFF  }
0xac: {  	[dreg:$0x1] =	wrdreg $0xFFFFFFFF  }
0xad: {  	[dreg:$0x0] =	wrdreg $0x60  }
0xae: {  	[dreg:$0x2] =	wrdreg s24  }
0xaf: {  	[dreg:$0x3] =	wrdreg $0x9  }
0xb0: {  	_ =	task.clear_ibuf [dreg:s6], $0x4FFFF;
	_ =	strace $0x90000046  }
0xb1: {  	s29 =	simm.s32 $0x9;
	_ =	strace $0x80000048  }
0xb2: {  	_ =	swait.ge [sflag:s29], $0x1  }
0xb3: {  	[sflag:s29] =	ssyncadd.s32 $0xFFFFFFFF  }
0xb4: {  	_ =	strace $0x90000048  }
0xb5: {  	_ =	sfence  }
0xb6: {  	s30 =	sld [smem:$0x0];
	_ =	sdelay $0x2  }
0xb7: {  	s31 =	sshll.u32 s1, $0xD;
	s1 =	sshrl.u32 s1, $0x2  }
0xb8: {  	s3 =	sand.u32 $0x4000, s31;
	s1 =	sadd.s32 s1, s30  }
0xb9: {  	s0 =	sor.u32 s3, s0;
	s1 =	sshll.u32 s1, $0x11  }
0xba: {  	s0 =	sor.u32 s1, s0  }
0xbb: {  	s0 =	sadd.s32 $0x8F2B, s0  }
0xbc: {  	[sflag:s0] =	ssyncadd.remote.s32 $0x1  }
0xbd: {  	_ =	sfence.sel $0xFFFF  }
0xbe: {  	[dreg:$0x0] =	wrdreg $0xFFFFFFFF;
	(pc) =	sbr.abs _section_cstart, $3  }
0xbf: {  	[dreg:$0x1] =	wrdreg $0xFFFFFFFF  }
0xc0: {  	_ =	task.clear_ibuf [dreg:s6], $0x2FFFF;
	_ =	strace $0x9FFFFFFF  }
0xc1: {  	(tm) =	ssettm $0x7FFFFFFF  }
tec
execute0_lowered:
.L_overlay_start_1:
0x0: {  	(tag) =	ssettag $0x1  }
0x1: {  	s0 =	srdreg.scid  }
0x2: {  	s4 =	rddreg [dreg:$0x0];
	s2 =	simm.s32 $0x0;
	s8 =	simm.s32 $0x1  }
0x3: {  	s9 =	simm.s32 $0x1400;
	s10 =	simm.s32 $0x3C00;
	s3 =	sand.u32 $0x1, s0  }
0x4: {  	s11 =	simm.s32 $0x2800;
	s0 =	stileid.u32;
	s1 =	sshll.u32 s3, $0x4  }
0x5: {  	s12 =	simm.s32 $0x80;
	s13 =	simm.s32 $0x400;
	s5 =	sor.u32 s0, s1  }
0x6: {  	s14 =	simm.s32 $0x0;
	[smem:$0x7FF] =	sst s2;
	s6 =	sshrl.u32 s5, $0x3  }
0x7: {  	s7 =	sshll.u32 s0, $0x7;
	s3 =	ssub.s32 $0x2, s3;
	s6 =	smul.u32 $0xA0000, s6  }
0x8: {  	s1 =	rddreg [dreg:$0x1];
	s7 =	sand.u32 $0x380, s7;
	s5 =	smul.u32 $0x280, s5  }
0x9: {  	_ =	strace $0x80000047;
	s31 =	sshrl.u32 s3, $0x1;
	s6 =	sor.u32 s7, s6  }
0xa: {  	s5 =	sadd.s32 s5, s4;
	s7 =	ssub.s32 s3, s31;
	s6 =	sshrl.u32 s6, $0x3  }
0xb: {  	s3 =	sadd.s32 $0x5600, s5;
	s7 =	smax.u32 s7, $0x1;
	s6 =	sadd.s32 s6, s4  }
0xc: {  	v0 =	vimm.f32 $0.0e+00;
	v1 =	vimm.f32 $1.000000000e+00;
	s4 =	sadd.s32 $0xA600, s5;
	s5 =	sadd.s32 $0x5F600, s5;
	s6 =	sadd.s32 $0xF600, s6  }
.LBB2_1:
0xd: {  	[tilespmem:s2], [sflag:$0x1] =	stream.linear.gather [hbm4b:s3+s2], $0x1400, $0x38;
	[tilespmem:$0x17C00] =	vst v63  }
0xe: {  	_ =	swait.ge [sflag:s8], $0x1400  }
0xf: {  	[sflag:s8] =	ssyncset.done $0x0  }
0x10: {  	[sflag:s8] =	ssyncadd.s32 $0xFFFFEC00  }
0x11: {  	[tilespmem:s9], [sflag:$0x1] =	stream.linear.gather [hbm4b:s4+s2], $0x1400, $0x38;
	[tilespmem:$0x17C00] =	vst v63  }
0x12: {  	_ =	swait.ge [sflag:s8], $0x1400  }
0x13: {  	[sflag:s8] =	ssyncset.done $0x0  }
0x14: {  	s15 =	simm.s32 $0x0;
	[sflag:s8] =	ssyncadd.s32 $0xFFFFEC00  }
.LBB2_2:
0x15: {  	p0 =	sne.s32 s15, $0x4FFC0  }
.Ltmp0:
0x16: {  	_ = 	snop;
	(pc) =	sbr.rel @p0 .LBB2_2-.Ltmp0, $3  }
0x17: {  	_ =	sdelay $0x1  }
0x18: {  	s16 =	sshra.s32 s15, $0x2  }
0x19: {  	s15 =	sadd.s32 $0x40, s15;
	[tilespmem:s16+$0x3C00] =	vst v0  }
0x1a: {  	s15 =	simm.s32 $0x0;
	s16 =	simm.s32 $0x40  }
.LBB2_4:
0x1b: {  	p0 =	sne.s32 s16, $0x4FC0;
	v2 =	vld [tilespmem:s15+$0x0]  }
0x1c: {  	v3 =	vld [tilespmem:s15+$0x1400];
	_ =	sdelay $0x3  }
0x1d: {  	v2 =	vshll.u32 v2, $0x3  }
0x1e: {  	v2 =	vadd.s32 v3, v2  }
.Ltmp1:
0x1f: {  	(pc) =	sbr.rel @p0 .LBB2_4-.Ltmp1, $3  }
0x20: {  	_ =	sdelay $0x1  }
0x21: {  	[tilespmem:s15+$0x2800] =	vst v2  }
0x22: {  	s15 =	sshra.s32 s16, $0x2;
	s16 =	sadd.s32 $0x40, s16;
	[tilespmem:v2+s10+$0x0] =	vst.idx.add.f32.msk $0xffff, v1  }
0x23: {  	v2 =	vld [tilespmem:s15+$0x0]  }
0x24: {  	v3 =	vld [tilespmem:s15+$0x1400];
	_ =	sdelay $0x3  }
0x25: {  	v2 =	vshll.u32 v2, $0x3  }
0x26: {  	v2 =	vadd.s32 v3, v2;
	_ =	sdelay $0x3  }
0x27: {  	[tilespmem:s15+$0x2800] =	vst v2  }
0x28: {  	[tilespmem:v2+s10+$0x0] =	vst.idx.add.f32.msk $0xffff, v1  }
0x29: {  	[hbm4b:s5+s2] =	stream.linear.scatter [tilespmem:s11], [sflag:$0x1], $0x1400, $0x38;
	[tilespmem:$0x17C00] =	vst v63  }
0x2a: {  	s14 =	sadd.s32 $0x1, s14;
	_ =	swait.ge [sflag:s8], $0x1400  }
0x2b: {  	p0 =	sne.s32 s14, s7;
	[sflag:s8] =	ssyncset.done $0x0  }
.Ltmp2:
0x2c: {  	[sflag:s8] =	ssyncadd.s32 $0xFFFFEC00;
	(pc) =	sbr.rel @p0 .LBB2_1-.Ltmp2, $4  }
0x2d: {  	[hbm4b:s6+s12] =	stream.strided.scatter [tilespmem:s10], [sflag:$0x1], $0x14000, s13, s12, $0x38;
	[tilespmem:$0x17C00] =	vst v63  }
0x2e: {  	_ =	swait.ge [sflag:s8], $0x14000  }
0x2f: {  	[sflag:s8] =	ssyncset.done $0x0  }
0x30: {  	[sflag:s8] =	ssyncadd.s32 $0xFFFEC000  }
0x31: {  	_ =	sfence.sel $0x180000  }
0x32: {  	[bflag:$0x0] =	sbarrier.arrive $0xFFFF  }
0x33: {  	p0 =	sne.s32 s0, $0x0;
	_ =	strace $0x90000047  }
0x34: {  	s0 =	sadd.s32 @!p0 $0x100000, s1;
	[bflag:$0x2] =	sbarrier.arrive $0xFFFF  }
0x35: {  	[sflag:s0] =	ssyncadd.tile.s32 @!p0 $0x1;
	_ =	shalt  }
.Lfunc_end2:
_tile_overlayer_lowered:
.L_overlay_start_2:
0x36: {  	(tag) =	ssettag $0x2  }
0x37: {  	s0 =	rddreg [dreg:$0x0];
	s2 =	stileid.u32  }
0x38: {  	s1 =	rddreg [dreg:$0x1];
	p0 =	sne.s32 s2, $0x0  }
0x39: {  	s3 =	rddreg [dreg:$0x2];
	[bflag:$0x3] =	sbarrier.arrive $0xFFFF;
	s2 =	simm.s32 @!p0 $0x1C01  }
0x3a: {  	[timem:s3], [sflag:s2] =	dma.local @!p0 [hbm:s0], s1  }
0x3b: {  	s0 =	simm.s32 @!p0 $0x1  }
0x3c: {  	_ =	swait.ge @!p0 [sflag:s0], s1  }
0x3d: {  	s1 =	ssub.s32 @!p0 $0x0, s1;
	[sflag:s0] =	ssyncset.done @!p0 $0x0  }
0x3e: {  	[sflag:s0] =	ssyncadd.s32 @!p0 s1  }
0x3f: {  	[bflag:$0x3] =	sbarrier.arrive $0xFFFF  }
0x40: {  	_ =	shalt  }

// kernel: kernel.14.cloned.1.call-start
scs
__scs_entry_jumppad:
0x0: {  	(pc) =	sbr.rel $0x88, $3  }
0x1: {  	(tag) =	ssettag $0x0;
	lr =	simm.s32 $0x1  }
0x2: {  	[smem:$0x3F95] =	sst lr;
	_ =	strace $0xD0000000  }
0x3: {  	_ = 	snop  }
0x4: {  	_ = 	snop  }
0x5: {  	_ = 	snop  }
0x6: {  	_ = 	snop  }
0x7: {  	_ = 	snop  }
__scs_overlays_trampoline_lowered:
0x8: {  	[smem:$0x3FA4] =	sst s0  }
0x9: {  	[smem:$0x3FA5] =	sst s1  }
0xa: {  	[smem:$0x3FA6] =	sst s2  }
0xb: {  	[smem:$0x3FA7] =	sst s3  }
0xc: {  	[smem:$0x3FA8] =	sst s4  }
0xd: {  	[smem:$0x3FA9] =	sst s5  }
0xe: {  	[smem:$0x3FAA] =	sst s6  }
0xf: {  	[smem:$0x3FAB] =	sst s7  }
0x10: {  	[smem:$0x3FAC] =	sst s8  }
0x11: {  	[smem:$0x3FAD] =	sst s9;
	s0 =	simm.s32 @!p0 $0x0  }
0x12: {  	s1 =	sld [smem:$0x3F93];
	s0 =	simm.s32 @p0 $0x1  }
0x13: {  	[smem:$0x3FAE] =	sst s0;
	s0 =	simm.s32 @!p1 $0x0  }
0x14: {  	s2 =	sld [smem:$0x3F92];
	s0 =	simm.s32 @p1 $0x1  }
0x15: {  	[smem:$0x3FAF] =	sst s0;
	s0 =	simm.s32 @!p2 $0x0  }
0x16: {  	s3 =	sld [smem:$0x3FDB];
	s0 =	simm.s32 @p2 $0x1  }
0x17: {  	s4 =	simm.s32 $0x1BF5;
	[smem:$0x3FB1] =	sst s0  }
0x18: {  	s0 =	sld [smem:$0x3F94];
	_ =	swait.ge [sflag:s4], $0x0  }
0x19: {  	s7 =	sld [smem:$0x3F95]  }
0x1a: {  	s8 =	sadd.s32 $0xFFFFE003, lr  }
0x1b: {  	s9 =	sadd.s32 $0xFFFFFEF7, lr;
	s5 =	simm.s32 $0xFFFFFFFF;
	p2 =	slt.u32 s8, $0xFFFFF086  }
0x1c: {  	p1 =	slt.u32 s9, $0xF7A;
	s5 =	simm.s32 @!p2 $0x0  }
0x1d: {  	s5 =	simm.s32 @p1 $0x1;
	p0 =	seq.s32 s7, s2  }
0x1e: {  	s7 =	smul.u32 @!p0 $0xF7A, s2;
	p2 =	seq.s32 @!p0 s5, $0x0  }
0x1f: {  	s9 =	smul.u32 $0xF7A, s1;
	s8 =	simm.s32 @!p0 $0x1BF5;
	p2 =	por !p2, p0  }
0x20: {  	[sflag:s8] =	ssyncset.s32 @!p0 $0xFFFFF086;
	s6 =	sadd.s32 @!p0 s3, s7;
	s7 =	simm.s32 @!p0 $0x108  }
0x21: {  	s3 =	sadd.s32 s3, s9;
	s6 =	sadd.s32 @!p0 $0x88, s6;
	s7 =	simm.s32 @p2 $0x1082  }
0x22: {  	[simem:s7], [sflag:s8] =	dma.local @!p0 [hbm:s6], $0xF7A  }
0x23: {  	s9 =	sor.u32 $0xD0000000, s2;
	s6 =	simm.s32 $0x108;
	_ =	swait.ge @!p0 [sflag:s8], $0x0  }
0x24: {  	s3 =	sadd.s32 $0x88, s3;
	s6 =	simm.s32 @!p1 $0x1082;
	[sflag:s4] =	ssyncset.s32 $0xFFFFF086  }
0x25: {  	[simem:s6], [sflag:s4] =	dma.local [hbm:s3], $0xF7A  }
0x26: {  	[smem:$0x3F95] =	sst s1;
	(tag) =	ssettag s2;
	_ =	strace s9  }
0x27: {  	s1 =	sld [smem:$0x3FA5]  }
0x28: {  	s2 =	sld [smem:$0x3FA6]  }
0x29: {  	s4 =	sld [smem:$0x3FA8]  }
0x2a: {  	p0 =	seq.s32 s5, $0x0;
	s5 =	sld [smem:$0x3FA9]  }
0x2b: {  	s6 =	sld [smem:$0x3FAA]  }
0x2c: {  	s7 =	sld [smem:$0x3FAB]  }
0x2d: {  	s3 =	simm.s32 $0x108;
	s8 =	sld [smem:$0x3FAC]  }
0x2e: {  	s3 =	simm.s32 @!p0 $0x1082;
	s9 =	sld [smem:$0x3FAD]  }
0x2f: {  	lr =	sadd.s32 s0, s3;
	s0 =	sld [smem:$0x3FA4]  }
0x30: {  	s3 =	sld [smem:$0x3FA7]  }
0x31: {  	[smem:$0x3FB0] =	sst s10  }
0x32: {  	s10 =	sld [smem:$0x3FAE];
	_ =	sdelay $0x3  }
0x33: {  	p0 =	seq.s32 s10, $0x1;
	s10 =	sld [smem:$0x3FB0];
	_ =	sdelay $0x3  }
0x34: {  	[smem:$0x3FB0] =	sst s10  }
0x35: {  	s10 =	sld [smem:$0x3FAF];
	_ =	sdelay $0x3  }
0x36: {  	p1 =	seq.s32 s10, $0x1;
	s10 =	sld [smem:$0x3FB0];
	_ =	sdelay $0x3  }
0x37: {  	[smem:$0x3FB0] =	sst s10  }
0x38: {  	s10 =	sld [smem:$0x3FB1]  }
0x39: {  	_ = 	snop;
	(pc) =	sbr.ind lr, $3  }
0x3a: {  	_ = 	snop  }
0x3b: {  	_ = 	snop  }
0x3c: {  	p2 =	seq.s32 s10, $0x1;
	s10 =	sld [smem:$0x3FB0]  }
0x3d: {  	_ =	shalt  }
0x3e: {  	_ =	shalt  }
0x3f: {  	_ =	shalt  }
0x40: {  	_ =	shalt  }
0x41: {  	_ =	shalt  }
0x42: {  	_ =	shalt  }
0x43: {  	_ =	shalt  }
0x44: {  	_ =	shalt  }
0x45: {  	_ =	shalt  }
0x46: {  	_ =	shalt  }
0x47: {  	_ =	shalt  }
0x48: {  	_ =	shalt  }
0x49: {  	_ =	shalt  }
0x4a: {  	_ =	shalt  }
0x4b: {  	_ =	shalt  }
0x4c: {  	_ =	shalt  }
0x4d: {  	_ =	shalt  }
0x4e: {  	_ =	shalt  }
0x4f: {  	_ =	shalt  }
0x50: {  	_ =	shalt  }
0x51: {  	_ =	shalt  }
0x52: {  	_ =	shalt  }
0x53: {  	_ =	shalt  }
0x54: {  	_ =	shalt  }
0x55: {  	_ =	shalt  }
0x56: {  	_ =	shalt  }
0x57: {  	_ =	shalt  }
0x58: {  	_ =	shalt  }
0x59: {  	_ =	shalt  }
0x5a: {  	_ =	shalt  }
0x5b: {  	_ =	shalt  }
0x5c: {  	_ =	shalt  }
0x5d: {  	_ =	shalt  }
0x5e: {  	_ =	shalt  }
0x5f: {  	_ =	shalt  }
0x60: {  	_ =	shalt  }
0x61: {  	_ =	shalt  }
0x62: {  	_ =	shalt  }
0x63: {  	_ =	shalt  }
0x64: {  	_ =	shalt  }
0x65: {  	_ =	shalt  }
0x66: {  	_ =	shalt  }
0x67: {  	_ =	shalt  }
0x68: {  	_ =	shalt  }
0x69: {  	_ =	shalt  }
0x6a: {  	_ =	shalt  }
0x6b: {  	_ =	shalt  }
0x6c: {  	_ =	shalt  }
0x6d: {  	_ =	shalt  }
0x6e: {  	_ =	shalt  }
0x6f: {  	_ =	shalt  }
0x70: {  	_ =	shalt  }
0x71: {  	_ =	shalt  }
0x72: {  	_ =	shalt  }
0x73: {  	_ =	shalt  }
0x74: {  	_ =	shalt  }
0x75: {  	_ =	shalt  }
0x76: {  	_ =	shalt  }
0x77: {  	_ =	shalt  }
0x78: {  	_ =	shalt  }
0x79: {  	_ =	shalt  }
0x7a: {  	_ =	shalt  }
0x7b: {  	_ =	shalt  }
0x7c: {  	_ =	shalt  }
0x7d: {  	_ =	shalt  }
0x7e: {  	_ =	shalt  }
0x7f: {  	_ =	shalt  }
0x80: {  	_ =	shalt  }
0x81: {  	_ =	shalt  }
0x82: {  	_ =	shalt  }
0x83: {  	_ =	shalt  }
0x84: {  	_ =	shalt  }
0x85: {  	_ =	shalt  }
0x86: {  	_ =	shalt  }
0x87: {  	_ =	shalt  }
.Lfunc_end0:
.L_simem_size_0:
called_computation.2_lowered:
.L_overlay_start_0:
0x88: {  	s2 =	sld [smem:$0x3FD9]  }
0x89: {  	s3 =	sld [smem:$0x3FFE];
	_ =	sdelay $0x1  }
0x8a: {  	s1 =	srdreg.scid  }
0x8b: {  	s0 =	sand.u32 $0x1, s1  }
0x8c: {  	s17 =	sshll.u32 s0, $0xA;
	s2 =	sadd.s32 s3, s2  }
0x8d: {  	s2 =	sadd.s32 s2, s17  }
0x8e: {  	[smem:$0x3FBC] =	sst s2  }
0x8f: {  	_ = 	snop  }
0x90: {  	(tm) =	ssettm $0x1  }
0x91: {  	s18 =	sld [smem:$0x3FFB];
	_ =	sdelay $0x3  }
0x92: {  	_ =	strace s18  }
0x93: {  	s2 =	sld [smem:$0x3FFC];
	_ =	sdelay $0x3  }
0x94: {  	_ =	strace s2  }
0x95: {  	s2 =	sld [smem:$0x3FFD];
	_ =	sdelay $0x3  }
0x96: {  	_ =	strace s2  }
0x97: {  	_ =	strace $0x8FFFFFFF  }
0x98: {  	s19 =	sld [smem:$0x3FDB];
	_ =	sdelay $0x1  }
0x99: {  	s20 =	simm.s32 $_scs_section_size  }
0x9a: {  	s4 =	simm.s32 $_size__tile_overlayer_lowered;
	s5 =	simm.s32 $_tile_overlayer_lowered  }
0x9b: {  	s6 =	simm.s32 $0x1BFF;
	s21 =	sshll.u32 s5, $0x1;
	s3 =	sadd.s32 s20, s19  }
0x9c: {  	s22 =	simm.s32 $0x0;
	s4 =	sshll.u32 s4, $0x1;
	s5 =	sadd.s32 s21, s3  }
0x9d: {  	[timem:s22], [sflag:s6] =	dma.local [hbm:s5], s4  }
0x9e: {  	_ =	swait.ge [sflag:s6], s4  }
0x9f: {  	s4 =	ssub.s32 $0x0, s4;
	[sflag:s6] =	ssyncset.done $0x0  }
0xa0: {  	[sflag:s6] =	ssyncadd.s32 s4;
	_ =	sdelay $0x1  }
0xa1: {  	s23 =	simm.s32 $0x1B8B  }
0xa2: {  	_ =	swait.ge [sflag:s23], $0x1  }
0xa3: {  	[sflag:s23] =	ssyncset.done $0x0  }
0xa4: {  	[sflag:s23] =	ssyncadd.s32 $0xFFFFFFFF  }
0xa5: {  	s4 =	sld [smem:$0x0]  }
0xa6: {  	s5 =	sand.u32 $0xFFFFFFFE, s1  }
0xa7: {  	p0 =	sne.s32 s1, s5  }
0xa8: {  	s5 =	sshll.u32 @p0 s5, $0xE  }
0xa9: {  	s5 =	sadd.s32 @p0 $0x11B8D, s5;
	s6 =	sshll.u32 @p0 s4, $0x11  }
0xaa: {  	s5 =	sor.u32 @p0 s6, s5  }
0xab: {  	[sflag:s5] =	ssyncadd.remote.s32 @p0 $0x1;
	_ =	sdelay $0x1  }
0xac: {  	s5 =	simm.s32 @p0 $0x1B8D  }
0xad: {  	_ =	swait.eq @p0 [sflag:s5], $0x1  }
0xae: {  	[sflag:s5] =	ssyncadd.s32 @p0 $0xFFFFFFFF  }
0xaf: {  	s6 =	sshll.u32 @!p0 s1, $0xE  }
0xb0: {  	s6 =	sor.u32 @!p0 $0x4000, s6;
	s5 =	simm.s32 @!p0 $0x1B8D  }
0xb1: {  	s4 =	sshll.u32 @!p0 s4, $0x11;
	s6 =	sadd.s32 @!p0 $0x11B8D, s6;
	_ =	swait.eq @!p0 [sflag:s5], $0x1  }
0xb2: {  	s4 =	sor.u32 @!p0 s4, s6;
	[sflag:s5] =	ssyncadd.s32 @!p0 $0xFFFFFFFF  }
0xb3: {  	s25 =	simm.s32 $0x1B8E;
	s24 =	sld [smem:$0x3FFE];
	[sflag:s4] =	ssyncadd.remote.s32 @!p0 $0x1  }
0xb4: {  	s26 =	simm.s32 $execute0_lowered;
	[smem:$0x3FD2] =	sst s25  }
0xb5: {  	s5 =	sshll.u32 s26, $0x1;
	_ =	strace $0x8000004C;
	[dreg:$0x1] =	wrdreg $0xFFFFFFFF  }
0xb6: {  	s28 =	simm.s32 $_size_execute0_lowered;
	s3 =	sadd.s32 s3, s5;
	[dreg:$0x0] =	wrdreg $0x0  }
0xb7: {  	s5 =	sshll.u32 s28, $0x1;
	[dreg:$0x2] =	wrdreg s3  }
0xb8: {  	[dreg:$0x3] =	wrdreg s5  }
0xb9: {  	[dreg:$0x4] =	wrdreg $0xC0  }
0xba: {  	_ =	task [dreg:s22], $0x5FFFF  }
0xbb: {  	[dreg:$0x1] =	wrdreg $0xFFFFFFFF  }
0xbc: {  	[dreg:$0x0] =	wrdreg $0x60  }
0xbd: {  	[dreg:$0x2] =	wrdreg s24  }
0xbe: {  	[dreg:$0x3] =	wrdreg $0xA  }
0xbf: {  	_ =	task.clear_ibuf [dreg:s22], $0x4FFFF;
	_ =	strace $0x9000004C  }
0xc0: {  	s29 =	simm.s32 $0xA;
	_ =	strace $0x8000004E  }
0xc1: {  	_ =	swait.ge [sflag:s29], $0x1  }
0xc2: {  	[sflag:s29] =	ssyncadd.s32 $0xFFFFFFFF  }
0xc3: {  	_ =	strace $0x9000004E  }
0xc4: {  	_ =	sfence  }
0xc5: {  	s30 =	sld [smem:$0x0];
	_ =	sdelay $0x2  }
0xc6: {  	s31 =	sshll.u32 s1, $0xD;
	s1 =	sshrl.u32 s1, $0x2  }
0xc7: {  	s4 =	sand.u32 $0x4000, s31;
	s1 =	sadd.s32 s1, s30  }
0xc8: {  	s0 =	sor.u32 s4, s0;
	s1 =	sshll.u32 s1, $0x11  }
0xc9: {  	s0 =	sor.u32 s1, s0  }
0xca: {  	s0 =	sadd.s32 $0x8F2B, s0  }
0xcb: {  	[sflag:s0] =	ssyncadd.remote.s32 $0x1  }
0xcc: {  	_ =	sfence.sel $0xFFFF  }
0xcd: {  	[dreg:$0x0] =	wrdreg $0xFFFFFFFF;
	(pc) =	sbr.abs _section_cstart, $3  }
0xce: {  	[dreg:$0x1] =	wrdreg $0xFFFFFFFF  }
0xcf: {  	_ =	task.clear_ibuf [dreg:s22], $0x2FFFF;
	_ =	strace $0x9FFFFFFF  }
0xd0: {  	(tm) =	ssettm $0x7FFFFFFF  }
0xd1: {  	_ =	shalt  }
tec
execute0_lowered:
.L_overlay_start_1:
0x0: {  	(tag) =	ssettag $0x1  }
0x1: {  	s0 =	srdreg.scid  }
0x2: {  	s4 =	rddreg [dreg:$0x0];
	s1 =	stileid.u32  }
0x3: {  	s2 =	simm.s32 $0x0;
	s8 =	simm.s32 $0x400;
	s3 =	sand.u32 $0x1, s0  }
0x4: {  	s9 =	simm.s32 $0xA00;
	s10 =	simm.s32 $0x1;
	s5 =	sshll.u32 s3, $0x4  }
0x5: {  	s11 =	simm.s32 $0x0;
	s0 =	rddreg [dreg:$0x1];
	s5 =	sor.u32 s1, s5  }
0x6: {  	[smem:$0x7FF] =	sst s2;
	s7 =	ssub.s32 $0x2, s3;
	s6 =	smul.u32 $0x140, s5  }
0x7: {  	_ =	strace $0x8000004D;
	s3 =	sadd.s32 $0xF600, s4;
	s31 =	sshrl.u32 s7, $0x1  }
0x8: {  	s7 =	ssub.s32 s7, s31;
	s6 =	sadd.s32 s6, s4;
	s4 =	smul.u32 $0x5000, s5  }
0x9: {  	v0 =	vimm.f32 $0.0e+00;
	s5 =	sadd.s32 $0x7400, s6;
	s6 =	smax.u32 s7, $0x1;
	s7 =	simm.s32 $0x80  }
.LBB2_1:
0xa: {  	s12 =	simm.s32 $0x40;
	s13 =	simm.s32 $0x0  }
.LBB2_2:
0xb: {  	p0 =	sne.s32 s12, $0x27C0;
	[tilespmem:s13+$0x0] =	vst v0;
	s13 =	smov.u32 s12;
	s12 =	sadd.s32 $0x40, s12  }
.Ltmp0:
0xc: {  	(pc) =	sbr.rel @p0 .LBB2_2-.Ltmp0, $2  }
0xd: {  	_ =	sdelay $0x2  }
0xe: {  	s13 =	sshra.s32 s13, $0x2  }
0xf: {  	[tilespmem:s13+$0x0] =	vst v0;
	s12 =	simm.s32 $0x0  }
.LBB2_4:
0x10: {  	s13 =	sshrl.u32 s12, $0x3  }
0x11: {  	s13 =	smul.u32 $0xA0000, s13  }
0x12: {  	s14 =	sshll.u32 s12, $0x7  }
0x13: {  	s14 =	sand.u32 $0x380, s14;
	s13 =	sadd.s32 s4, s13  }
0x14: {  	s13 =	sor.u32 s14, s13  }
0x15: {  	s13 =	sshrl.u32 s13, $0x3  }
0x16: {  	s13 =	sadd.s32 s3, s13  }
0x17: {  	[tilespmem:s9], [sflag:$0x1] =	stream.strided.gather [hbm4b:s13+s7], $0xA00, s8, s7, $0x38;
	[tilespmem:$0x1400] =	vst v63  }
0x18: {  	_ =	swait.ge [sflag:s10], $0xA00  }
0x19: {  	[sflag:s10] =	ssyncset.done $0x0  }
0x1a: {  	s13 =	simm.s32 $0x0;
	[sflag:s10] =	ssyncadd.s32 $0xFFFFF600  }
0x1b: {  	s14 =	simm.s32 $0x40;
	v1 =	vld [tilespmem:s13+$0xA00]  }
.LBB2_5:
0x1c: {  	p0 =	sne.s32 s14, $0x27C0;
	v2 =	vld [tilespmem:s13+$0x0];
	_ =	sdelay $0x2  }
.Ltmp1:
0x1d: {  	(pc) =	sbr.rel @p0 .LBB2_5-.Ltmp1, $4  }
0x1e: {  	_ = 	snop  }
0x1f: {  	v2 =	vadd.f32 v1, v2  }
0x20: {  	s15 =	sshra.s32 s14, $0x2  }
0x21: {  	s14 =	sadd.s32 $0x40, s14;
	v1 =	vld [tilespmem:s15+$0xA00];
	[tilespmem:s13+$0x0] =	vst v2;
	s13 =	smov.u32 s15  }
0x22: {  	v2 =	vld [tilespmem:s13+$0x0]  }
0x23: {  	s12 =	sadd.s32 $0x1, s12  }
0x24: {  	p0 =	sne.s32 s12, $0x20  }
.Ltmp2:
0x25: {  	_ = 	snop;
	(pc) =	sbr.rel @p0 .LBB2_4-.Ltmp2, $3  }
0x26: {  	_ = 	snop  }
0x27: {  	v1 =	vadd.f32 v1, v2;
	_ =	sdelay $0x1  }
0x28: {  	[tilespmem:s13+$0x0] =	vst v1  }
0x29: {  	s11 =	sadd.s32 $0x1, s11  }
0x2a: {  	p0 =	sne.s32 s11, s6  }
.Ltmp3:
0x2b: {  	_ = 	snop;
	(pc) =	sbr.rel @p0 .LBB2_1-.Ltmp3, $4  }
0x2c: {  	[hbm4b:s5+s2] =	stream.linear.scatter [tilespmem:s2], [sflag:$0x1], $0xA00, $0x38;
	[tilespmem:$0x1400] =	vst v63  }
0x2d: {  	_ =	swait.ge [sflag:s10], $0xA00  }
0x2e: {  	[sflag:s10] =	ssyncset.done $0x0  }
0x2f: {  	[sflag:s10] =	ssyncadd.s32 $0xFFFFF600  }
0x30: {  	_ =	sfence.sel $0x180000  }
0x31: {  	[bflag:$0x0] =	sbarrier.arrive $0xFFFF  }
0x32: {  	p0 =	sne.s32 s1, $0x0;
	_ =	strace $0x9000004D  }
0x33: {  	s0 =	sadd.s32 @!p0 $0x100000, s0;
	[bflag:$0x2] =	sbarrier.arrive $0xFFFF  }
0x34: {  	[sflag:s0] =	ssyncadd.tile.s32 @!p0 $0x1;
	_ =	shalt  }
.Lfunc_end2:
_tile_overlayer_lowered:
.L_overlay_start_2:
0x35: {  	(tag) =	ssettag $0x2  }
0x36: {  	s0 =	rddreg [dreg:$0x0];
	s2 =	stileid.u32  }
0x37: {  	s1 =	rddreg [dreg:$0x1];
	p0 =	sne.s32 s2, $0x0  }
0x38: {  	s3 =	rddreg [dreg:$0x2];
	[bflag:$0x3] =	sbarrier.arrive $0xFFFF;
	s2 =	simm.s32 @!p0 $0x1C01  }
0x39: {  	[timem:s3], [sflag:s2] =	dma.local @!p0 [hbm:s0], s1  }
0x3a: {  	s0 =	simm.s32 @!p0 $0x1  }
0x3b: {  	_ =	swait.ge @!p0 [sflag:s0], s1  }
0x3c: {  	s1 =	ssub.s32 @!p0 $0x0, s1;
	[sflag:s0] =	ssyncset.done @!p0 $0x0  }
0x3d: {  	[sflag:s0] =	ssyncadd.s32 @!p0 s1  }
0x3e: {  	[bflag:$0x3] =	sbarrier.arrive $0xFFFF  }
0x3f: {  	_ =	shalt  }

// kernel: kernel.17.cloned.1.call-start
scs
__scs_entry_jumppad:
0x0: {  	(pc) =	sbr.rel $0x88, $3  }
0x1: {  	(tag) =	ssettag $0x0;
	lr =	simm.s32 $0x1  }
0x2: {  	[smem:$0x3F95] =	sst lr;
	_ =	strace $0xD0000000  }
0x3: {  	_ = 	snop  }
0x4: {  	_ = 	snop  }
0x5: {  	_ = 	snop  }
0x6: {  	_ = 	snop  }
0x7: {  	_ = 	snop  }
__scs_overlays_trampoline_lowered:
0x8: {  	[smem:$0x3FA4] =	sst s0  }
0x9: {  	[smem:$0x3FA5] =	sst s1  }
0xa: {  	[smem:$0x3FA6] =	sst s2  }
0xb: {  	[smem:$0x3FA7] =	sst s3  }
0xc: {  	[smem:$0x3FA8] =	sst s4  }
0xd: {  	[smem:$0x3FA9] =	sst s5  }
0xe: {  	[smem:$0x3FAA] =	sst s6  }
0xf: {  	[smem:$0x3FAB] =	sst s7  }
0x10: {  	[smem:$0x3FAC] =	sst s8  }
0x11: {  	[smem:$0x3FAD] =	sst s9;
	s0 =	simm.s32 @!p0 $0x0  }
0x12: {  	s1 =	sld [smem:$0x3F93];
	s0 =	simm.s32 @p0 $0x1  }
0x13: {  	[smem:$0x3FAE] =	sst s0;
	s0 =	simm.s32 @!p1 $0x0  }
0x14: {  	s2 =	sld [smem:$0x3F92];
	s0 =	simm.s32 @p1 $0x1  }
0x15: {  	[smem:$0x3FAF] =	sst s0;
	s0 =	simm.s32 @!p2 $0x0  }
0x16: {  	s3 =	sld [smem:$0x3FDB];
	s0 =	simm.s32 @p2 $0x1  }
0x17: {  	s4 =	simm.s32 $0x1BF5;
	[smem:$0x3FB1] =	sst s0  }
0x18: {  	s0 =	sld [smem:$0x3F94];
	_ =	swait.ge [sflag:s4], $0x0  }
0x19: {  	s7 =	sld [smem:$0x3F95]  }
0x1a: {  	s8 =	sadd.s32 $0xFFFFE003, lr  }
0x1b: {  	s9 =	sadd.s32 $0xFFFFFEF7, lr;
	s5 =	simm.s32 $0xFFFFFFFF;
	p2 =	slt.u32 s8, $0xFFFFF086  }
0x1c: {  	p1 =	slt.u32 s9, $0xF7A;
	s5 =	simm.s32 @!p2 $0x0  }
0x1d: {  	s5 =	simm.s32 @p1 $0x1;
	p0 =	seq.s32 s7, s2  }
0x1e: {  	s7 =	smul.u32 @!p0 $0xF7A, s2;
	p2 =	seq.s32 @!p0 s5, $0x0  }
0x1f: {  	s9 =	smul.u32 $0xF7A, s1;
	s8 =	simm.s32 @!p0 $0x1BF5;
	p2 =	por !p2, p0  }
0x20: {  	[sflag:s8] =	ssyncset.s32 @!p0 $0xFFFFF086;
	s6 =	sadd.s32 @!p0 s3, s7;
	s7 =	simm.s32 @!p0 $0x108  }
0x21: {  	s3 =	sadd.s32 s3, s9;
	s6 =	sadd.s32 @!p0 $0x88, s6;
	s7 =	simm.s32 @p2 $0x1082  }
0x22: {  	[simem:s7], [sflag:s8] =	dma.local @!p0 [hbm:s6], $0xF7A  }
0x23: {  	s9 =	sor.u32 $0xD0000000, s2;
	s6 =	simm.s32 $0x108;
	_ =	swait.ge @!p0 [sflag:s8], $0x0  }
0x24: {  	s3 =	sadd.s32 $0x88, s3;
	s6 =	simm.s32 @!p1 $0x1082;
	[sflag:s4] =	ssyncset.s32 $0xFFFFF086  }
0x25: {  	[simem:s6], [sflag:s4] =	dma.local [hbm:s3], $0xF7A  }
0x26: {  	[smem:$0x3F95] =	sst s1;
	(tag) =	ssettag s2;
	_ =	strace s9  }
0x27: {  	s1 =	sld [smem:$0x3FA5]  }
0x28: {  	s2 =	sld [smem:$0x3FA6]  }
0x29: {  	s4 =	sld [smem:$0x3FA8]  }
0x2a: {  	p0 =	seq.s32 s5, $0x0;
	s5 =	sld [smem:$0x3FA9]  }
0x2b: {  	s6 =	sld [smem:$0x3FAA]  }
0x2c: {  	s7 =	sld [smem:$0x3FAB]  }
0x2d: {  	s3 =	simm.s32 $0x108;
	s8 =	sld [smem:$0x3FAC]  }
0x2e: {  	s3 =	simm.s32 @!p0 $0x1082;
	s9 =	sld [smem:$0x3FAD]  }
0x2f: {  	lr =	sadd.s32 s0, s3;
	s0 =	sld [smem:$0x3FA4]  }
0x30: {  	s3 =	sld [smem:$0x3FA7]  }
0x31: {  	[smem:$0x3FB0] =	sst s10  }
0x32: {  	s10 =	sld [smem:$0x3FAE];
	_ =	sdelay $0x3  }
0x33: {  	p0 =	seq.s32 s10, $0x1;
	s10 =	sld [smem:$0x3FB0];
	_ =	sdelay $0x3  }
0x34: {  	[smem:$0x3FB0] =	sst s10  }
0x35: {  	s10 =	sld [smem:$0x3FAF];
	_ =	sdelay $0x3  }
0x36: {  	p1 =	seq.s32 s10, $0x1;
	s10 =	sld [smem:$0x3FB0];
	_ =	sdelay $0x3  }
0x37: {  	[smem:$0x3FB0] =	sst s10  }
0x38: {  	s10 =	sld [smem:$0x3FB1]  }
0x39: {  	_ = 	snop;
	(pc) =	sbr.ind lr, $3  }
0x3a: {  	_ = 	snop  }
0x3b: {  	_ = 	snop  }
0x3c: {  	p2 =	seq.s32 s10, $0x1;
	s10 =	sld [smem:$0x3FB0]  }
0x3d: {  	_ =	shalt  }
0x3e: {  	_ =	shalt  }
0x3f: {  	_ =	shalt  }
0x40: {  	_ =	shalt  }
0x41: {  	_ =	shalt  }
0x42: {  	_ =	shalt  }
0x43: {  	_ =	shalt  }
0x44: {  	_ =	shalt  }
0x45: {  	_ =	shalt  }
0x46: {  	_ =	shalt  }
0x47: {  	_ =	shalt  }
0x48: {  	_ =	shalt  }
0x49: {  	_ =	shalt  }
0x4a: {  	_ =	shalt  }
0x4b: {  	_ =	shalt  }
0x4c: {  	_ =	shalt  }
0x4d: {  	_ =	shalt  }
0x4e: {  	_ =	shalt  }
0x4f: {  	_ =	shalt  }
0x50: {  	_ =	shalt  }
0x51: {  	_ =	shalt  }
0x52: {  	_ =	shalt  }
0x53: {  	_ =	shalt  }
0x54: {  	_ =	shalt  }
0x55: {  	_ =	shalt  }
0x56: {  	_ =	shalt  }
0x57: {  	_ =	shalt  }
0x58: {  	_ =	shalt  }
0x59: {  	_ =	shalt  }
0x5a: {  	_ =	shalt  }
0x5b: {  	_ =	shalt  }
0x5c: {  	_ =	shalt  }
0x5d: {  	_ =	shalt  }
0x5e: {  	_ =	shalt  }
0x5f: {  	_ =	shalt  }
0x60: {  	_ =	shalt  }
0x61: {  	_ =	shalt  }
0x62: {  	_ =	shalt  }
0x63: {  	_ =	shalt  }
0x64: {  	_ =	shalt  }
0x65: {  	_ =	shalt  }
0x66: {  	_ =	shalt  }
0x67: {  	_ =	shalt  }
0x68: {  	_ =	shalt  }
0x69: {  	_ =	shalt  }
0x6a: {  	_ =	shalt  }
0x6b: {  	_ =	shalt  }
0x6c: {  	_ =	shalt  }
0x6d: {  	_ =	shalt  }
0x6e: {  	_ =	shalt  }
0x6f: {  	_ =	shalt  }
0x70: {  	_ =	shalt  }
0x71: {  	_ =	shalt  }
0x72: {  	_ =	shalt  }
0x73: {  	_ =	shalt  }
0x74: {  	_ =	shalt  }
0x75: {  	_ =	shalt  }
0x76: {  	_ =	shalt  }
0x77: {  	_ =	shalt  }
0x78: {  	_ =	shalt  }
0x79: {  	_ =	shalt  }
0x7a: {  	_ =	shalt  }
0x7b: {  	_ =	shalt  }
0x7c: {  	_ =	shalt  }
0x7d: {  	_ =	shalt  }
0x7e: {  	_ =	shalt  }
0x7f: {  	_ =	shalt  }
0x80: {  	_ =	shalt  }
0x81: {  	_ =	shalt  }
0x82: {  	_ =	shalt  }
0x83: {  	_ =	shalt  }
0x84: {  	_ =	shalt  }
0x85: {  	_ =	shalt  }
0x86: {  	_ =	shalt  }
0x87: {  	_ =	shalt  }
.Lfunc_end0:
.L_simem_size_0:
called_computation.3_lowered:
.L_overlay_start_0:
0x88: {  	s2 =	sld [smem:$0x3FD9]  }
0x89: {  	s3 =	sld [smem:$0x3FFE];
	_ =	sdelay $0x1  }
0x8a: {  	s1 =	srdreg.scid  }
0x8b: {  	s0 =	sand.u32 $0x1, s1  }
0x8c: {  	s17 =	sshll.u32 s0, $0xA;
	s2 =	sadd.s32 s3, s2  }
0x8d: {  	s2 =	sadd.s32 s2, s17  }
0x8e: {  	[smem:$0x3FBC] =	sst s2  }
0x8f: {  	_ = 	snop  }
0x90: {  	s2 =	sld [smem:$0x3FC9]  }
0x91: {  	s18 =	sld [smem:$0x3FD0];
	(tm) =	ssettm $0x1  }
0x92: {  	s4 =	sld [smem:$0x3FFB];
	_ =	sdelay $0x3  }
0x93: {  	_ =	strace s4  }
0x94: {  	s4 =	sld [smem:$0x3FFC];
	_ =	sdelay $0x3  }
0x95: {  	_ =	strace s4  }
0x96: {  	s4 =	sld [smem:$0x3FFD];
	_ =	sdelay $0x3  }
0x97: {  	_ =	strace s4  }
0x98: {  	_ =	strace $0x8FFFFFFF  }
0x99: {  	s19 =	sld [smem:$0x3FDB];
	_ =	sdelay $0x1  }
0x9a: {  	s5 =	simm.s32 $_scs_section_size  }
0x9b: {  	s6 =	simm.s32 $_size__tile_overlayer_lowered;
	s7 =	simm.s32 $_tile_overlayer_lowered  }
0x9c: {  	s22 =	simm.s32 $0x1BFF;
	s21 =	sshll.u32 s7, $0x1;
	s4 =	sadd.s32 s5, s19  }
0x9d: {  	s8 =	simm.s32 $0x0;
	s20 =	sshll.u32 s6, $0x1;
	s6 =	sadd.s32 s21, s4  }
0x9e: {  	[timem:s8], [sflag:s22] =	dma.local [hbm:s6], s20  }
0x9f: {  	_ =	swait.ge [sflag:s22], s20  }
0xa0: {  	s5 =	ssub.s32 $0x0, s20;
	[sflag:s22] =	ssyncset.done $0x0  }
0xa1: {  	[sflag:s22] =	ssyncadd.s32 s5;
	_ =	sdelay $0x1  }
0xa2: {  	s23 =	simm.s32 $0x1B8B  }
0xa3: {  	_ =	swait.ge [sflag:s23], $0x1  }
0xa4: {  	[sflag:s23] =	ssyncset.done $0x0  }
0xa5: {  	s25 =	simm.s32 $0x1B8E;
	s24 =	sld [smem:$0x3FFE];
	[sflag:s23] =	ssyncadd.s32 $0xFFFFFFFF  }
0xa6: {  	s26 =	simm.s32 $execute0_lowered;
	[smem:$0x3FD2] =	sst s25  }
0xa7: {  	s6 =	sshll.u32 s26, $0x1;
	_ =	strace $0x80000049;
	[dreg:$0x1] =	wrdreg $0xFFFFFFFF  }
0xa8: {  	s28 =	simm.s32 $_size_execute0_lowered;
	s4 =	sadd.s32 s4, s6;
	[dreg:$0x0] =	wrdreg $0x0  }
0xa9: {  	s6 =	sshll.u32 s28, $0x1;
	[dreg:$0x2] =	wrdreg s4  }
0xaa: {  	[dreg:$0x3] =	wrdreg s6  }
0xab: {  	[dreg:$0x4] =	wrdreg $0xC0  }
0xac: {  	_ =	task [dreg:s8], $0x5FFFF  }
0xad: {  	[dreg:$0x1] =	wrdreg $0xFFFFFFFF  }
0xae: {  	[dreg:$0x0] =	wrdreg $0x60  }
0xaf: {  	[dreg:$0x2] =	wrdreg s2  }
0xb0: {  	[dreg:$0x3] =	wrdreg s18  }
0xb1: {  	[dreg:$0x4] =	wrdreg s24  }
0xb2: {  	[dreg:$0x5] =	wrdreg $0xB  }
0xb3: {  	_ =	task.clear_ibuf [dreg:s8], $0x6FFFF;
	_ =	strace $0x90000049  }
0xb4: {  	s29 =	simm.s32 $0xB;
	_ =	strace $0x8000004B  }
0xb5: {  	_ =	swait.ge [sflag:s29], $0x1  }
0xb6: {  	[sflag:s29] =	ssyncadd.s32 $0xFFFFFFFF  }
0xb7: {  	_ =	strace $0x9000004B  }
0xb8: {  	_ =	sfence  }
0xb9: {  	s30 =	sld [smem:$0x0];
	_ =	sdelay $0x2  }
0xba: {  	s31 =	sshll.u32 s1, $0xD;
	s1 =	sshrl.u32 s1, $0x2  }
0xbb: {  	s3 =	sand.u32 $0x4000, s31;
	s1 =	sadd.s32 s1, s30  }
0xbc: {  	s0 =	sor.u32 s3, s0;
	s1 =	sshll.u32 s1, $0x11  }
0xbd: {  	s0 =	sor.u32 s1, s0  }
0xbe: {  	s0 =	sadd.s32 $0x8F2B, s0  }
0xbf: {  	[sflag:s0] =	ssyncadd.remote.s32 $0x1  }
0xc0: {  	_ =	sfence.sel $0xFFFF  }
0xc1: {  	[dreg:$0x0] =	wrdreg $0xFFFFFFFF;
	(pc) =	sbr.abs _section_cstart, $3  }
0xc2: {  	[dreg:$0x1] =	wrdreg $0xFFFFFFFF  }
0xc3: {  	_ =	task.clear_ibuf [dreg:s8], $0x2FFFF;
	_ =	strace $0x9FFFFFFF  }
0xc4: {  	(tm) =	ssettm $0x7FFFFFFF  }
0xc5: {  	_ =	shalt  }
tec
execute0_lowered:
.L_overlay_start_1:
0x0: {  	(tag) =	ssettag $0x1  }
0x1: {  	v0 =	vimm.s32 $0xB80;
	vm15 =	vcmask $0x300;
	vm14 =	vcmask $0x704  }
0x2: {  	vm13 =	vcmask $0xB08;
	vm12 =	vcmask $0xF0C;
	vm11 =	vcmask $0x1310  }
0x3: {  	vm10 =	vcmask $0x1714;
	vm9 =	vcmask $0x1B18;
	vm8 =	vcmask $0x1F1C  }
0x4: {  	vm7 =	vcmask $0x2320;
	vm6 =	vcmask $0x2724;
	vm5 =	vcmask $0x2B28  }
0x5: {  	vm4 =	vcmask $0x2F2C;
	vm3 =	vcmask $0x3330;
	vm2 =	vcmask $0x3734  }
0x6: {  	vm1 =	vcmask $0x3B38;
	vm0 =	vmmov $0xffff;
	v7 =	vimm.s32 $0x1B80  }
0x7: {  	v8 =	vimm.s32 $0x2B80;
	v9 =	vimm.s32 $0x3B80;
	v0 =	vsel vm15, $0x0, v0  }
0x8: {  	v7 =	vsel vm15, $0x1000, v7;
	v8 =	vsel vm15, $0x2000, v8;
	v9 =	vsel vm15, $0x3000, v9  }
0x9: {  	v0 =	vsel vm14, $0x80, v0;
	v7 =	vsel vm14, $0x1080, v7;
	v8 =	vsel vm14, $0x2080, v8  }
0xa: {  	v9 =	vsel vm14, $0x3080, v9;
	v0 =	vsel vm13, $0x100, v0;
	v7 =	vsel vm13, $0x1100, v7  }
0xb: {  	v8 =	vsel vm13, $0x2100, v8;
	v9 =	vsel vm13, $0x3100, v9;
	v0 =	vsel vm12, $0x180, v0  }
0xc: {  	v7 =	vsel vm12, $0x1180, v7;
	v8 =	vsel vm12, $0x2180, v8;
	v9 =	vsel vm12, $0x3180, v9  }
0xd: {  	v0 =	vsel vm11, $0x200, v0;
	v7 =	vsel vm11, $0x1200, v7;
	v8 =	vsel vm11, $0x2200, v8  }
0xe: {  	v9 =	vsel vm11, $0x3200, v9;
	v0 =	vsel vm10, $0x280, v0;
	v7 =	vsel vm10, $0x1280, v7  }
0xf: {  	v8 =	vsel vm10, $0x2280, v8;
	v9 =	vsel vm10, $0x3280, v9;
	v0 =	vsel vm9, $0x300, v0  }
0x10: {  	v7 =	vsel vm9, $0x1300, v7;
	v8 =	vsel vm9, $0x2300, v8;
	v9 =	vsel vm9, $0x3300, v9  }
0x11: {  	s0 =	rddreg [dreg:$0x0];
	v1 =	vsel vm8, $0x380, v0;
	v0 =	vimm.s32 $0x0;
	v7 =	vsel vm8, $0x1380, v7  }
0x12: {  	s1 =	rddreg [dreg:$0x1];
	v8 =	vsel vm8, $0x2380, v8;
	v9 =	vsel vm8, $0x3380, v9;
	v2 =	vsel vm7, $0x800, v1  }
0x13: {  	s2 =	rddreg [dreg:$0x2];
	s4 =	srdreg.scid;
	s3 =	simm.s32 $0x0;
	v1 =	vlaneseq.u32;
	v7 =	vsel vm7, $0x1800, v7;
	v8 =	vsel vm7, $0x2800, v8  }
0x14: {  	s10 =	simm.s32 $0x8180;
	s11 =	simm.s32 $0x1;
	s12 =	simm.s32 $0x2000;
	v9 =	vsel vm7, $0x3800, v9;
	v3 =	vsel vm6, $0x880, v2;
	v2 =	vimm.s32 $0x27FFF  }
0x15: {  	s13 =	simm.s32 $0x40;
	s14 =	simm.s32 $0x4080;
	s15 =	simm.s32 $0x4100;
	v5 =	vshrl.u32 v1, $0x3;
	v7 =	vsel vm6, $0x1880, v7;
	v8 =	vsel vm6, $0x2880, v8  }
0x16: {  	s16 =	simm.s32 $0x4180;
	s17 =	simm.s32 $0x4980;
	s18 =	simm.s32 $0x5180;
	v9 =	vsel vm6, $0x3880, v9;
	v4 =	vsel vm5, $0x900, v3;
	v3 =	vand.u32 $0x7, v1  }
0x17: {  	s19 =	simm.s32 $0x5980;
	s20 =	simm.s32 $0x6180;
	s21 =	simm.s32 $0x6980;
	v7 =	vsel vm5, $0x1900, v7;
	v8 =	vsel vm5, $0x2900, v8;
	v9 =	vsel vm5, $0x3900, v9  }
0x18: {  	s22 =	simm.s32 $0x7180;
	s23 =	simm.s32 $0x7980;
	s8 =	sand.u32 $0x1, s4;
	v4 =	vsel vm4, $0x980, v4;
	v7 =	vsel vm4, $0x1980, v7;
	v8 =	vsel vm4, $0x2980, v8  }
.Ltmp0:
0x19: {  	s28 =	simm.s32 $0x0;
	s7 =	ssub.s32 $0x2, s8;
	v9 =	vsel vm4, $0x3980, v9;
	v6 =	vsel vm3, $0xA00, v4;
	v4 =	vmul.u32 $0x8, v5;
	(pc) =	sbr.rel .LBB2_1-.Ltmp0, $4  }
0x1a: {  	[smem:$0x7FF] =	sst s3;
	s4 =	sadd.s32 $0x5F600, s2;
	s9 =	sshrl.u32 s7, $0x1;
	v5 =	vor.u32 $0x8, v1;
	v7 =	vsel vm3, $0x1A00, v7;
	v8 =	vsel vm3, $0x2A00, v8  }
0x1b: {  	s5 =	sadd.s32 $0x5600, s2;
	s6 =	sadd.s32 $0x64600, s2;
	s31 =	ssub.s32 s7, s9;
	v9 =	vsel vm3, $0x3A00, v9;
	v6 =	vsel vm2, $0xA80, v6;
	v7 =	vsel vm2, $0x1A80, v7  }
0x1c: {  	s3 =	simm.s32 $0x0;
	_ =	strace $0x8000004A;
	s2 =	smax.u32 s31, $0x1;
	v8 =	vsel vm2, $0x2A80, v8;
	v9 =	vsel vm2, $0x3A80, v9;
	v6 =	vsel vm1, $0xB00, v6  }
0x1d: {  	s8 =	sshll.u32 s8, $0x4;
	s7 =	stileid.u32;
	[dreg:$0x4] =	wrdreg s2;
	v7 =	vsel vm1, $0x1B00, v7;
	v8 =	vsel vm1, $0x2B00, v8;
	v9 =	vsel vm1, $0x3B00, v9  }
.LBB2_17:
0x1e: {  	s3 =	rddreg [dreg:$0x5]  }
0x1f: {  	s2 =	rddreg [dreg:$0x4];
	s3 =	sadd.s32 $0x1, s3  }
0x20: {  	p0 =	sne.s32 s3, s2  }
.Ltmp1:
0x21: {  	_ = 	snop;
	(pc) =	sbr.rel @!p0 .LBB2_18-.Ltmp1, $1  }
0x22: {  	_ =	sdelay $0x3  }
.LBB2_1:
.Ltmp2:
0x23: {  	(pc) =	sbr.rel .LBB2_2-.Ltmp2, $2  }
0x24: {  	_ =	sdelay $0x2  }
0x25: {  	[dreg:$0x5] =	wrdreg s3;
	s25 =	simm.s32 $0x0  }
.LBB2_16:
0x26: {  	s2 =	smul.u32 $0x1D00, s26;
	s25 =	sadd.s32 $0x1, s25  }
0x27: {  	p0 =	sne.s32 s25, $0xC  }
.Ltmp3:
0x28: {  	s3 =	simm.s32 $0x0;
	s2 =	sadd.s32 s6, s2;
	(pc) =	sbr.rel @!p0 .LBB2_17-.Ltmp3, $4  }
0x29: {  	[hbm4b:s2+s3] =	stream.linear.scatter [tilespmem:s10], [sflag:$0x1], $0xE800, $0x38;
	[tilespmem:$0x17180] =	vst v63  }
0x2a: {  	_ =	swait.ge [sflag:s11], $0xE800  }
0x2b: {  	[sflag:s11] =	ssyncset.done $0x0  }
0x2c: {  	[sflag:s11] =	ssyncadd.s32 $0xFFFF1800  }
.LBB2_2:
0x2d: {  	s2 =	sshll.u32 s25, $0x5  }
0x2e: {  	[tilespmem:s10], [sflag:$0x1] =	stream.linear.gather [hbm4b:s5+s28], $0xF000, $0x38;
	[tilespmem:$0x17180] =	vst v63  }
0x2f: {  	s2 =	sor.u32 s2, s8  }
.Ltmp4:
0x30: {  	s26 =	sor.u32 s7, s2;
	(pc) =	sbr.rel .LBB2_3-.Ltmp4, $4  }
0x31: {  	s2 =	smul.u32 $0xE8, s26  }
0x32: {  	_ =	swait.ge [sflag:s11], $0xF000  }
0x33: {  	[sflag:s11] =	ssyncset.done $0x0;
	s9 =	sadd.s32 $0xE8, s2  }
0x34: {  	s29 =	simm.s32 $0x0;
	s30 =	simm.s32 $0x0;
	[sflag:s11] =	ssyncadd.s32 $0xFFFF1000;
	v10 =	vmov s2;
	v11 =	vmov s9  }
.LBB2_15:
0x35: {  	s30 =	sadd.s32 $0x1, s30  }
0x36: {  	p0 =	sne.s32 s30, $0x14  }
.Ltmp5:
0x37: {  	_ = 	snop;
	(pc) =	sbr.rel @!p0 .LBB2_16-.Ltmp5, $2  }
0x38: {  	_ =	sdelay $0x2  }
0x39: {  	s29 =	sadd.s32 $0x2000, s29  }
.LBB2_3:
0x3a: {  	s2 =	sshll.u32 s30, $0xA  }
0x3b: {  	s2 =	sadd.s32 s4, s2  }
0x3c: {  	[tilespmem:s28], [sflag:$0x1] =	stream.linear.gather [hbm4b:s2+s28], $0x2000, $0x38;
	[tilespmem:$0x17180] =	vst v63  }
0x3d: {  	_ =	swait.ge [sflag:s11], $0x2000  }
0x3e: {  	[sflag:s11] =	ssyncset.done $0x0  }
0x3f: {  	s24 =	simm.s32 $0x0;
	[sflag:s11] =	ssyncadd.s32 $0xFFFFE000  }
0x40: {  	v12 =	vld [tilespmem:s24+$0x0];
	_ =	sdelay $0x4  }
0x41: {  	vm1 =	vge.s32 v12, v10;
	vm2 =	vlt.s32 v12, v11  }
0x42: {  	vm1 =	vmand vm1, vm2  }
0x43: {  	v62 =	vsel vm1, $0x1, v0  }
0x44: {  	(xrf0) =	vadd.scan.msk.s32 $0xffff, v62;
	_ =	sdelay $0x4  }
0x45: {  	v63 =	vsel vm1, $0xFFFFFFFF, v0  }
0x46: {  	v12 =	vadd.s32 s28, v63;
	v13, _, _ =	vpop (xrf0)  }
0x47: {  	v12 =	vadd.s32 v13, v12;
	(v2sf) =	vpush v13, $0xF;
	_ =	sdelay $0x3  }
0x48: {  	v14 =	vor.u32 s29, v1;
	s31 =	simm.s32 $0x80  }
0x49: {  	s9 =	simm.s32 $0x0;
	s2 =	smov.u32 s29;
	s24 =	simm.s32 $0x10;
	[tilespmem:v12+s12+$0x0] =	vst.idx.msk vm1, v14  }
.LBB2_4:
0x4a: {  	p0 =	sne.s32 s31, $0x7FC0;
	v12 =	vld [tilespmem:s24+$0x0];
	_ =	sdelay $0x4  }
0x4b: {  	vm1 =	vge.s32 v12, v10;
	vm2 =	vlt.s32 v12, v11  }
0x4c: {  	vm1 =	vmand vm1, vm2  }
0x4d: {  	v12 =	vsel vm1, $0xFFFFFFFF, v0;
	v13 =	vsel vm1, $0x1, v0  }
0x4e: {  	(xrf0) =	vadd.scan.msk.s32 $0xffff, v13  }
0x4f: {  	s24 =	spop (v2sf)  }
0x50: {  	s9 =	sadd.s32 s9, s24  }
0x51: {  	v12 =	vadd.s32 s9, v12;
	_ =	sdelay $0x2  }
0x52: {  	v13, _, _ =	vpop (xrf0)  }
0x53: {  	v12 =	vadd.s32 v13, v12;
	(v2sf) =	vpush v13, $0xF  }
.Ltmp6:
0x54: {  	(pc) =	sbr.rel @p0 .LBB2_4-.Ltmp6, $4  }
0x55: {  	_ = 	snop  }
0x56: {  	s2 =	sadd.s32 $0x10, s2  }
0x57: {  	v13 =	vor.u32 s2, v1  }
0x58: {  	s24 =	sshra.s32 s31, $0x2;
	s31 =	sadd.s32 $0x40, s31;
	[tilespmem:v12+s12+$0x0] =	vst.idx.msk vm1, v13  }
0x59: {  	v12 =	vld [tilespmem:s24+$0x0];
	_ =	sdelay $0x4  }
0x5a: {  	vm1 =	vge.s32 v12, v10;
	vm2 =	vlt.s32 v12, v11  }
0x5b: {  	vm1 =	vmand vm1, vm2  }
0x5c: {  	v62 =	vsel vm1, $0x1, v0  }
0x5d: {  	(xrf0) =	vadd.scan.msk.s32 $0xffff, v62;
	_ =	sdelay $0x5  }
0x5e: {  	v12, _, _ =	vpop (xrf0)  }
0x5f: {  	(v2sf) =	vpush v12, $0xF;
	_ =	sdelay $0xd  }
0x60: {  	s3 =	spop (v2sf)  }
0x61: {  	s9 =	sadd.s32 s9, s3;
	s3 =	spop (v2sf)  }
0x62: {  	s24 =	sadd.s32 s9, s3  }
0x63: {  	s31 =	sadd.s32 $0x4F, s24  }
0x64: {  	s3 =	sand.u32 $0x3F, s31  }
0x65: {  	p1 =	slt.s32 s31, $0x1;
	p0 =	sne.s32 s3, $0x0;
	s3 =	sshra.s32 s31, $0x1F  }
0x66: {  	s3 =	sshrl.u32 s3, $0x1A;
	p0 =	por !p1, !p0  }
0x67: {  	s3 =	sadd.s32 s3, s31;
	p0 =	por !p0, !p0;
	s31 =	simm.s32 $0x1  }
0x68: {  	s3 =	sshra.s32 s3, $0x6;
	s31 =	simm.s32 @!p0 $0x0  }
0x69: {  	v13 =	vsel vm1, $0xFFFFFFFF, v0;
	s31 =	ssub.s32 s3, s31  }
0x6a: {  	v13 =	vadd.s32 s9, v13;
	v14 =	vadd.s32 s24, v1;
	s9 =	sadd.s32 $0x10, s24;
	s3 =	sshll.u32 s31, $0x6  }
0x6b: {  	v12 =	vadd.s32 v12, v13;
	v63 =	vadd.s32 s9, v1;
	s9 =	sadd.s32 $0x20, s24;
	vm2 =	vlt.s32 v14, s3  }
0x6c: {  	v15 =	vadd.s32 s9, v1;
	s9 =	sadd.s32 $0x30, s24;
	vm3 =	vlt.s32 v63, s3  }
0x6d: {  	s24 =	sadd.s32 $0x40, s24;
	v16 =	vadd.s32 s9, v1;
	vm4 =	vlt.s32 v15, s3  }
0x6e: {  	s2 =	sadd.s32 $0x10, s2;
	v17 =	vadd.s32 s24, v1;
	vm5 =	vlt.s32 v16, s3  }
0x6f: {  	v18 =	vor.u32 s2, v1;
	vm6 =	vlt.s32 v17, s3  }
0x70: {  	[tilespmem:v12+s12+$0x0] =	vst.idx.msk vm1, v18;
	p0 =	slt.s32 s31, $0x1  }
.Ltmp7:
0x71: {  	[tilespmem:v14+s12+$0x0] =	vst.idx.msk vm2, v2;
	(pc) =	sbr.rel @p0 .LBB2_15-.Ltmp7, $4  }
0x72: {  	[tilespmem:v63+s12+$0x0] =	vst.idx.msk vm3, v2  }
0x73: {  	[tilespmem:v15+s12+$0x0] =	vst.idx.msk vm4, v2  }
0x74: {  	[tilespmem:v16+s12+$0x0] =	vst.idx.msk vm5, v2  }
0x75: {  	s2 =	simm.s32 $0x0;
	s9 =	simm.s32 $0x0;
	[tilespmem:v17+s12+$0x0] =	vst.idx.msk vm6, v2  }
.LBB2_6:
0x76: {  	s3 =	sshll.u32 s9, $0x8  }
0x77: {  	s3 =	sshra.s32 s3, $0x2  }
0x78: {  	s3 =	sadd.s32 $0x2000, s3  }
0x79: {  	[tilespmem:s14], [sflag:$0x1] =	stream.indirect.gather [hbm4b:s1+s13], $0x1, s3, s13, $0xb8;
	[tilespmem:$0x17180] =	vst v63  }
0x7a: {  	_ =	swait.ge [sflag:s11], $0x40  }
0x7b: {  	[sflag:s11] =	ssyncset.done $0x0  }
0x7c: {  	[sflag:s11] =	ssyncadd.s32 $0xFFFFFFC0  }
0x7d: {  	[tilespmem:s15], [sflag:$0x1] =	stream.indirect.gather [hbm4b:s4+s13], $0x1, s3, s13, $0xb8;
	[tilespmem:$0x17180] =	vst v63  }
0x7e: {  	_ =	swait.ge [sflag:s11], $0x40  }
0x7f: {  	[sflag:s11] =	ssyncset.done $0x0  }
0x80: {  	[sflag:s11] =	ssyncadd.s32 $0xFFFFFFC0  }
0x81: {  	v12 =	vld [tilespmem:$0x4080];
	_ =	sdelay $0x4  }
0x82: {  	v13 =	vshll.u32 v12, $0x1  }
0x83: {  	v12 =	vand.u32 $0x7, v12;
	v13 =	vand.u32 $0xFFFFFFF0, v13  }
0x84: {  	v12 =	vor.u32 v12, v13  }
0x85: {  	v13 =	vperm.xlane v12, v3;
	_ =	sdelay $0x1  }
0x86: {  	v12 =	vperm.xlane v12, v5;
	v13 =	vadd.s32 v4, v13;
	_ =	sdelay $0x1  }
0x87: {  	v12 =	vadd.s32 v4, v12;
	_ =	sdelay $0x2  }
0x88: {  	[tilespmem:s16], [sflag:$0x1] =	stream.indirect_vreg.gather [hbm4b:s0+s2], $0x80, v13, vm0, $0xb8;
	[tilespmem:$0x17180] =	vst v63  }
0x89: {  	_ = 	snop  }
0x8a: {  	[tilespmem:s17], [sflag:$0x1] =	stream.indirect_vreg.gather [hbm4b:s0+s2], $0x80, v12, vm0, $0xb8;
	[tilespmem:$0x17180] =	vst v63  }
0x8b: {  	v12 =	vld [tilespmem:$0x4090];
	_ =	sdelay $0x4  }
0x8c: {  	v13 =	vshll.u32 v12, $0x1  }
0x8d: {  	v12 =	vand.u32 $0x7, v12;
	v13 =	vand.u32 $0xFFFFFFF0, v13  }
0x8e: {  	v12 =	vor.u32 v12, v13  }
0x8f: {  	v13 =	vperm.xlane v12, v3;
	_ =	sdelay $0x1  }
0x90: {  	v12 =	vperm.xlane v12, v5;
	v13 =	vadd.s32 v4, v13;
	_ =	sdelay $0x1  }
0x91: {  	v12 =	vadd.s32 v4, v12;
	_ =	sdelay $0x2  }
0x92: {  	[tilespmem:s18], [sflag:$0x1] =	stream.indirect_vreg.gather [hbm4b:s0+s2], $0x80, v13, vm0, $0xb8;
	[tilespmem:$0x17180] =	vst v63  }
0x93: {  	_ = 	snop  }
0x94: {  	[tilespmem:s19], [sflag:$0x1] =	stream.indirect_vreg.gather [hbm4b:s0+s2], $0x80, v12, vm0, $0xb8;
	[tilespmem:$0x17180] =	vst v63  }
0x95: {  	v12 =	vld [tilespmem:$0x40A0];
	_ =	sdelay $0x4  }
0x96: {  	v13 =	vshll.u32 v12, $0x1  }
0x97: {  	v12 =	vand.u32 $0x7, v12;
	v13 =	vand.u32 $0xFFFFFFF0, v13  }
0x98: {  	v12 =	vor.u32 v12, v13  }
0x99: {  	v13 =	vperm.xlane v12, v3;
	_ =	sdelay $0x1  }
0x9a: {  	v12 =	vperm.xlane v12, v5;
	v13 =	vadd.s32 v4, v13;
	_ =	sdelay $0x1  }
0x9b: {  	v12 =	vadd.s32 v4, v12;
	_ =	sdelay $0x2  }
0x9c: {  	[tilespmem:s20], [sflag:$0x1] =	stream.indirect_vreg.gather [hbm4b:s0+s2], $0x80, v13, vm0, $0xb8;
	[tilespmem:$0x17180] =	vst v63  }
0x9d: {  	_ = 	snop  }
0x9e: {  	[tilespmem:s21], [sflag:$0x1] =	stream.indirect_vreg.gather [hbm4b:s0+s2], $0x80, v12, vm0, $0xb8;
	[tilespmem:$0x17180] =	vst v63  }
0x9f: {  	v12 =	vld [tilespmem:$0x40B0];
	_ =	sdelay $0x4  }
0xa0: {  	v13 =	vshll.u32 v12, $0x1  }
0xa1: {  	v12 =	vand.u32 $0x7, v12;
	v13 =	vand.u32 $0xFFFFFFF0, v13  }
0xa2: {  	v12 =	vor.u32 v12, v13  }
0xa3: {  	v13 =	vperm.xlane v12, v3;
	_ =	sdelay $0x1  }
0xa4: {  	v12 =	vperm.xlane v12, v5;
	v13 =	vadd.s32 v4, v13;
	_ =	sdelay $0x1  }
0xa5: {  	v12 =	vadd.s32 v4, v12;
	_ =	sdelay $0x2  }
0xa6: {  	[tilespmem:s22], [sflag:$0x1] =	stream.indirect_vreg.gather [hbm4b:s0+s2], $0x80, v13, vm0, $0xb8;
	[tilespmem:$0x17180] =	vst v63  }
0xa7: {  	_ = 	snop  }
0xa8: {  	[tilespmem:s23], [sflag:$0x1] =	stream.indirect_vreg.gather [hbm4b:s0+s2], $0x80, v12, vm0, $0xb8;
	[tilespmem:$0x17180] =	vst v63  }
0xa9: {  	_ =	swait.ge [sflag:s11], $0x4000  }
0xaa: {  	[sflag:s11] =	ssyncset.done $0x0  }
0xab: {  	[sflag:s11] =	ssyncadd.s32 $0xFFFFC000  }
0xac: {  	v12 =	vld [tilespmem:$0x4100];
	_ =	sdelay $0x2  }
0xad: {  	v13 =	vmov s2  }
0xae: {  	v14 =	vshll.u32 v13, $0x3;
	v15 =	vand.u32 $0x7F, v13  }
0xaf: {  	v16 =	vand.u32 $0x400, v14;
	vm1 =	vge.s32 v12, v10;
	vm2 =	vlt.s32 v12, v11  }
0xb0: {  	v13 =	vor.u32 v15, v16;
	v12 =	vsub.s32 v12, v10;
	vm1 =	vmand vm1, vm2  }
0xb1: {  	v17 =	vor.u32 v6, v13;
	v12 =	vnsel vm1, $0xE8, v12  }
0xb2: {  	s24 =	simm.s32 $0x1;
	v13 =	vshll.u32 v12, $0x8;
	v12 =	vshll.u32 v12, $0x7  }
0xb3: {  	v14 =	vmov s24;
	v13 =	vand.u32 $0xFFFFF800, v13;
	v12 =	vand.u32 $0x380, v12  }
0xb4: {  	v18 =	vshll.u32 v14, $0x3;
	v12 =	vor.u32 v13, v12  }
0xb5: {  	v14 =	vand.u32 $0x7F, v14;
	v13 =	vand.u32 $0x400, v18;
	v18 =	vor.u32 v12, v15  }
0xb6: {  	v19 =	vor.u32 v14, v13;
	v15 =	vld.idx.msk [tilespmem:v17+s16+$0x0], $0xffff;
	v17 =	vor.u32 v16, v18  }
0xb7: {  	v16 =	vor.u32 v6, v19;
	_ =	sdelay $0x1  }
0xb8: {  	s24 =	simm.s32 $0x2  }
0xb9: {  	v18 =	vmov s24;
	s24 =	simm.s32 $0x3  }
.LBB2_7:
0xba: {  	p0 =	sne.s32 s24, $0xFF;
	v19 =	vshll.u32 v18, $0x3;
	[tilespmem:v17+s10+$0x0] =	vst.idx.add.f32.msk vm1, v15  }
0xbb: {  	v19 =	vand.u32 $0x400, v19;
	v15 =	vld.idx.msk [tilespmem:v16+s16+$0x0], $0xffff;
	v16 =	vor.u32 v12, v14;
	v14 =	vand.u32 $0x7F, v18  }
.Ltmp8:
0xbc: {  	v18 =	vor.u32 v14, v19;
	v17 =	vor.u32 v13, v16;
	v13 =	vmov v19;
	(pc) =	sbr.rel @p0 .LBB2_7-.Ltmp8, $2  }
0xbd: {  	v16 =	vor.u32 v6, v18;
	_ =	sdelay $0x2  }
0xbe: {  	v18 =	vmov s24;
	s24 =	sadd.s32 $0x1, s24  }
0xbf: {  	_ =	sdelay $0x3  }
0xc0: {  	v19 =	vshll.u32 v18, $0x3  }
0xc1: {  	[tilespmem:v17+s10+$0x0] =	vst.idx.add.f32.msk vm1, v15;
	v15 =	vand.u32 $0x7F, v18;
	v14 =	vor.u32 v12, v14;
	v17 =	vand.u32 $0x400, v19  }
0xc2: {  	v16 =	vld.idx.msk [tilespmem:v16+s16+$0x0], $0xffff;
	v13 =	vor.u32 v13, v14;
	v18 =	vor.u32 v15, v17  }
0xc3: {  	v14 =	vor.u32 v6, v18;
	_ =	sdelay $0x3  }
0xc4: {  	v12 =	vor.u32 v12, v15;
	[tilespmem:v13+s10+$0x0] =	vst.idx.add.f32.msk vm1, v16  }
0xc5: {  	v12 =	vor.u32 v17, v12;
	v13 =	vld.idx.msk [tilespmem:v14+s16+$0x0], $0xffff;
	_ =	sdelay $0x4  }
0xc6: {  	[tilespmem:v12+s10+$0x0] =	vst.idx.add.f32.msk vm1, v13  }
0xc7: {  	v12 =	vld [tilespmem:$0x4110];
	_ =	sdelay $0x1  }
0xc8: {  	s3 =	simm.s32 $0x0  }
0xc9: {  	v13 =	vmov s3  }
0xca: {  	v14 =	vshll.u32 v13, $0x3;
	v15 =	vand.u32 $0x7F, v13  }
0xcb: {  	v16 =	vand.u32 $0x400, v14;
	vm1 =	vge.s32 v12, v10;
	vm2 =	vlt.s32 v12, v11  }
0xcc: {  	v13 =	vor.u32 v15, v16;
	v12 =	vsub.s32 v12, v10;
	vm1 =	vmand vm1, vm2  }
0xcd: {  	v17 =	vor.u32 v7, v13;
	v12 =	vnsel vm1, $0xE8, v12  }
0xce: {  	s24 =	simm.s32 $0x1;
	v13 =	vshll.u32 v12, $0x8;
	v12 =	vshll.u32 v12, $0x7  }
0xcf: {  	v14 =	vmov s24;
	v13 =	vand.u32 $0xFFFFF800, v13;
	v12 =	vand.u32 $0x380, v12  }
0xd0: {  	v18 =	vshll.u32 v14, $0x3;
	v12 =	vor.u32 v13, v12  }
0xd1: {  	v14 =	vand.u32 $0x7F, v14;
	v13 =	vand.u32 $0x400, v18;
	v18 =	vor.u32 v12, v15  }
0xd2: {  	v19 =	vor.u32 v14, v13;
	v15 =	vld.idx.msk [tilespmem:v17+s16+$0x0], $0xffff;
	v17 =	vor.u32 v16, v18  }
0xd3: {  	v16 =	vor.u32 v7, v19;
	_ =	sdelay $0x1  }
0xd4: {  	s24 =	simm.s32 $0x2  }
0xd5: {  	v18 =	vmov s24;
	s24 =	simm.s32 $0x3  }
.LBB2_9:
0xd6: {  	p0 =	sne.s32 s24, $0xFF;
	v19 =	vshll.u32 v18, $0x3;
	[tilespmem:v17+s10+$0x0] =	vst.idx.add.f32.msk vm1, v15  }
0xd7: {  	v19 =	vand.u32 $0x400, v19;
	v15 =	vld.idx.msk [tilespmem:v16+s16+$0x0], $0xffff;
	v16 =	vor.u32 v12, v14;
	v14 =	vand.u32 $0x7F, v18  }
.Ltmp9:
0xd8: {  	v18 =	vor.u32 v14, v19;
	v17 =	vor.u32 v13, v16;
	v13 =	vmov v19;
	(pc) =	sbr.rel @p0 .LBB2_9-.Ltmp9, $2  }
0xd9: {  	v16 =	vor.u32 v7, v18;
	_ =	sdelay $0x2  }
0xda: {  	v18 =	vmov s24;
	s24 =	sadd.s32 $0x1, s24  }
0xdb: {  	_ =	sdelay $0x3  }
0xdc: {  	v19 =	vshll.u32 v18, $0x3  }
0xdd: {  	[tilespmem:v17+s10+$0x0] =	vst.idx.add.f32.msk vm1, v15;
	v15 =	vand.u32 $0x7F, v18;
	v14 =	vor.u32 v12, v14;
	v17 =	vand.u32 $0x400, v19  }
0xde: {  	v16 =	vld.idx.msk [tilespmem:v16+s16+$0x0], $0xffff;
	v13 =	vor.u32 v13, v14;
	v18 =	vor.u32 v15, v17  }
0xdf: {  	v14 =	vor.u32 v7, v18;
	_ =	sdelay $0x3  }
0xe0: {  	v12 =	vor.u32 v12, v15;
	[tilespmem:v13+s10+$0x0] =	vst.idx.add.f32.msk vm1, v16  }
0xe1: {  	v12 =	vor.u32 v17, v12;
	v13 =	vld.idx.msk [tilespmem:v14+s16+$0x0], $0xffff;
	_ =	sdelay $0x4  }
0xe2: {  	[tilespmem:v12+s10+$0x0] =	vst.idx.add.f32.msk vm1, v13  }
0xe3: {  	v12 =	vld [tilespmem:$0x4120];
	_ =	sdelay $0x1  }
0xe4: {  	s3 =	simm.s32 $0x0  }
0xe5: {  	v13 =	vmov s3  }
0xe6: {  	v14 =	vshll.u32 v13, $0x3;
	v15 =	vand.u32 $0x7F, v13  }
0xe7: {  	v16 =	vand.u32 $0x400, v14;
	vm1 =	vge.s32 v12, v10;
	vm2 =	vlt.s32 v12, v11  }
0xe8: {  	v13 =	vor.u32 v15, v16;
	v12 =	vsub.s32 v12, v10;
	vm1 =	vmand vm1, vm2  }
0xe9: {  	v17 =	vor.u32 v8, v13;
	v12 =	vnsel vm1, $0xE8, v12  }
0xea: {  	s24 =	simm.s32 $0x1;
	v13 =	vshll.u32 v12, $0x8;
	v12 =	vshll.u32 v12, $0x7  }
0xeb: {  	v14 =	vmov s24;
	v13 =	vand.u32 $0xFFFFF800, v13;
	v12 =	vand.u32 $0x380, v12  }
0xec: {  	v18 =	vshll.u32 v14, $0x3;
	v12 =	vor.u32 v13, v12  }
0xed: {  	v14 =	vand.u32 $0x7F, v14;
	v13 =	vand.u32 $0x400, v18;
	v18 =	vor.u32 v12, v15  }
0xee: {  	v19 =	vor.u32 v14, v13;
	v15 =	vld.idx.msk [tilespmem:v17+s16+$0x0], $0xffff;
	v17 =	vor.u32 v16, v18  }
0xef: {  	v16 =	vor.u32 v8, v19;
	_ =	sdelay $0x1  }
0xf0: {  	s24 =	simm.s32 $0x2  }
0xf1: {  	v18 =	vmov s24;
	s24 =	simm.s32 $0x3  }
.LBB2_11:
0xf2: {  	p0 =	sne.s32 s24, $0xFF;
	v19 =	vshll.u32 v18, $0x3;
	[tilespmem:v17+s10+$0x0] =	vst.idx.add.f32.msk vm1, v15  }
0xf3: {  	v19 =	vand.u32 $0x400, v19;
	v15 =	vld.idx.msk [tilespmem:v16+s16+$0x0], $0xffff;
	v16 =	vor.u32 v12, v14;
	v14 =	vand.u32 $0x7F, v18  }
.Ltmp10:
0xf4: {  	v18 =	vor.u32 v14, v19;
	v17 =	vor.u32 v13, v16;
	v13 =	vmov v19;
	(pc) =	sbr.rel @p0 .LBB2_11-.Ltmp10, $2  }
0xf5: {  	v16 =	vor.u32 v8, v18;
	_ =	sdelay $0x2  }
0xf6: {  	v18 =	vmov s24;
	s24 =	sadd.s32 $0x1, s24  }
0xf7: {  	_ =	sdelay $0x3  }
0xf8: {  	v19 =	vshll.u32 v18, $0x3  }
0xf9: {  	[tilespmem:v17+s10+$0x0] =	vst.idx.add.f32.msk vm1, v15;
	v15 =	vand.u32 $0x7F, v18;
	v14 =	vor.u32 v12, v14;
	v17 =	vand.u32 $0x400, v19  }
0xfa: {  	v16 =	vld.idx.msk [tilespmem:v16+s16+$0x0], $0xffff;
	v13 =	vor.u32 v13, v14;
	v18 =	vor.u32 v15, v17  }
0xfb: {  	v14 =	vor.u32 v8, v18;
	_ =	sdelay $0x3  }
0xfc: {  	v12 =	vor.u32 v12, v15;
	[tilespmem:v13+s10+$0x0] =	vst.idx.add.f32.msk vm1, v16  }
0xfd: {  	v12 =	vor.u32 v17, v12;
	v13 =	vld.idx.msk [tilespmem:v14+s16+$0x0], $0xffff;
	_ =	sdelay $0x4  }
0xfe: {  	[tilespmem:v12+s10+$0x0] =	vst.idx.add.f32.msk vm1, v13  }
0xff: {  	v12 =	vld [tilespmem:$0x4130];
	_ =	sdelay $0x1  }
0x100: {  	s3 =	simm.s32 $0x0  }
0x101: {  	v13 =	vmov s3  }
0x102: {  	v14 =	vshll.u32 v13, $0x3;
	v15 =	vand.u32 $0x7F, v13  }
0x103: {  	v16 =	vand.u32 $0x400, v14;
	vm1 =	vge.s32 v12, v10;
	vm2 =	vlt.s32 v12, v11  }
0x104: {  	v13 =	vor.u32 v15, v16;
	v12 =	vsub.s32 v12, v10;
	vm1 =	vmand vm1, vm2  }
0x105: {  	v17 =	vor.u32 v9, v13;
	v12 =	vnsel vm1, $0xE8, v12  }
0x106: {  	s24 =	simm.s32 $0x1;
	v13 =	vshll.u32 v12, $0x8;
	v12 =	vshll.u32 v12, $0x7  }
0x107: {  	v14 =	vmov s24;
	v13 =	vand.u32 $0xFFFFF800, v13;
	v12 =	vand.u32 $0x380, v12  }
0x108: {  	v18 =	vshll.u32 v14, $0x3;
	v12 =	vor.u32 v13, v12  }
0x109: {  	v14 =	vand.u32 $0x7F, v14;
	v13 =	vand.u32 $0x400, v18;
	v18 =	vor.u32 v12, v15  }
0x10a: {  	v19 =	vor.u32 v14, v13;
	v15 =	vld.idx.msk [tilespmem:v17+s16+$0x0], $0xffff;
	v17 =	vor.u32 v16, v18  }
0x10b: {  	v16 =	vor.u32 v9, v19;
	_ =	sdelay $0x1  }
0x10c: {  	s24 =	simm.s32 $0x2  }
0x10d: {  	v18 =	vmov s24;
	s24 =	simm.s32 $0x3  }
.LBB2_13:
0x10e: {  	p0 =	sne.s32 s24, $0xFF;
	v19 =	vshll.u32 v18, $0x3;
	[tilespmem:v17+s10+$0x0] =	vst.idx.add.f32.msk vm1, v15  }
0x10f: {  	v19 =	vand.u32 $0x400, v19;
	v15 =	vld.idx.msk [tilespmem:v16+s16+$0x0], $0xffff;
	v16 =	vor.u32 v12, v14;
	v14 =	vand.u32 $0x7F, v18  }
.Ltmp11:
0x110: {  	v18 =	vor.u32 v14, v19;
	v17 =	vor.u32 v13, v16;
	v13 =	vmov v19;
	(pc) =	sbr.rel @p0 .LBB2_13-.Ltmp11, $2  }
0x111: {  	v16 =	vor.u32 v9, v18;
	_ =	sdelay $0x2  }
0x112: {  	v18 =	vmov s24;
	s24 =	sadd.s32 $0x1, s24  }
0x113: {  	_ =	sdelay $0x3  }
0x114: {  	v19 =	vshll.u32 v18, $0x3  }
0x115: {  	[tilespmem:v17+s10+$0x0] =	vst.idx.add.f32.msk vm1, v15;
	v60 =	vand.u32 $0x7F, v18;
	v14 =	vor.u32 v12, v14;
	v61 =	vand.u32 $0x400, v19  }
0x116: {  	v16 =	vld.idx.msk [tilespmem:v16+s16+$0x0], $0xffff;
	v13 =	vor.u32 v13, v14;
	v18 =	vor.u32 v60, v61  }
0x117: {  	v62 =	vor.u32 v9, v18;
	_ =	sdelay $0x3  }
0x118: {  	s9 =	sadd.s32 $0x1, s9;
	v63 =	vor.u32 v12, v60;
	[tilespmem:v13+s10+$0x0] =	vst.idx.add.f32.msk vm1, v16  }
0x119: {  	p0 =	sne.s32 s9, s31;
	v12 =	vor.u32 v61, v63;
	v13 =	vld.idx.msk [tilespmem:v62+s16+$0x0], $0xffff  }
.Ltmp12:
0x11a: {  	_ = 	snop;
	(pc) =	sbr.rel @p0 .LBB2_6-.Ltmp12, $4  }
.Ltmp13:
0x11b: {  	_ = 	snop;
	(pc) =	sbr.rel @!p0 .LBB2_15-.Ltmp13, $4  }
0x11c: {  	_ = 	snop  }
0x11d: {  	_ = 	snop  }
0x11e: {  	[tilespmem:v12+s10+$0x0] =	vst.idx.add.f32.msk vm1, v13  }
0x11f: {  	_ = 	snop  }
.LBB2_18:
0x120: {  	_ =	sfence.sel $0x180000  }
0x121: {  	[bflag:$0x0] =	sbarrier.arrive $0xFFFF  }
0x122: {  	_ =	strace $0x9000004A  }
0x123: {  	[bflag:$0x2] =	sbarrier.arrive $0xFFFF  }
0x124: {  	p0 =	sne.s32 s7, $0x0;
	s0 =	rddreg [dreg:$0x3]  }
0x125: {  	s0 =	sadd.s32 @!p0 $0x100000, s0  }
0x126: {  	[sflag:s0] =	ssyncadd.tile.s32 @!p0 $0x1;
	_ =	shalt  }
.Lfunc_end2:
_tile_overlayer_lowered:
.L_overlay_start_2:
0x127: {  	(tag) =	ssettag $0x2  }
0x128: {  	s0 =	rddreg [dreg:$0x0];
	s2 =	stileid.u32  }
0x129: {  	s1 =	rddreg [dreg:$0x1];
	p0 =	sne.s32 s2, $0x0  }
0x12a: {  	s3 =	rddreg [dreg:$0x2];
	[bflag:$0x3] =	sbarrier.arrive $0xFFFF;
	s2 =	simm.s32 @!p0 $0x1C01  }
0x12b: {  	[timem:s3], [sflag:s2] =	dma.local @!p0 [hbm:s0], s1  }
0x12c: {  	s0 =	simm.s32 @!p0 $0x1  }
0x12d: {  	_ =	swait.ge @!p0 [sflag:s0], s1  }
0x12e: {  	s1 =	ssub.s32 @!p0 $0x0, s1;
	[sflag:s0] =	ssyncset.done @!p0 $0x0  }
0x12f: {  	[sflag:s0] =	ssyncadd.s32 @!p0 s1  }
0x130: {  	[bflag:$0x3] =	sbarrier.arrive $0xFFFF  }
0x131: {  	_ =	shalt  }

// kernel: kernel.20.cloned.1.call-start
scs
__scs_entry_jumppad:
0x0: {  	(pc) =	sbr.rel $0x88, $3  }
0x1: {  	(tag) =	ssettag $0x0;
	lr =	simm.s32 $0x1  }
0x2: {  	[smem:$0x3F95] =	sst lr;
	_ =	strace $0xD0000000  }
0x3: {  	_ = 	snop  }
0x4: {  	_ = 	snop  }
0x5: {  	_ = 	snop  }
0x6: {  	_ = 	snop  }
0x7: {  	_ = 	snop  }
__scs_overlays_trampoline_lowered:
0x8: {  	[smem:$0x3FA4] =	sst s0  }
0x9: {  	[smem:$0x3FA5] =	sst s1  }
0xa: {  	[smem:$0x3FA6] =	sst s2  }
0xb: {  	[smem:$0x3FA7] =	sst s3  }
0xc: {  	[smem:$0x3FA8] =	sst s4  }
0xd: {  	[smem:$0x3FA9] =	sst s5  }
0xe: {  	[smem:$0x3FAA] =	sst s6  }
0xf: {  	[smem:$0x3FAB] =	sst s7  }
0x10: {  	[smem:$0x3FAC] =	sst s8  }
0x11: {  	[smem:$0x3FAD] =	sst s9;
	s0 =	simm.s32 @!p0 $0x0  }
0x12: {  	s1 =	sld [smem:$0x3F93];
	s0 =	simm.s32 @p0 $0x1  }
0x13: {  	[smem:$0x3FAE] =	sst s0;
	s0 =	simm.s32 @!p1 $0x0  }
0x14: {  	s2 =	sld [smem:$0x3F92];
	s0 =	simm.s32 @p1 $0x1  }
0x15: {  	[smem:$0x3FAF] =	sst s0;
	s0 =	simm.s32 @!p2 $0x0  }
0x16: {  	s3 =	sld [smem:$0x3FDB];
	s0 =	simm.s32 @p2 $0x1  }
0x17: {  	s4 =	simm.s32 $0x1BF5;
	[smem:$0x3FB1] =	sst s0  }
0x18: {  	s0 =	sld [smem:$0x3F94];
	_ =	swait.ge [sflag:s4], $0x0  }
0x19: {  	s7 =	sld [smem:$0x3F95]  }
0x1a: {  	s8 =	sadd.s32 $0xFFFFE003, lr  }
0x1b: {  	s9 =	sadd.s32 $0xFFFFFEF7, lr;
	s5 =	simm.s32 $0xFFFFFFFF;
	p2 =	slt.u32 s8, $0xFFFFF086  }
0x1c: {  	p1 =	slt.u32 s9, $0xF7A;
	s5 =	simm.s32 @!p2 $0x0  }
0x1d: {  	s5 =	simm.s32 @p1 $0x1;
	p0 =	seq.s32 s7, s2  }
0x1e: {  	s7 =	smul.u32 @!p0 $0xF7A, s2;
	p2 =	seq.s32 @!p0 s5, $0x0  }
0x1f: {  	s9 =	smul.u32 $0xF7A, s1;
	s8 =	simm.s32 @!p0 $0x1BF5;
	p2 =	por !p2, p0  }
0x20: {  	[sflag:s8] =	ssyncset.s32 @!p0 $0xFFFFF086;
	s6 =	sadd.s32 @!p0 s3, s7;
	s7 =	simm.s32 @!p0 $0x108  }
0x21: {  	s3 =	sadd.s32 s3, s9;
	s6 =	sadd.s32 @!p0 $0x88, s6;
	s7 =	simm.s32 @p2 $0x1082  }
0x22: {  	[simem:s7], [sflag:s8] =	dma.local @!p0 [hbm:s6], $0xF7A  }
0x23: {  	s9 =	sor.u32 $0xD0000000, s2;
	s6 =	simm.s32 $0x108;
	_ =	swait.ge @!p0 [sflag:s8], $0x0  }
0x24: {  	s3 =	sadd.s32 $0x88, s3;
	s6 =	simm.s32 @!p1 $0x1082;
	[sflag:s4] =	ssyncset.s32 $0xFFFFF086  }
0x25: {  	[simem:s6], [sflag:s4] =	dma.local [hbm:s3], $0xF7A  }
0x26: {  	[smem:$0x3F95] =	sst s1;
	(tag) =	ssettag s2;
	_ =	strace s9  }
0x27: {  	s1 =	sld [smem:$0x3FA5]  }
0x28: {  	s2 =	sld [smem:$0x3FA6]  }
0x29: {  	s4 =	sld [smem:$0x3FA8]  }
0x2a: {  	p0 =	seq.s32 s5, $0x0;
	s5 =	sld [smem:$0x3FA9]  }
0x2b: {  	s6 =	sld [smem:$0x3FAA]  }
0x2c: {  	s7 =	sld [smem:$0x3FAB]  }
0x2d: {  	s3 =	simm.s32 $0x108;
	s8 =	sld [smem:$0x3FAC]  }
0x2e: {  	s3 =	simm.s32 @!p0 $0x1082;
	s9 =	sld [smem:$0x3FAD]  }
0x2f: {  	lr =	sadd.s32 s0, s3;
	s0 =	sld [smem:$0x3FA4]  }
0x30: {  	s3 =	sld [smem:$0x3FA7]  }
0x31: {  	[smem:$0x3FB0] =	sst s10  }
0x32: {  	s10 =	sld [smem:$0x3FAE];
	_ =	sdelay $0x3  }
0x33: {  	p0 =	seq.s32 s10, $0x1;
	s10 =	sld [smem:$0x3FB0];
	_ =	sdelay $0x3  }
0x34: {  	[smem:$0x3FB0] =	sst s10  }
0x35: {  	s10 =	sld [smem:$0x3FAF];
	_ =	sdelay $0x3  }
0x36: {  	p1 =	seq.s32 s10, $0x1;
	s10 =	sld [smem:$0x3FB0];
	_ =	sdelay $0x3  }
0x37: {  	[smem:$0x3FB0] =	sst s10  }
0x38: {  	s10 =	sld [smem:$0x3FB1]  }
0x39: {  	_ = 	snop;
	(pc) =	sbr.ind lr, $3  }
0x3a: {  	_ = 	snop  }
0x3b: {  	_ = 	snop  }
0x3c: {  	p2 =	seq.s32 s10, $0x1;
	s10 =	sld [smem:$0x3FB0]  }
0x3d: {  	_ =	shalt  }
0x3e: {  	_ =	shalt  }
0x3f: {  	_ =	shalt  }
0x40: {  	_ =	shalt  }
0x41: {  	_ =	shalt  }
0x42: {  	_ =	shalt  }
0x43: {  	_ =	shalt  }
0x44: {  	_ =	shalt  }
0x45: {  	_ =	shalt  }
0x46: {  	_ =	shalt  }
0x47: {  	_ =	shalt  }
0x48: {  	_ =	shalt  }
0x49: {  	_ =	shalt  }
0x4a: {  	_ =	shalt  }
0x4b: {  	_ =	shalt  }
0x4c: {  	_ =	shalt  }
0x4d: {  	_ =	shalt  }
0x4e: {  	_ =	shalt  }
0x4f: {  	_ =	shalt  }
0x50: {  	_ =	shalt  }
0x51: {  	_ =	shalt  }
0x52: {  	_ =	shalt  }
0x53: {  	_ =	shalt  }
0x54: {  	_ =	shalt  }
0x55: {  	_ =	shalt  }
0x56: {  	_ =	shalt  }
0x57: {  	_ =	shalt  }
0x58: {  	_ =	shalt  }
0x59: {  	_ =	shalt  }
0x5a: {  	_ =	shalt  }
0x5b: {  	_ =	shalt  }
0x5c: {  	_ =	shalt  }
0x5d: {  	_ =	shalt  }
0x5e: {  	_ =	shalt  }
0x5f: {  	_ =	shalt  }
0x60: {  	_ =	shalt  }
0x61: {  	_ =	shalt  }
0x62: {  	_ =	shalt  }
0x63: {  	_ =	shalt  }
0x64: {  	_ =	shalt  }
0x65: {  	_ =	shalt  }
0x66: {  	_ =	shalt  }
0x67: {  	_ =	shalt  }
0x68: {  	_ =	shalt  }
0x69: {  	_ =	shalt  }
0x6a: {  	_ =	shalt  }
0x6b: {  	_ =	shalt  }
0x6c: {  	_ =	shalt  }
0x6d: {  	_ =	shalt  }
0x6e: {  	_ =	shalt  }
0x6f: {  	_ =	shalt  }
0x70: {  	_ =	shalt  }
0x71: {  	_ =	shalt  }
0x72: {  	_ =	shalt  }
0x73: {  	_ =	shalt  }
0x74: {  	_ =	shalt  }
0x75: {  	_ =	shalt  }
0x76: {  	_ =	shalt  }
0x77: {  	_ =	shalt  }
0x78: {  	_ =	shalt  }
0x79: {  	_ =	shalt  }
0x7a: {  	_ =	shalt  }
0x7b: {  	_ =	shalt  }
0x7c: {  	_ =	shalt  }
0x7d: {  	_ =	shalt  }
0x7e: {  	_ =	shalt  }
0x7f: {  	_ =	shalt  }
0x80: {  	_ =	shalt  }
0x81: {  	_ =	shalt  }
0x82: {  	_ =	shalt  }
0x83: {  	_ =	shalt  }
0x84: {  	_ =	shalt  }
0x85: {  	_ =	shalt  }
0x86: {  	_ =	shalt  }
0x87: {  	_ =	shalt  }
.Lfunc_end0:
.L_simem_size_0:
called_computation.4_lowered:
.L_overlay_start_0:
0x88: {  	s2 =	sld [smem:$0x3FD9]  }
0x89: {  	s3 =	sld [smem:$0x3FFE];
	_ =	sdelay $0x1  }
0x8a: {  	s1 =	srdreg.scid  }
0x8b: {  	s0 =	sand.u32 $0x1, s1  }
0x8c: {  	s17 =	sshll.u32 s0, $0xA;
	s2 =	sadd.s32 s3, s2  }
0x8d: {  	s2 =	sadd.s32 s2, s17  }
0x8e: {  	[smem:$0x3FBC] =	sst s2  }
0x8f: {  	_ = 	snop  }
0x90: {  	s18 =	sld [smem:$0x3FD0];
	(tm) =	ssettm $0x1  }
0x91: {  	s19 =	sld [smem:$0x3FFB];
	_ =	sdelay $0x3  }
0x92: {  	_ =	strace s19  }
0x93: {  	s2 =	sld [smem:$0x3FFC];
	_ =	sdelay $0x3  }
0x94: {  	_ =	strace s2  }
0x95: {  	s2 =	sld [smem:$0x3FFD];
	_ =	sdelay $0x3  }
0x96: {  	_ =	strace s2  }
0x97: {  	_ =	strace $0x8FFFFFFF  }
0x98: {  	s20 =	sld [smem:$0x3FDB];
	_ =	sdelay $0x1  }
0x99: {  	s4 =	simm.s32 $_scs_section_size  }
0x9a: {  	s5 =	simm.s32 $_size__tile_overlayer_lowered;
	s6 =	simm.s32 $_tile_overlayer_lowered  }
0x9b: {  	s7 =	simm.s32 $0x1BFF;
	s21 =	sshll.u32 s6, $0x1;
	s4 =	sadd.s32 s4, s20  }
0x9c: {  	s22 =	simm.s32 $0x0;
	s5 =	sshll.u32 s5, $0x1;
	s6 =	sadd.s32 s21, s4  }
0x9d: {  	[timem:s22], [sflag:s7] =	dma.local [hbm:s6], s5  }
0x9e: {  	_ =	swait.ge [sflag:s7], s5  }
0x9f: {  	s5 =	ssub.s32 $0x0, s5;
	[sflag:s7] =	ssyncset.done $0x0  }
0xa0: {  	[sflag:s7] =	ssyncadd.s32 s5;
	_ =	sdelay $0x1  }
0xa1: {  	s23 =	simm.s32 $0x1B8B  }
0xa2: {  	_ =	swait.ge [sflag:s23], $0x1  }
0xa3: {  	[sflag:s23] =	ssyncset.done $0x0  }
0xa4: {  	[sflag:s23] =	ssyncadd.s32 $0xFFFFFFFF  }
0xa5: {  	s5 =	sld [smem:$0x0]  }
0xa6: {  	s6 =	sand.u32 $0xFFFFFFFE, s1  }
0xa7: {  	p0 =	sne.s32 s1, s6  }
0xa8: {  	s6 =	sshll.u32 @p0 s6, $0xE  }
0xa9: {  	s6 =	sadd.s32 @p0 $0x11B8D, s6;
	s7 =	sshll.u32 @p0 s5, $0x11  }
0xaa: {  	s6 =	sor.u32 @p0 s7, s6  }
0xab: {  	[sflag:s6] =	ssyncadd.remote.s32 @p0 $0x1;
	_ =	sdelay $0x1  }
0xac: {  	s6 =	simm.s32 @p0 $0x1B8D  }
0xad: {  	_ =	swait.eq @p0 [sflag:s6], $0x1  }
0xae: {  	[sflag:s6] =	ssyncadd.s32 @p0 $0xFFFFFFFF  }
0xaf: {  	s7 =	sshll.u32 @!p0 s1, $0xE  }
0xb0: {  	s7 =	sor.u32 @!p0 $0x4000, s7;
	s6 =	simm.s32 @!p0 $0x1B8D  }
0xb1: {  	s5 =	sshll.u32 @!p0 s5, $0x11;
	s7 =	sadd.s32 @!p0 $0x11B8D, s7;
	_ =	swait.eq @!p0 [sflag:s6], $0x1  }
0xb2: {  	s5 =	sor.u32 @!p0 s5, s7;
	[sflag:s6] =	ssyncadd.s32 @!p0 $0xFFFFFFFF  }
0xb3: {  	s25 =	simm.s32 $0x1B8E;
	s24 =	sld [smem:$0x3FFE];
	[sflag:s5] =	ssyncadd.remote.s32 @!p0 $0x1  }
0xb4: {  	s26 =	simm.s32 $execute0_lowered;
	[smem:$0x3FD2] =	sst s25  }
0xb5: {  	s6 =	sshll.u32 s26, $0x1;
	_ =	strace $0x80000052;
	[dreg:$0x1] =	wrdreg $0xFFFFFFFF  }
0xb6: {  	s28 =	simm.s32 $_size_execute0_lowered;
	s4 =	sadd.s32 s4, s6;
	[dreg:$0x0] =	wrdreg $0x0  }
0xb7: {  	s6 =	sshll.u32 s28, $0x1;
	[dreg:$0x2] =	wrdreg s4  }
0xb8: {  	[dreg:$0x3] =	wrdreg s6  }
0xb9: {  	[dreg:$0x4] =	wrdreg $0xC0  }
0xba: {  	_ =	task [dreg:s22], $0x5FFFF  }
0xbb: {  	[dreg:$0x1] =	wrdreg $0xFFFFFFFF  }
0xbc: {  	[dreg:$0x0] =	wrdreg $0x60  }
0xbd: {  	[dreg:$0x2] =	wrdreg s24  }
0xbe: {  	[dreg:$0x3] =	wrdreg s18  }
0xbf: {  	[dreg:$0x4] =	wrdreg $0xA  }
0xc0: {  	_ =	task.clear_ibuf [dreg:s22], $0x5FFFF;
	_ =	strace $0x90000052  }
0xc1: {  	s29 =	simm.s32 $0xA;
	_ =	strace $0x80000054  }
0xc2: {  	_ =	swait.ge [sflag:s29], $0x1  }
0xc3: {  	[sflag:s29] =	ssyncadd.s32 $0xFFFFFFFF  }
0xc4: {  	_ =	strace $0x90000054  }
0xc5: {  	_ =	sfence  }
0xc6: {  	s30 =	sld [smem:$0x0];
	_ =	sdelay $0x2  }
0xc7: {  	s31 =	sshll.u32 s1, $0xD;
	s1 =	sshrl.u32 s1, $0x2  }
0xc8: {  	s4 =	sand.u32 $0x4000, s31;
	s1 =	sadd.s32 s1, s30  }
0xc9: {  	s0 =	sor.u32 s4, s0;
	s1 =	sshll.u32 s1, $0x11  }
0xca: {  	s0 =	sor.u32 s1, s0  }
0xcb: {  	s0 =	sadd.s32 $0x8F2B, s0  }
0xcc: {  	[sflag:s0] =	ssyncadd.remote.s32 $0x1  }
0xcd: {  	_ =	sfence.sel $0xFFFF  }
0xce: {  	[dreg:$0x0] =	wrdreg $0xFFFFFFFF;
	(pc) =	sbr.abs _section_cstart, $3  }
0xcf: {  	[dreg:$0x1] =	wrdreg $0xFFFFFFFF  }
0xd0: {  	_ =	task.clear_ibuf [dreg:s22], $0x2FFFF;
	_ =	strace $0x9FFFFFFF  }
0xd1: {  	(tm) =	ssettm $0x7FFFFFFF  }
tec
execute0_lowered:
.L_overlay_start_1:
0x0: {  	(tag) =	ssettag $0x1  }
0x1: {  	v0 =	vimm.s32 $0x1380;
	vm15 =	vcmask $0x300;
	vm14 =	vcmask $0x704  }
0x2: {  	vm13 =	vcmask $0xB08;
	vm12 =	vcmask $0xF0C;
	vm11 =	vcmask $0x1310  }
0x3: {  	vm10 =	vcmask $0x1714;
	vm9 =	vcmask $0x1B18;
	vm8 =	vcmask $0x1F1C  }
0x4: {  	vm7 =	vcmask $0x2320;
	vm6 =	vcmask $0x2724;
	vm5 =	vcmask $0x2B28  }
0x5: {  	vm4 =	vcmask $0x2F2C;
	vm3 =	vcmask $0x3330;
	vm2 =	vcmask $0x3734  }
0x6: {  	vm1 =	vcmask $0x3B38;
	vm0 =	vmmov $0xffff;
	v7 =	vimm.s32 $0x3380  }
0x7: {  	v8 =	vimm.s32 $0x5380;
	v9 =	vimm.s32 $0x7380;
	v0 =	vsel vm15, $0x0, v0  }
0x8: {  	v7 =	vsel vm15, $0x2000, v7;
	v8 =	vsel vm15, $0x4000, v8;
	v9 =	vsel vm15, $0x6000, v9  }
0x9: {  	v0 =	vsel vm14, $0x80, v0;
	v7 =	vsel vm14, $0x2080, v7;
	v8 =	vsel vm14, $0x4080, v8  }
0xa: {  	v9 =	vsel vm14, $0x6080, v9;
	v0 =	vsel vm13, $0x100, v0;
	v7 =	vsel vm13, $0x2100, v7  }
0xb: {  	v8 =	vsel vm13, $0x4100, v8;
	v9 =	vsel vm13, $0x6100, v9;
	v0 =	vsel vm12, $0x180, v0  }
0xc: {  	v7 =	vsel vm12, $0x2180, v7;
	v8 =	vsel vm12, $0x4180, v8;
	v9 =	vsel vm12, $0x6180, v9  }
0xd: {  	v0 =	vsel vm11, $0x200, v0;
	v7 =	vsel vm11, $0x2200, v7;
	v8 =	vsel vm11, $0x4200, v8  }
0xe: {  	s0 =	rddreg [dreg:$0x0];
	v9 =	vsel vm11, $0x6200, v9;
	v0 =	vsel vm10, $0x280, v0;
	v7 =	vsel vm10, $0x2280, v7  }
0xf: {  	s1 =	rddreg [dreg:$0x1];
	s2 =	simm.s32 $0x0;
	v8 =	vsel vm10, $0x4280, v8;
	v9 =	vsel vm10, $0x6280, v9;
	v0 =	vsel vm9, $0x300, v0  }
0x10: {  	s23 =	srdreg.scid;
	s11 =	simm.s32 $0xC180;
	s12 =	simm.s32 $0x1;
	v7 =	vsel vm9, $0x2300, v7;
	v8 =	vsel vm9, $0x4300, v8;
	v9 =	vsel vm9, $0x6300, v9  }
0x11: {  	s13 =	simm.s32 $0x2000;
	s15 =	simm.s32 $0x4080;
	s16 =	simm.s32 $0x4100;
	v1 =	vsel vm8, $0x380, v0;
	v0 =	vimm.s32 $0x0;
	v7 =	vsel vm8, $0x2380, v7  }
0x12: {  	s17 =	simm.s32 $0x4180;
	s18 =	simm.s32 $0x4980;
	s19 =	simm.s32 $0x5180;
	v8 =	vsel vm8, $0x4380, v8;
	v9 =	vsel vm8, $0x6380, v9;
	v2 =	vsel vm7, $0x1000, v1  }
0x13: {  	s20 =	simm.s32 $0x5980;
	s21 =	simm.s32 $0x6180;
	s22 =	simm.s32 $0x6980;
	v1 =	vlaneseq.u32;
	v7 =	vsel vm7, $0x3000, v7;
	v8 =	vsel vm7, $0x5000, v8  }
0x14: {  	s28 =	simm.s32 $0x9180;
	s29 =	simm.s32 $0x9980;
	s30 =	simm.s32 $0xA180;
	v9 =	vsel vm7, $0x7000, v9;
	v3 =	vsel vm6, $0x1080, v2;
	v2 =	vimm.s32 $0x27FFF  }
0x15: {  	s31 =	simm.s32 $0xA980;
	s10 =	simm.s32 $0xB980;
	[smem:$0x7FF] =	sst s2;
	v5 =	vshrl.u32 v1, $0x3;
	v7 =	vsel vm6, $0x3080, v7;
	v8 =	vsel vm6, $0x5080, v8  }
0x16: {  	s3 =	sadd.s32 $0x64600, s0;
	s4 =	sadd.s32 $0x5F600, s0;
	s5 =	sadd.s32 $0x2C800, s0;
	v9 =	vsel vm6, $0x7080, v9;
	v4 =	vsel vm5, $0x1100, v3;
	v3 =	vand.u32 $0x7, v1  }
0x17: {  	s14 =	simm.s32 $0x40;
	s6 =	sadd.s32 $0x51C600, s0;
	s9 =	sadd.s32 $0x64700, s0;
	v7 =	vsel vm5, $0x3100, v7;
	v8 =	vsel vm5, $0x5100, v8;
	v9 =	vsel vm5, $0x7100, v9  }
0x18: {  	s2 =	sand.u32 $0x1, s23;
	s23 =	simm.s32 $0x7180;
	_ =	strace $0x80000053;
	v4 =	vsel vm4, $0x1180, v4;
	v7 =	vsel vm4, $0x3180, v7;
	v8 =	vsel vm4, $0x5180, v8  }
.Ltmp0:
0x19: {  	[dreg:$0x3] =	wrdreg s5;
	s24 =	ssub.s32 $0x2, s2;
	v9 =	vsel vm4, $0x7180, v9;
	v6 =	vsel vm3, $0x1200, v4;
	v4 =	vmul.u32 $0x8, v5;
	(pc) =	sbr.rel .LBB2_1-.Ltmp0, $4  }
0x1a: {  	[dreg:$0x4] =	wrdreg s6;
	s2 =	sshll.u32 s2, $0x4;
	s25 =	sshrl.u32 s24, $0x1;
	v5 =	vor.u32 $0x8, v1;
	v7 =	vsel vm3, $0x3200, v7;
	v8 =	vsel vm3, $0x5200, v8  }
0x1b: {  	s0 =	simm.s32 $0xB180;
	[dreg:$0x5] =	wrdreg s2;
	s5 =	ssub.s32 s24, s25;
	v9 =	vsel vm3, $0x7200, v9;
	v6 =	vsel vm2, $0x1280, v6;
	v7 =	vsel vm2, $0x3280, v7  }
0x1c: {  	s24 =	simm.s32 $0x7980;
	s25 =	simm.s32 $0x8180;
	s26 =	smax.u32 s5, $0x1;
	v8 =	vsel vm2, $0x5280, v8;
	v9 =	vsel vm2, $0x7280, v9;
	v6 =	vsel vm1, $0x1300, v6  }
0x1d: {  	s5 =	simm.s32 $0x0;
	[dreg:$0x6] =	wrdreg s26;
	s26 =	simm.s32 $0x8980;
	v7 =	vsel vm1, $0x3300, v7;
	v8 =	vsel vm1, $0x5300, v8;
	v9 =	vsel vm1, $0x7300, v9  }
.LBB2_17:
0x1e: {  	s5 =	rddreg [dreg:$0x7]  }
0x1f: {  	s2 =	rddreg [dreg:$0x6];
	s5 =	sadd.s32 $0x1, s5  }
0x20: {  	p0 =	sne.s32 s5, s2  }
.Ltmp1:
0x21: {  	_ = 	snop;
	(pc) =	sbr.rel @!p0 .LBB2_18-.Ltmp1, $1  }
0x22: {  	_ =	sdelay $0x3  }
.LBB2_1:
.Ltmp2:
0x23: {  	(pc) =	sbr.rel .LBB2_2-.Ltmp2, $2  }
0x24: {  	_ =	sdelay $0x2  }
0x25: {  	[dreg:$0x7] =	wrdreg s5;
	s2 =	simm.s32 $0x0  }
.LBB2_16:
0x26: {  	s2 =	rddreg [dreg:$0x9]  }
0x27: {  	s2 =	smul.u32 $0x1C00, s2  }
0x28: {  	s5 =	rddreg [dreg:$0x4]  }
0x29: {  	s7 =	simm.s32 $0x0;
	s2 =	sadd.s32 s5, s2  }
0x2a: {  	[hbm4b:s2+s7] =	stream.linear.scatter [tilespmem:s11], [sflag:$0x1], $0xE000, $0x38;
	[tilespmem:$0x1B180] =	vst v63  }
0x2b: {  	_ =	swait.ge [sflag:s12], $0xE000  }
0x2c: {  	s8 =	rddreg [dreg:$0x8]  }
0x2d: {  	s2 =	sadd.s32 $0x1, s8  }
0x2e: {  	p0 =	sne.s32 s2, $0x17  }
.Ltmp3:
0x2f: {  	_ = 	snop;
	(pc) =	sbr.rel @!p0 .LBB2_17-.Ltmp3, $3  }
0x30: {  	_ =	sdelay $0x1  }
0x31: {  	[sflag:s12] =	ssyncset.done $0x0  }
0x32: {  	[sflag:s12] =	ssyncadd.s32 $0xFFFF2000  }
.LBB2_2:
0x33: {  	s8 =	sshll.u32 s2, $0x5;
	s5 =	rddreg [dreg:$0x5]  }
0x34: {  	[dreg:$0x8] =	wrdreg s2;
	s6 =	stileid.u32;
	s2 =	sor.u32 s8, s5  }
0x35: {  	s2 =	sor.u32 s6, s2  }
0x36: {  	[dreg:$0x9] =	wrdreg s2;
	s2 =	smul.u32 $0x70, s2  }
.Ltmp4:
0x37: {  	s7 =	rddreg [dreg:$0x3];
	s6 =	simm.s32 $0x0;
	(pc) =	sbr.rel .LBB2_3-.Ltmp4, $4  }
0x38: {  	[tilespmem:s11], [sflag:$0x1] =	stream.linear.gather [hbm4b:s7+s6], $0xF000, $0x38;
	[tilespmem:$0x1B180] =	vst v63  }
0x39: {  	_ =	swait.ge [sflag:s12], $0xF000  }
0x3a: {  	[sflag:s12] =	ssyncset.done $0x0;
	s8 =	sadd.s32 $0x70, s2  }
0x3b: {  	s7 =	simm.s32 $0x0;
	v10 =	vmov s2;
	s2 =	simm.s32 $0x0;
	[sflag:s12] =	ssyncadd.s32 $0xFFFF1000;
	v11 =	vmov s8  }
.LBB2_15:
0x3c: {  	s2 =	rddreg [dreg:$0xb]  }
0x3d: {  	s2 =	sadd.s32 $0x1, s2  }
0x3e: {  	p0 =	sne.s32 s2, $0x14  }
.Ltmp5:
0x3f: {  	_ = 	snop;
	(pc) =	sbr.rel @!p0 .LBB2_16-.Ltmp5, $3  }
0x40: {  	_ =	sdelay $0x1  }
0x41: {  	s7 =	rddreg [dreg:$0xa]  }
0x42: {  	s7 =	sadd.s32 $0x2000, s7  }
.LBB2_3:
0x43: {  	s6 =	sshll.u32 s2, $0xA  }
0x44: {  	[dreg:$0xb] =	wrdreg s2;
	s5 =	simm.s32 $0x0;
	s2 =	sadd.s32 s4, s6  }
0x45: {  	[tilespmem:s5], [sflag:$0x1] =	stream.linear.gather [hbm4b:s2+s5], $0x2000, $0x38;
	[tilespmem:$0x1B180] =	vst v63  }
0x46: {  	_ =	swait.ge [sflag:s12], $0x2000  }
0x47: {  	[sflag:s12] =	ssyncset.done $0x0  }
0x48: {  	s8 =	simm.s32 $0x0;
	[sflag:s12] =	ssyncadd.s32 $0xFFFFE000  }
0x49: {  	v12 =	vld [tilespmem:s8+$0x0];
	_ =	sdelay $0x4  }
0x4a: {  	vm1 =	vge.s32 v12, v10;
	vm2 =	vlt.s32 v12, v11  }
0x4b: {  	vm1 =	vmand vm1, vm2  }
0x4c: {  	v62 =	vsel vm1, $0x1, v0  }
0x4d: {  	(xrf0) =	vadd.scan.msk.s32 $0xffff, v62;
	_ =	sdelay $0x4  }
0x4e: {  	v63 =	vsel vm1, $0xFFFFFFFF, v0  }
0x4f: {  	v12 =	vadd.s32 s5, v63;
	v13, _, _ =	vpop (xrf0)  }
0x50: {  	v12 =	vadd.s32 v13, v12;
	(v2sf) =	vpush v13, $0xF;
	_ =	sdelay $0x3  }
0x51: {  	v14 =	vor.u32 s7, v1;
	s6 =	simm.s32 $0x80;
	s2 =	smov.u32 s7  }
0x52: {  	[dreg:$0xa] =	wrdreg s7;
	s8 =	simm.s32 $0x10;
	s5 =	simm.s32 $0x0;
	[tilespmem:v12+s13+$0x0] =	vst.idx.msk vm1, v14  }
.LBB2_4:
0x53: {  	p0 =	sne.s32 s6, $0x7FC0;
	v12 =	vld [tilespmem:s8+$0x0];
	_ =	sdelay $0x4  }
0x54: {  	vm1 =	vge.s32 v12, v10;
	vm2 =	vlt.s32 v12, v11  }
0x55: {  	vm1 =	vmand vm1, vm2  }
0x56: {  	v12 =	vsel vm1, $0xFFFFFFFF, v0;
	v13 =	vsel vm1, $0x1, v0  }
0x57: {  	(xrf0) =	vadd.scan.msk.s32 $0xffff, v13  }
0x58: {  	s8 =	spop (v2sf)  }
0x59: {  	s5 =	sadd.s32 s5, s8  }
0x5a: {  	v12 =	vadd.s32 s5, v12;
	_ =	sdelay $0x2  }
0x5b: {  	v13, _, _ =	vpop (xrf0)  }
0x5c: {  	v12 =	vadd.s32 v13, v12;
	(v2sf) =	vpush v13, $0xF  }
.Ltmp6:
0x5d: {  	(pc) =	sbr.rel @p0 .LBB2_4-.Ltmp6, $4  }
0x5e: {  	_ = 	snop  }
0x5f: {  	s2 =	sadd.s32 $0x10, s2  }
0x60: {  	v13 =	vor.u32 s2, v1  }
0x61: {  	s8 =	sshra.s32 s6, $0x2;
	s6 =	sadd.s32 $0x40, s6;
	[tilespmem:v12+s13+$0x0] =	vst.idx.msk vm1, v13  }
0x62: {  	v12 =	vld [tilespmem:s8+$0x0];
	_ =	sdelay $0x4  }
0x63: {  	vm1 =	vge.s32 v12, v10;
	vm2 =	vlt.s32 v12, v11  }
0x64: {  	vm1 =	vmand vm1, vm2  }
0x65: {  	v62 =	vsel vm1, $0x1, v0  }
0x66: {  	(xrf0) =	vadd.scan.msk.s32 $0xffff, v62;
	_ =	sdelay $0x5  }
0x67: {  	v12, _, _ =	vpop (xrf0)  }
0x68: {  	(v2sf) =	vpush v12, $0xF;
	_ =	sdelay $0xd  }
0x69: {  	s6 =	spop (v2sf)  }
0x6a: {  	s5 =	sadd.s32 s5, s6;
	s7 =	spop (v2sf)  }
0x6b: {  	s8 =	sadd.s32 s5, s7  }
0x6c: {  	s6 =	sadd.s32 $0x4F, s8  }
0x6d: {  	s7 =	sand.u32 $0x3F, s6  }
0x6e: {  	p1 =	slt.s32 s6, $0x1;
	p0 =	sne.s32 s7, $0x0;
	s7 =	sshra.s32 s6, $0x1F  }
0x6f: {  	s7 =	sshrl.u32 s7, $0x1A;
	p0 =	por !p1, !p0  }
0x70: {  	s6 =	sadd.s32 s7, s6;
	p0 =	por !p0, !p0;
	s7 =	simm.s32 $0x1  }
0x71: {  	s6 =	sshra.s32 s6, $0x6;
	s7 =	simm.s32 @!p0 $0x0  }
0x72: {  	v13 =	vsel vm1, $0xFFFFFFFF, v0;
	s6 =	ssub.s32 s6, s7  }
0x73: {  	v13 =	vadd.s32 s5, v13;
	v14 =	vadd.s32 s8, v1;
	s7 =	sadd.s32 $0x10, s8;
	s5 =	sshll.u32 s6, $0x6  }
0x74: {  	v12 =	vadd.s32 v12, v13;
	v63 =	vadd.s32 s7, v1;
	s7 =	sadd.s32 $0x20, s8;
	vm2 =	vlt.s32 v14, s5  }
0x75: {  	vm3 =	vlt.s32 v63, s5;
	v15 =	vadd.s32 s7, v1;
	s7 =	sadd.s32 $0x30, s8  }
0x76: {  	s8 =	sadd.s32 $0x40, s8;
	v16 =	vadd.s32 s7, v1;
	vm4 =	vlt.s32 v15, s5  }
0x77: {  	s2 =	sadd.s32 $0x10, s2;
	v17 =	vadd.s32 s8, v1;
	vm5 =	vlt.s32 v16, s5  }
0x78: {  	v18 =	vor.u32 s2, v1;
	vm6 =	vlt.s32 v17, s5  }
0x79: {  	[tilespmem:v12+s13+$0x0] =	vst.idx.msk vm1, v18;
	p0 =	slt.s32 s6, $0x1  }
.Ltmp7:
0x7a: {  	[tilespmem:v14+s13+$0x0] =	vst.idx.msk vm2, v2;
	(pc) =	sbr.rel @p0 .LBB2_15-.Ltmp7, $4  }
0x7b: {  	[tilespmem:v63+s13+$0x0] =	vst.idx.msk vm3, v2  }
0x7c: {  	[tilespmem:v15+s13+$0x0] =	vst.idx.msk vm4, v2  }
0x7d: {  	[tilespmem:v16+s13+$0x0] =	vst.idx.msk vm5, v2  }
0x7e: {  	s2 =	simm.s32 $0x0;
	s5 =	simm.s32 $0x0;
	[tilespmem:v17+s13+$0x0] =	vst.idx.msk vm6, v2  }
.LBB2_6:
0x7f: {  	s7 =	sshll.u32 s5, $0x8  }
0x80: {  	s7 =	sshra.s32 s7, $0x2  }
0x81: {  	s7 =	sadd.s32 $0x2000, s7  }
0x82: {  	[tilespmem:s15], [sflag:$0x1] =	stream.indirect.gather [hbm4b:s1+s14], $0x1, s7, s14, $0xb8;
	[tilespmem:$0x1B180] =	vst v63  }
0x83: {  	_ =	swait.ge [sflag:s12], $0x40  }
0x84: {  	[sflag:s12] =	ssyncset.done $0x0  }
0x85: {  	[sflag:s12] =	ssyncadd.s32 $0xFFFFFFC0  }
0x86: {  	[tilespmem:s16], [sflag:$0x1] =	stream.indirect.gather [hbm4b:s4+s14], $0x1, s7, s14, $0xb8;
	[tilespmem:$0x1B180] =	vst v63  }
0x87: {  	_ =	swait.ge [sflag:s12], $0x40  }
0x88: {  	[sflag:s12] =	ssyncset.done $0x0  }
0x89: {  	[sflag:s12] =	ssyncadd.s32 $0xFFFFFFC0  }
0x8a: {  	v12 =	vld [tilespmem:$0x4080];
	_ =	sdelay $0x4  }
0x8b: {  	v13 =	vshll.u32 v12, $0x2  }
0x8c: {  	v12 =	vand.u32 $0x7, v12;
	v13 =	vand.u32 $0xFFFFFFE0, v13  }
0x8d: {  	v12 =	vor.u32 v12, v13  }
0x8e: {  	v13 =	vperm.xlane v12, v3;
	_ =	sdelay $0x1  }
0x8f: {  	v13 =	vadd.s32 v4, v13;
	_ =	sdelay $0x1  }
0x90: {  	v12 =	vperm.xlane v12, v5;
	_ =	sdelay $0x1  }
0x91: {  	v12 =	vadd.s32 v4, v12  }
0x92: {  	[tilespmem:s17], [sflag:$0x1] =	stream.indirect_vreg.gather [hbm4b:s3+s2], $0x80, v13, vm0, $0xb8;
	[tilespmem:$0x1B180] =	vst v63  }
0x93: {  	_ = 	snop  }
0x94: {  	[tilespmem:s18], [sflag:$0x1] =	stream.indirect_vreg.gather [hbm4b:s9+s2], $0x80, v13, vm0, $0xb8;
	[tilespmem:$0x1B180] =	vst v63  }
0x95: {  	_ = 	snop  }
0x96: {  	[tilespmem:s19], [sflag:$0x1] =	stream.indirect_vreg.gather [hbm4b:s3+s2], $0x80, v12, vm0, $0xb8;
	[tilespmem:$0x1B180] =	vst v63  }
0x97: {  	_ = 	snop  }
0x98: {  	[tilespmem:s20], [sflag:$0x1] =	stream.indirect_vreg.gather [hbm4b:s9+s2], $0x80, v12, vm0, $0xb8;
	[tilespmem:$0x1B180] =	vst v63  }
0x99: {  	v12 =	vld [tilespmem:$0x4090];
	_ =	sdelay $0x4  }
0x9a: {  	v13 =	vshll.u32 v12, $0x2  }
0x9b: {  	v12 =	vand.u32 $0x7, v12;
	v13 =	vand.u32 $0xFFFFFFE0, v13  }
0x9c: {  	v12 =	vor.u32 v12, v13  }
0x9d: {  	v13 =	vperm.xlane v12, v3;
	_ =	sdelay $0x1  }
0x9e: {  	v13 =	vadd.s32 v4, v13;
	_ =	sdelay $0x1  }
0x9f: {  	v12 =	vperm.xlane v12, v5;
	_ =	sdelay $0x1  }
0xa0: {  	v12 =	vadd.s32 v4, v12  }
0xa1: {  	[tilespmem:s21], [sflag:$0x1] =	stream.indirect_vreg.gather [hbm4b:s3+s2], $0x80, v13, vm0, $0xb8;
	[tilespmem:$0x1B180] =	vst v63  }
0xa2: {  	_ = 	snop  }
0xa3: {  	[tilespmem:s22], [sflag:$0x1] =	stream.indirect_vreg.gather [hbm4b:s9+s2], $0x80, v13, vm0, $0xb8;
	[tilespmem:$0x1B180] =	vst v63  }
0xa4: {  	_ = 	snop  }
0xa5: {  	[tilespmem:s23], [sflag:$0x1] =	stream.indirect_vreg.gather [hbm4b:s3+s2], $0x80, v12, vm0, $0xb8;
	[tilespmem:$0x1B180] =	vst v63  }
0xa6: {  	_ = 	snop  }
0xa7: {  	[tilespmem:s24], [sflag:$0x1] =	stream.indirect_vreg.gather [hbm4b:s9+s2], $0x80, v12, vm0, $0xb8;
	[tilespmem:$0x1B180] =	vst v63  }
0xa8: {  	v12 =	vld [tilespmem:$0x40A0];
	_ =	sdelay $0x4  }
0xa9: {  	v13 =	vshll.u32 v12, $0x2  }
0xaa: {  	v12 =	vand.u32 $0x7, v12;
	v13 =	vand.u32 $0xFFFFFFE0, v13  }
0xab: {  	v12 =	vor.u32 v12, v13  }
0xac: {  	v13 =	vperm.xlane v12, v3;
	_ =	sdelay $0x1  }
0xad: {  	v13 =	vadd.s32 v4, v13;
	_ =	sdelay $0x1  }
0xae: {  	v12 =	vperm.xlane v12, v5;
	_ =	sdelay $0x1  }
0xaf: {  	v12 =	vadd.s32 v4, v12  }
0xb0: {  	[tilespmem:s25], [sflag:$0x1] =	stream.indirect_vreg.gather [hbm4b:s3+s2], $0x80, v13, vm0, $0xb8;
	[tilespmem:$0x1B180] =	vst v63  }
0xb1: {  	_ = 	snop  }
0xb2: {  	[tilespmem:s26], [sflag:$0x1] =	stream.indirect_vreg.gather [hbm4b:s9+s2], $0x80, v13, vm0, $0xb8;
	[tilespmem:$0x1B180] =	vst v63  }
0xb3: {  	_ = 	snop  }
0xb4: {  	[tilespmem:s28], [sflag:$0x1] =	stream.indirect_vreg.gather [hbm4b:s3+s2], $0x80, v12, vm0, $0xb8;
	[tilespmem:$0x1B180] =	vst v63  }
0xb5: {  	_ = 	snop  }
0xb6: {  	[tilespmem:s29], [sflag:$0x1] =	stream.indirect_vreg.gather [hbm4b:s9+s2], $0x80, v12, vm0, $0xb8;
	[tilespmem:$0x1B180] =	vst v63  }
0xb7: {  	v12 =	vld [tilespmem:$0x40B0];
	_ =	sdelay $0x4  }
0xb8: {  	v13 =	vshll.u32 v12, $0x2  }
0xb9: {  	v12 =	vand.u32 $0x7, v12;
	v13 =	vand.u32 $0xFFFFFFE0, v13  }
0xba: {  	v12 =	vor.u32 v12, v13  }
0xbb: {  	v13 =	vperm.xlane v12, v3;
	_ =	sdelay $0x1  }
0xbc: {  	v13 =	vadd.s32 v4, v13;
	_ =	sdelay $0x1  }
0xbd: {  	v12 =	vperm.xlane v12, v5;
	_ =	sdelay $0x1  }
0xbe: {  	v12 =	vadd.s32 v4, v12  }
0xbf: {  	[tilespmem:s30], [sflag:$0x1] =	stream.indirect_vreg.gather [hbm4b:s3+s2], $0x80, v13, vm0, $0xb8;
	[tilespmem:$0x1B180] =	vst v63  }
0xc0: {  	_ = 	snop  }
0xc1: {  	[tilespmem:s31], [sflag:$0x1] =	stream.indirect_vreg.gather [hbm4b:s9+s2], $0x80, v13, vm0, $0xb8;
	[tilespmem:$0x1B180] =	vst v63  }
0xc2: {  	_ = 	snop  }
0xc3: {  	[tilespmem:s0], [sflag:$0x1] =	stream.indirect_vreg.gather [hbm4b:s3+s2], $0x80, v12, vm0, $0xb8;
	[tilespmem:$0x1B180] =	vst v63  }
0xc4: {  	_ = 	snop  }
0xc5: {  	[tilespmem:s10], [sflag:$0x1] =	stream.indirect_vreg.gather [hbm4b:s9+s2], $0x80, v12, vm0, $0xb8;
	[tilespmem:$0x1B180] =	vst v63  }
0xc6: {  	_ =	swait.ge [sflag:s12], $0x8000  }
0xc7: {  	[sflag:s12] =	ssyncset.done $0x0  }
0xc8: {  	[sflag:s12] =	ssyncadd.s32 $0xFFFF8000  }
0xc9: {  	v12 =	vld [tilespmem:$0x4100];
	_ =	sdelay $0x2  }
0xca: {  	v13 =	vmov s2  }
0xcb: {  	v14 =	vshll.u32 v13, $0x3;
	v15 =	vand.u32 $0x7F, v13  }
0xcc: {  	v16 =	vand.u32 $0xC00, v14;
	vm1 =	vge.s32 v12, v10;
	vm2 =	vlt.s32 v12, v11  }
0xcd: {  	v13 =	vor.u32 v15, v16;
	v12 =	vsub.s32 v12, v10;
	vm1 =	vmand vm1, vm2  }
0xce: {  	v17 =	vor.u32 v6, v13;
	v12 =	vnsel vm1, $0x70, v12  }
0xcf: {  	s8 =	simm.s32 $0x1;
	v13 =	vshll.u32 v12, $0x9;
	v12 =	vshll.u32 v12, $0x7  }
0xd0: {  	v14 =	vmov s8;
	v13 =	vand.u32 $0xFFFFF000, v13;
	v12 =	vand.u32 $0x380, v12  }
0xd1: {  	v18 =	vshll.u32 v14, $0x3;
	v12 =	vor.u32 v13, v12  }
0xd2: {  	v14 =	vand.u32 $0x7F, v14;
	v13 =	vand.u32 $0xC00, v18;
	v18 =	vor.u32 v12, v15  }
0xd3: {  	v19 =	vor.u32 v14, v13;
	v15 =	vld.idx.msk [tilespmem:v17+s17+$0x0], $0xffff;
	v17 =	vor.u32 v16, v18  }
0xd4: {  	v16 =	vor.u32 v6, v19;
	_ =	sdelay $0x1  }
0xd5: {  	s8 =	simm.s32 $0x2  }
0xd6: {  	v18 =	vmov s8;
	s8 =	simm.s32 $0x3  }
.LBB2_7:
0xd7: {  	p0 =	sne.s32 s8, $0x1FF;
	v19 =	vshll.u32 v18, $0x3;
	[tilespmem:v17+s11+$0x0] =	vst.idx.add.f32.msk vm1, v15  }
0xd8: {  	v19 =	vand.u32 $0xC00, v19;
	v15 =	vld.idx.msk [tilespmem:v16+s17+$0x0], $0xffff;
	v16 =	vor.u32 v12, v14;
	v14 =	vand.u32 $0x7F, v18  }
.Ltmp8:
0xd9: {  	v18 =	vor.u32 v14, v19;
	v17 =	vor.u32 v13, v16;
	v13 =	vmov v19;
	(pc) =	sbr.rel @p0 .LBB2_7-.Ltmp8, $2  }
0xda: {  	v16 =	vor.u32 v6, v18;
	_ =	sdelay $0x2  }
0xdb: {  	v18 =	vmov s8;
	s8 =	sadd.s32 $0x1, s8  }
0xdc: {  	_ =	sdelay $0x3  }
0xdd: {  	v19 =	vshll.u32 v18, $0x3  }
0xde: {  	[tilespmem:v17+s11+$0x0] =	vst.idx.add.f32.msk vm1, v15;
	v15 =	vand.u32 $0x7F, v18;
	v14 =	vor.u32 v12, v14;
	v17 =	vand.u32 $0xC00, v19  }
0xdf: {  	v16 =	vld.idx.msk [tilespmem:v16+s17+$0x0], $0xffff;
	v13 =	vor.u32 v13, v14;
	v18 =	vor.u32 v15, v17  }
0xe0: {  	v14 =	vor.u32 v6, v18;
	_ =	sdelay $0x3  }
0xe1: {  	v12 =	vor.u32 v12, v15;
	[tilespmem:v13+s11+$0x0] =	vst.idx.add.f32.msk vm1, v16  }
0xe2: {  	v12 =	vor.u32 v17, v12;
	v13 =	vld.idx.msk [tilespmem:v14+s17+$0x0], $0xffff;
	_ =	sdelay $0x4  }
0xe3: {  	[tilespmem:v12+s11+$0x0] =	vst.idx.add.f32.msk vm1, v13  }
0xe4: {  	v12 =	vld [tilespmem:$0x4110];
	_ =	sdelay $0x1  }
0xe5: {  	s7 =	simm.s32 $0x0  }
0xe6: {  	v13 =	vmov s7  }
0xe7: {  	v14 =	vshll.u32 v13, $0x3;
	v15 =	vand.u32 $0x7F, v13  }
0xe8: {  	v16 =	vand.u32 $0xC00, v14;
	vm1 =	vge.s32 v12, v10;
	vm2 =	vlt.s32 v12, v11  }
0xe9: {  	v13 =	vor.u32 v15, v16;
	v12 =	vsub.s32 v12, v10;
	vm1 =	vmand vm1, vm2  }
0xea: {  	v17 =	vor.u32 v7, v13;
	v12 =	vnsel vm1, $0x70, v12  }
0xeb: {  	s8 =	simm.s32 $0x1;
	v13 =	vshll.u32 v12, $0x9;
	v12 =	vshll.u32 v12, $0x7  }
0xec: {  	v14 =	vmov s8;
	v13 =	vand.u32 $0xFFFFF000, v13;
	v12 =	vand.u32 $0x380, v12  }
0xed: {  	v18 =	vshll.u32 v14, $0x3;
	v12 =	vor.u32 v13, v12  }
0xee: {  	v14 =	vand.u32 $0x7F, v14;
	v13 =	vand.u32 $0xC00, v18;
	v18 =	vor.u32 v12, v15  }
0xef: {  	v19 =	vor.u32 v14, v13;
	v15 =	vld.idx.msk [tilespmem:v17+s17+$0x0], $0xffff;
	v17 =	vor.u32 v16, v18  }
0xf0: {  	v16 =	vor.u32 v7, v19;
	_ =	sdelay $0x1  }
0xf1: {  	s8 =	simm.s32 $0x2  }
0xf2: {  	v18 =	vmov s8;
	s8 =	simm.s32 $0x3  }
.LBB2_9:
0xf3: {  	p0 =	sne.s32 s8, $0x1FF;
	v19 =	vshll.u32 v18, $0x3;
	[tilespmem:v17+s11+$0x0] =	vst.idx.add.f32.msk vm1, v15  }
0xf4: {  	v19 =	vand.u32 $0xC00, v19;
	v15 =	vld.idx.msk [tilespmem:v16+s17+$0x0], $0xffff;
	v16 =	vor.u32 v12, v14;
	v14 =	vand.u32 $0x7F, v18  }
.Ltmp9:
0xf5: {  	v18 =	vor.u32 v14, v19;
	v17 =	vor.u32 v13, v16;
	v13 =	vmov v19;
	(pc) =	sbr.rel @p0 .LBB2_9-.Ltmp9, $2  }
0xf6: {  	v16 =	vor.u32 v7, v18;
	_ =	sdelay $0x2  }
0xf7: {  	v18 =	vmov s8;
	s8 =	sadd.s32 $0x1, s8  }
0xf8: {  	_ =	sdelay $0x3  }
0xf9: {  	v19 =	vshll.u32 v18, $0x3  }
0xfa: {  	[tilespmem:v17+s11+$0x0] =	vst.idx.add.f32.msk vm1, v15;
	v15 =	vand.u32 $0x7F, v18;
	v14 =	vor.u32 v12, v14;
	v17 =	vand.u32 $0xC00, v19  }
0xfb: {  	v16 =	vld.idx.msk [tilespmem:v16+s17+$0x0], $0xffff;
	v13 =	vor.u32 v13, v14;
	v18 =	vor.u32 v15, v17  }
0xfc: {  	v14 =	vor.u32 v7, v18;
	_ =	sdelay $0x3  }
0xfd: {  	v12 =	vor.u32 v12, v15;
	[tilespmem:v13+s11+$0x0] =	vst.idx.add.f32.msk vm1, v16  }
0xfe: {  	v12 =	vor.u32 v17, v12;
	v13 =	vld.idx.msk [tilespmem:v14+s17+$0x0], $0xffff;
	_ =	sdelay $0x4  }
0xff: {  	[tilespmem:v12+s11+$0x0] =	vst.idx.add.f32.msk vm1, v13  }
0x100: {  	v12 =	vld [tilespmem:$0x4120];
	_ =	sdelay $0x1  }
0x101: {  	s7 =	simm.s32 $0x0  }
0x102: {  	v13 =	vmov s7  }
0x103: {  	v14 =	vshll.u32 v13, $0x3;
	v15 =	vand.u32 $0x7F, v13  }
0x104: {  	v16 =	vand.u32 $0xC00, v14;
	vm1 =	vge.s32 v12, v10;
	vm2 =	vlt.s32 v12, v11  }
0x105: {  	v13 =	vor.u32 v15, v16;
	v12 =	vsub.s32 v12, v10;
	vm1 =	vmand vm1, vm2  }
0x106: {  	v17 =	vor.u32 v8, v13;
	v12 =	vnsel vm1, $0x70, v12  }
0x107: {  	s8 =	simm.s32 $0x1;
	v13 =	vshll.u32 v12, $0x9;
	v12 =	vshll.u32 v12, $0x7  }
0x108: {  	v14 =	vmov s8;
	v13 =	vand.u32 $0xFFFFF000, v13;
	v12 =	vand.u32 $0x380, v12  }
0x109: {  	v18 =	vshll.u32 v14, $0x3;
	v12 =	vor.u32 v13, v12  }
0x10a: {  	v14 =	vand.u32 $0x7F, v14;
	v13 =	vand.u32 $0xC00, v18;
	v18 =	vor.u32 v12, v15  }
0x10b: {  	v19 =	vor.u32 v14, v13;
	v15 =	vld.idx.msk [tilespmem:v17+s17+$0x0], $0xffff;
	v17 =	vor.u32 v16, v18  }
0x10c: {  	v16 =	vor.u32 v8, v19;
	_ =	sdelay $0x1  }
0x10d: {  	s8 =	simm.s32 $0x2  }
0x10e: {  	v18 =	vmov s8;
	s8 =	simm.s32 $0x3  }
.LBB2_11:
0x10f: {  	p0 =	sne.s32 s8, $0x1FF;
	v19 =	vshll.u32 v18, $0x3;
	[tilespmem:v17+s11+$0x0] =	vst.idx.add.f32.msk vm1, v15  }
0x110: {  	v19 =	vand.u32 $0xC00, v19;
	v15 =	vld.idx.msk [tilespmem:v16+s17+$0x0], $0xffff;
	v16 =	vor.u32 v12, v14;
	v14 =	vand.u32 $0x7F, v18  }
.Ltmp10:
0x111: {  	v18 =	vor.u32 v14, v19;
	v17 =	vor.u32 v13, v16;
	v13 =	vmov v19;
	(pc) =	sbr.rel @p0 .LBB2_11-.Ltmp10, $2  }
0x112: {  	v16 =	vor.u32 v8, v18;
	_ =	sdelay $0x2  }
0x113: {  	v18 =	vmov s8;
	s8 =	sadd.s32 $0x1, s8  }
0x114: {  	_ =	sdelay $0x3  }
0x115: {  	v19 =	vshll.u32 v18, $0x3  }
0x116: {  	[tilespmem:v17+s11+$0x0] =	vst.idx.add.f32.msk vm1, v15;
	v15 =	vand.u32 $0x7F, v18;
	v14 =	vor.u32 v12, v14;
	v17 =	vand.u32 $0xC00, v19  }
0x117: {  	v16 =	vld.idx.msk [tilespmem:v16+s17+$0x0], $0xffff;
	v13 =	vor.u32 v13, v14;
	v18 =	vor.u32 v15, v17  }
0x118: {  	v14 =	vor.u32 v8, v18;
	_ =	sdelay $0x3  }
0x119: {  	v12 =	vor.u32 v12, v15;
	[tilespmem:v13+s11+$0x0] =	vst.idx.add.f32.msk vm1, v16  }
0x11a: {  	v12 =	vor.u32 v17, v12;
	v13 =	vld.idx.msk [tilespmem:v14+s17+$0x0], $0xffff;
	_ =	sdelay $0x4  }
0x11b: {  	[tilespmem:v12+s11+$0x0] =	vst.idx.add.f32.msk vm1, v13  }
0x11c: {  	v12 =	vld [tilespmem:$0x4130];
	_ =	sdelay $0x1  }
0x11d: {  	s7 =	simm.s32 $0x0  }
0x11e: {  	v13 =	vmov s7  }
0x11f: {  	v14 =	vshll.u32 v13, $0x3;
	v15 =	vand.u32 $0x7F, v13  }
0x120: {  	v16 =	vand.u32 $0xC00, v14;
	vm1 =	vge.s32 v12, v10;
	vm2 =	vlt.s32 v12, v11  }
0x121: {  	v13 =	vor.u32 v15, v16;
	v12 =	vsub.s32 v12, v10;
	vm1 =	vmand vm1, vm2  }
0x122: {  	v17 =	vor.u32 v9, v13;
	v12 =	vnsel vm1, $0x70, v12  }
0x123: {  	s8 =	simm.s32 $0x1;
	v13 =	vshll.u32 v12, $0x9;
	v12 =	vshll.u32 v12, $0x7  }
0x124: {  	v14 =	vmov s8;
	v13 =	vand.u32 $0xFFFFF000, v13;
	v12 =	vand.u32 $0x380, v12  }
0x125: {  	v18 =	vshll.u32 v14, $0x3;
	v12 =	vor.u32 v13, v12  }
0x126: {  	v14 =	vand.u32 $0x7F, v14;
	v13 =	vand.u32 $0xC00, v18;
	v18 =	vor.u32 v12, v15  }
0x127: {  	v19 =	vor.u32 v14, v13;
	v15 =	vld.idx.msk [tilespmem:v17+s17+$0x0], $0xffff;
	v17 =	vor.u32 v16, v18  }
0x128: {  	v16 =	vor.u32 v9, v19;
	_ =	sdelay $0x1  }
0x129: {  	s8 =	simm.s32 $0x2  }
0x12a: {  	v18 =	vmov s8;
	s8 =	simm.s32 $0x3  }
.LBB2_13:
0x12b: {  	p0 =	sne.s32 s8, $0x1FF;
	v19 =	vshll.u32 v18, $0x3;
	[tilespmem:v17+s11+$0x0] =	vst.idx.add.f32.msk vm1, v15  }
0x12c: {  	v19 =	vand.u32 $0xC00, v19;
	v15 =	vld.idx.msk [tilespmem:v16+s17+$0x0], $0xffff;
	v16 =	vor.u32 v12, v14;
	v14 =	vand.u32 $0x7F, v18  }
.Ltmp11:
0x12d: {  	v18 =	vor.u32 v14, v19;
	v17 =	vor.u32 v13, v16;
	v13 =	vmov v19;
	(pc) =	sbr.rel @p0 .LBB2_13-.Ltmp11, $2  }
0x12e: {  	v16 =	vor.u32 v9, v18;
	_ =	sdelay $0x2  }
0x12f: {  	v18 =	vmov s8;
	s8 =	sadd.s32 $0x1, s8  }
0x130: {  	_ =	sdelay $0x3  }
0x131: {  	v19 =	vshll.u32 v18, $0x3  }
0x132: {  	[tilespmem:v17+s11+$0x0] =	vst.idx.add.f32.msk vm1, v15;
	v60 =	vand.u32 $0x7F, v18;
	v14 =	vor.u32 v12, v14;
	v61 =	vand.u32 $0xC00, v19  }
0x133: {  	v16 =	vld.idx.msk [tilespmem:v16+s17+$0x0], $0xffff;
	v13 =	vor.u32 v13, v14;
	v18 =	vor.u32 v60, v61  }
0x134: {  	v62 =	vor.u32 v9, v18;
	_ =	sdelay $0x3  }
0x135: {  	s5 =	sadd.s32 $0x1, s5;
	v63 =	vor.u32 v12, v60;
	[tilespmem:v13+s11+$0x0] =	vst.idx.add.f32.msk vm1, v16  }
0x136: {  	p0 =	sne.s32 s5, s6;
	v12 =	vor.u32 v61, v63;
	v13 =	vld.idx.msk [tilespmem:v62+s17+$0x0], $0xffff  }
.Ltmp12:
0x137: {  	_ = 	snop;
	(pc) =	sbr.rel @p0 .LBB2_6-.Ltmp12, $4  }
.Ltmp13:
0x138: {  	_ = 	snop;
	(pc) =	sbr.rel @!p0 .LBB2_15-.Ltmp13, $4  }
0x139: {  	_ = 	snop  }
0x13a: {  	_ = 	snop  }
0x13b: {  	[tilespmem:v12+s11+$0x0] =	vst.idx.add.f32.msk vm1, v13  }
0x13c: {  	_ = 	snop  }
.LBB2_18:
0x13d: {  	_ =	sfence.sel $0x180000  }
0x13e: {  	[bflag:$0x0] =	sbarrier.arrive $0xFFFF  }
0x13f: {  	_ =	strace $0x90000053  }
0x140: {  	s0 =	stileid.u32;
	[bflag:$0x2] =	sbarrier.arrive $0xFFFF  }
0x141: {  	p0 =	sne.s32 s0, $0x0;
	s0 =	rddreg [dreg:$0x2]  }
0x142: {  	s0 =	sadd.s32 @!p0 $0x100000, s0  }
0x143: {  	[sflag:s0] =	ssyncadd.tile.s32 @!p0 $0x1;
	_ =	shalt  }
.Lfunc_end2:
_tile_overlayer_lowered:
.L_overlay_start_2:
0x144: {  	(tag) =	ssettag $0x2  }
0x145: {  	s0 =	rddreg [dreg:$0x0];
	s2 =	stileid.u32  }
0x146: {  	s1 =	rddreg [dreg:$0x1];
	p0 =	sne.s32 s2, $0x0  }
0x147: {  	s3 =	rddreg [dreg:$0x2];
	[bflag:$0x3] =	sbarrier.arrive $0xFFFF;
	s2 =	simm.s32 @!p0 $0x1C01  }
0x148: {  	[timem:s3], [sflag:s2] =	dma.local @!p0 [hbm:s0], s1  }
0x149: {  	s0 =	simm.s32 @!p0 $0x1  }
0x14a: {  	_ =	swait.ge @!p0 [sflag:s0], s1  }
0x14b: {  	s1 =	ssub.s32 @!p0 $0x0, s1;
	[sflag:s0] =	ssyncset.done @!p0 $0x0  }
0x14c: {  	[sflag:s0] =	ssyncadd.s32 @!p0 s1  }
0x14d: {  	[bflag:$0x3] =	sbarrier.arrive $0xFFFF  }
0x14e: {  	_ =	shalt  }

// kernel: kernel.23.cloned.1.call-start
scs
__scs_entry_jumppad:
0x0: {  	(pc) =	sbr.rel $0x88, $3  }
0x1: {  	(tag) =	ssettag $0x0;
	lr =	simm.s32 $0x1  }
0x2: {  	[smem:$0x3F95] =	sst lr;
	_ =	strace $0xD0000000  }
0x3: {  	_ = 	snop  }
0x4: {  	_ = 	snop  }
0x5: {  	_ = 	snop  }
0x6: {  	_ = 	snop  }
0x7: {  	_ = 	snop  }
__scs_overlays_trampoline_lowered:
0x8: {  	[smem:$0x3FA4] =	sst s0  }
0x9: {  	[smem:$0x3FA5] =	sst s1  }
0xa: {  	[smem:$0x3FA6] =	sst s2  }
0xb: {  	[smem:$0x3FA7] =	sst s3  }
0xc: {  	[smem:$0x3FA8] =	sst s4  }
0xd: {  	[smem:$0x3FA9] =	sst s5  }
0xe: {  	[smem:$0x3FAA] =	sst s6  }
0xf: {  	[smem:$0x3FAB] =	sst s7  }
0x10: {  	[smem:$0x3FAC] =	sst s8  }
0x11: {  	[smem:$0x3FAD] =	sst s9;
	s0 =	simm.s32 @!p0 $0x0  }
0x12: {  	s1 =	sld [smem:$0x3F93];
	s0 =	simm.s32 @p0 $0x1  }
0x13: {  	[smem:$0x3FAE] =	sst s0;
	s0 =	simm.s32 @!p1 $0x0  }
0x14: {  	s2 =	sld [smem:$0x3F92];
	s0 =	simm.s32 @p1 $0x1  }
0x15: {  	[smem:$0x3FAF] =	sst s0;
	s0 =	simm.s32 @!p2 $0x0  }
0x16: {  	s3 =	sld [smem:$0x3FDB];
	s0 =	simm.s32 @p2 $0x1  }
0x17: {  	s4 =	simm.s32 $0x1BF5;
	[smem:$0x3FB1] =	sst s0  }
0x18: {  	s0 =	sld [smem:$0x3F94];
	_ =	swait.ge [sflag:s4], $0x0  }
0x19: {  	s7 =	sld [smem:$0x3F95]  }
0x1a: {  	s8 =	sadd.s32 $0xFFFFE003, lr  }
0x1b: {  	s9 =	sadd.s32 $0xFFFFFEF7, lr;
	s5 =	simm.s32 $0xFFFFFFFF;
	p2 =	slt.u32 s8, $0xFFFFF086  }
0x1c: {  	p1 =	slt.u32 s9, $0xF7A;
	s5 =	simm.s32 @!p2 $0x0  }
0x1d: {  	s5 =	simm.s32 @p1 $0x1;
	p0 =	seq.s32 s7, s2  }
0x1e: {  	s7 =	smul.u32 @!p0 $0xF7A, s2;
	p2 =	seq.s32 @!p0 s5, $0x0  }
0x1f: {  	s9 =	smul.u32 $0xF7A, s1;
	s8 =	simm.s32 @!p0 $0x1BF5;
	p2 =	por !p2, p0  }
0x20: {  	[sflag:s8] =	ssyncset.s32 @!p0 $0xFFFFF086;
	s6 =	sadd.s32 @!p0 s3, s7;
	s7 =	simm.s32 @!p0 $0x108  }
0x21: {  	s3 =	sadd.s32 s3, s9;
	s6 =	sadd.s32 @!p0 $0x88, s6;
	s7 =	simm.s32 @p2 $0x1082  }
0x22: {  	[simem:s7], [sflag:s8] =	dma.local @!p0 [hbm:s6], $0xF7A  }
0x23: {  	s9 =	sor.u32 $0xD0000000, s2;
	s6 =	simm.s32 $0x108;
	_ =	swait.ge @!p0 [sflag:s8], $0x0  }
0x24: {  	s3 =	sadd.s32 $0x88, s3;
	s6 =	simm.s32 @!p1 $0x1082;
	[sflag:s4] =	ssyncset.s32 $0xFFFFF086  }
0x25: {  	[simem:s6], [sflag:s4] =	dma.local [hbm:s3], $0xF7A  }
0x26: {  	[smem:$0x3F95] =	sst s1;
	(tag) =	ssettag s2;
	_ =	strace s9  }
0x27: {  	s1 =	sld [smem:$0x3FA5]  }
0x28: {  	s2 =	sld [smem:$0x3FA6]  }
0x29: {  	s4 =	sld [smem:$0x3FA8]  }
0x2a: {  	p0 =	seq.s32 s5, $0x0;
	s5 =	sld [smem:$0x3FA9]  }
0x2b: {  	s6 =	sld [smem:$0x3FAA]  }
0x2c: {  	s7 =	sld [smem:$0x3FAB]  }
0x2d: {  	s3 =	simm.s32 $0x108;
	s8 =	sld [smem:$0x3FAC]  }
0x2e: {  	s3 =	simm.s32 @!p0 $0x1082;
	s9 =	sld [smem:$0x3FAD]  }
0x2f: {  	lr =	sadd.s32 s0, s3;
	s0 =	sld [smem:$0x3FA4]  }
0x30: {  	s3 =	sld [smem:$0x3FA7]  }
0x31: {  	[smem:$0x3FB0] =	sst s10  }
0x32: {  	s10 =	sld [smem:$0x3FAE];
	_ =	sdelay $0x3  }
0x33: {  	p0 =	seq.s32 s10, $0x1;
	s10 =	sld [smem:$0x3FB0];
	_ =	sdelay $0x3  }
0x34: {  	[smem:$0x3FB0] =	sst s10  }
0x35: {  	s10 =	sld [smem:$0x3FAF];
	_ =	sdelay $0x3  }
0x36: {  	p1 =	seq.s32 s10, $0x1;
	s10 =	sld [smem:$0x3FB0];
	_ =	sdelay $0x3  }
0x37: {  	[smem:$0x3FB0] =	sst s10  }
0x38: {  	s10 =	sld [smem:$0x3FB1]  }
0x39: {  	_ = 	snop;
	(pc) =	sbr.ind lr, $3  }
0x3a: {  	_ = 	snop  }
0x3b: {  	_ = 	snop  }
0x3c: {  	p2 =	seq.s32 s10, $0x1;
	s10 =	sld [smem:$0x3FB0]  }
0x3d: {  	_ =	shalt  }
0x3e: {  	_ =	shalt  }
0x3f: {  	_ =	shalt  }
0x40: {  	_ =	shalt  }
0x41: {  	_ =	shalt  }
0x42: {  	_ =	shalt  }
0x43: {  	_ =	shalt  }
0x44: {  	_ =	shalt  }
0x45: {  	_ =	shalt  }
0x46: {  	_ =	shalt  }
0x47: {  	_ =	shalt  }
0x48: {  	_ =	shalt  }
0x49: {  	_ =	shalt  }
0x4a: {  	_ =	shalt  }
0x4b: {  	_ =	shalt  }
0x4c: {  	_ =	shalt  }
0x4d: {  	_ =	shalt  }
0x4e: {  	_ =	shalt  }
0x4f: {  	_ =	shalt  }
0x50: {  	_ =	shalt  }
0x51: {  	_ =	shalt  }
0x52: {  	_ =	shalt  }
0x53: {  	_ =	shalt  }
0x54: {  	_ =	shalt  }
0x55: {  	_ =	shalt  }
0x56: {  	_ =	shalt  }
0x57: {  	_ =	shalt  }
0x58: {  	_ =	shalt  }
0x59: {  	_ =	shalt  }
0x5a: {  	_ =	shalt  }
0x5b: {  	_ =	shalt  }
0x5c: {  	_ =	shalt  }
0x5d: {  	_ =	shalt  }
0x5e: {  	_ =	shalt  }
0x5f: {  	_ =	shalt  }
0x60: {  	_ =	shalt  }
0x61: {  	_ =	shalt  }
0x62: {  	_ =	shalt  }
0x63: {  	_ =	shalt  }
0x64: {  	_ =	shalt  }
0x65: {  	_ =	shalt  }
0x66: {  	_ =	shalt  }
0x67: {  	_ =	shalt  }
0x68: {  	_ =	shalt  }
0x69: {  	_ =	shalt  }
0x6a: {  	_ =	shalt  }
0x6b: {  	_ =	shalt  }
0x6c: {  	_ =	shalt  }
0x6d: {  	_ =	shalt  }
0x6e: {  	_ =	shalt  }
0x6f: {  	_ =	shalt  }
0x70: {  	_ =	shalt  }
0x71: {  	_ =	shalt  }
0x72: {  	_ =	shalt  }
0x73: {  	_ =	shalt  }
0x74: {  	_ =	shalt  }
0x75: {  	_ =	shalt  }
0x76: {  	_ =	shalt  }
0x77: {  	_ =	shalt  }
0x78: {  	_ =	shalt  }
0x79: {  	_ =	shalt  }
0x7a: {  	_ =	shalt  }
0x7b: {  	_ =	shalt  }
0x7c: {  	_ =	shalt  }
0x7d: {  	_ =	shalt  }
0x7e: {  	_ =	shalt  }
0x7f: {  	_ =	shalt  }
0x80: {  	_ =	shalt  }
0x81: {  	_ =	shalt  }
0x82: {  	_ =	shalt  }
0x83: {  	_ =	shalt  }
0x84: {  	_ =	shalt  }
0x85: {  	_ =	shalt  }
0x86: {  	_ =	shalt  }
0x87: {  	_ =	shalt  }
.Lfunc_end0:
.L_simem_size_0:
called_computation.5_lowered:
.L_overlay_start_0:
0x88: {  	s2 =	sld [smem:$0x3FD9]  }
0x89: {  	s3 =	sld [smem:$0x3FFE];
	_ =	sdelay $0x1  }
0x8a: {  	s1 =	srdreg.scid  }
0x8b: {  	s0 =	sand.u32 $0x1, s1  }
0x8c: {  	s17 =	sshll.u32 s0, $0xA;
	s2 =	sadd.s32 s3, s2  }
0x8d: {  	s2 =	sadd.s32 s2, s17  }
0x8e: {  	[smem:$0x3FBC] =	sst s2  }
0x8f: {  	_ = 	snop  }
0x90: {  	s2 =	sld [smem:$0x3FC6]  }
0x91: {  	s18 =	sld [smem:$0x3FD0];
	(tm) =	ssettm $0x1  }
0x92: {  	s4 =	sld [smem:$0x3FFB];
	_ =	sdelay $0x3  }
0x93: {  	_ =	strace s4  }
0x94: {  	s4 =	sld [smem:$0x3FFC];
	_ =	sdelay $0x3  }
0x95: {  	_ =	strace s4  }
0x96: {  	s4 =	sld [smem:$0x3FFD];
	_ =	sdelay $0x3  }
0x97: {  	_ =	strace s4  }
0x98: {  	_ =	strace $0x8FFFFFFF  }
0x99: {  	s19 =	sld [smem:$0x3FDB];
	_ =	sdelay $0x1  }
0x9a: {  	s5 =	simm.s32 $_scs_section_size  }
0x9b: {  	s6 =	simm.s32 $_size__tile_overlayer_lowered;
	s7 =	simm.s32 $_tile_overlayer_lowered  }
0x9c: {  	s22 =	simm.s32 $0x1BFF;
	s21 =	sshll.u32 s7, $0x1;
	s4 =	sadd.s32 s5, s19  }
0x9d: {  	s8 =	simm.s32 $0x0;
	s20 =	sshll.u32 s6, $0x1;
	s6 =	sadd.s32 s21, s4  }
0x9e: {  	[timem:s8], [sflag:s22] =	dma.local [hbm:s6], s20  }
0x9f: {  	_ =	swait.ge [sflag:s22], s20  }
0xa0: {  	s5 =	ssub.s32 $0x0, s20;
	[sflag:s22] =	ssyncset.done $0x0  }
0xa1: {  	[sflag:s22] =	ssyncadd.s32 s5;
	_ =	sdelay $0x1  }
0xa2: {  	s23 =	simm.s32 $0x1B8B  }
0xa3: {  	_ =	swait.ge [sflag:s23], $0x1  }
0xa4: {  	[sflag:s23] =	ssyncset.done $0x0  }
0xa5: {  	s25 =	simm.s32 $0x1B8E;
	s24 =	sld [smem:$0x3FFE];
	[sflag:s23] =	ssyncadd.s32 $0xFFFFFFFF  }
0xa6: {  	s26 =	simm.s32 $execute0_lowered;
	[smem:$0x3FD2] =	sst s25  }
0xa7: {  	s6 =	sshll.u32 s26, $0x1;
	_ =	strace $0x80000055;
	[dreg:$0x1] =	wrdreg $0xFFFFFFFF  }
0xa8: {  	s28 =	simm.s32 $_size_execute0_lowered;
	s4 =	sadd.s32 s4, s6;
	[dreg:$0x0] =	wrdreg $0x0  }
0xa9: {  	s6 =	sshll.u32 s28, $0x1;
	[dreg:$0x2] =	wrdreg s4  }
0xaa: {  	[dreg:$0x3] =	wrdreg s6  }
0xab: {  	[dreg:$0x4] =	wrdreg $0xC0  }
0xac: {  	_ =	task [dreg:s8], $0x5FFFF  }
0xad: {  	[dreg:$0x1] =	wrdreg $0xFFFFFFFF  }
0xae: {  	[dreg:$0x0] =	wrdreg $0x60  }
0xaf: {  	[dreg:$0x2] =	wrdreg s24  }
0xb0: {  	[dreg:$0x3] =	wrdreg s2  }
0xb1: {  	[dreg:$0x4] =	wrdreg s18  }
0xb2: {  	[dreg:$0x5] =	wrdreg $0x9  }
0xb3: {  	_ =	task.clear_ibuf [dreg:s8], $0x6FFFF;
	_ =	strace $0x90000055  }
0xb4: {  	s29 =	simm.s32 $0x9;
	_ =	strace $0x80000057  }
0xb5: {  	_ =	swait.ge [sflag:s29], $0x1  }
0xb6: {  	[sflag:s29] =	ssyncadd.s32 $0xFFFFFFFF  }
0xb7: {  	_ =	strace $0x90000057  }
0xb8: {  	_ =	sfence  }
0xb9: {  	s30 =	sld [smem:$0x0];
	_ =	sdelay $0x2  }
0xba: {  	s31 =	sshll.u32 s1, $0xD;
	s1 =	sshrl.u32 s1, $0x2  }
0xbb: {  	s3 =	sand.u32 $0x4000, s31;
	s1 =	sadd.s32 s1, s30  }
0xbc: {  	s0 =	sor.u32 s3, s0;
	s1 =	sshll.u32 s1, $0x11  }
0xbd: {  	s0 =	sor.u32 s1, s0  }
0xbe: {  	s0 =	sadd.s32 $0x8F2B, s0  }
0xbf: {  	[sflag:s0] =	ssyncadd.remote.s32 $0x1  }
0xc0: {  	_ =	sfence.sel $0xFFFF  }
0xc1: {  	[dreg:$0x0] =	wrdreg $0xFFFFFFFF;
	(pc) =	sbr.abs _section_cstart, $3  }
0xc2: {  	[dreg:$0x1] =	wrdreg $0xFFFFFFFF  }
0xc3: {  	_ =	task.clear_ibuf [dreg:s8], $0x2FFFF;
	_ =	strace $0x9FFFFFFF  }
0xc4: {  	(tm) =	ssettm $0x7FFFFFFF  }
0xc5: {  	_ =	shalt  }
tec
execute0_lowered:
.L_overlay_start_1:
0x0: {  	(tag) =	ssettag $0x1  }
0x1: {  	s7 =	rddreg [dreg:$0x0];
	s1 =	srdreg.scid  }
0x2: {  	s3 =	rddreg [dreg:$0x1];
	s0 =	stileid.u32;
	s10 =	sand.u32 $0x1, s1  }
0x3: {  	s11 =	rddreg [dreg:$0x2];
	s5 =	sshll.u32 s0, $0x4;
	s4 =	sshll.u32 s10, $0x8  }
0x4: {  	s2 =	simm.s32 $0x0;
	s1 =	rddreg [dreg:$0x3];
	s12 =	sor.u32 s5, s4  }
0x5: {  	[smem:$0x7FF] =	sst s2;
	s4 =	sshrl.u32 s12, $0x3  }
0x6: {  	_ =	strace $0x80000056;
	s4 =	sadd.s32 s3, s4;
	s3 =	simm.s32 $0x1  }
0x7: {  	[tilespmem:s2], [sflag:$0x1] =	stream.linear.gather [hbm4b:s4+s2], $0x10, $0x38;
	[tilespmem:$0x2100] =	vst v63  }
0x8: {  	_ =	swait.ge [sflag:s3], $0x10  }
0x9: {  	[sflag:s3] =	ssyncset.done $0x0  }
0xa: {  	[sflag:s3] =	ssyncadd.s32 $0xFFFFFFF0  }
0xb: {  	v0 =	vld [tilespmem:$0x0];
	_ =	sdelay $0x4  }
0xc: {  	v3 =	vadd.s32 $0x2328, v0  }
0xd: {  	v1 =	vshll.u32 v3, $0x2  }
0xe: {  	v2 =	vlaneseq.u32;
	v4 =	vand.u32 $0x7, v0;
	v1 =	vand.u32 $0xFFFFFFE0, v1  }
0xf: {  	v5 =	vshrl.u32 v2, $0x3;
	v0 =	vand.u32 $0x7, v2;
	v4 =	vor.u32 v4, v1  }
0x10: {  	v1 =	vmul.u32 $0x8, v5;
	v63 =	vperm.xlane v4, v0;
	_ =	sdelay $0x1  }
0x11: {  	v5 =	vadd.s32 v1, v63  }
0x12: {  	v2 =	vor.u32 $0x8, v2  }
0x13: {  	v4 =	vperm.xlane v4, v2;
	_ =	sdelay $0x1  }
0x14: {  	vm0 =	vmmov $0xffff;
	s6 =	simm.s32 $0x100;
	s13 =	ssub.s32 $0x2, s10;
	s5 =	sadd.s32 $0x100A00, s7;
	[tilespmem:$0x80] =	vst v3;
	v3 =	vadd.s32 v1, v4  }
0x15: {  	[tilespmem:s6], [sflag:$0x1] =	stream.indirect_vreg.gather [hbm4b:s5+s2], $0x80, v5, vm0, $0xb8;
	[tilespmem:$0x2100] =	vst v63  }
0x16: {  	s8 =	simm.s32 $0x900;
	s7 =	sadd.s32 $0x100B00, s7;
	s14 =	sshrl.u32 s13, $0x1  }
0x17: {  	[tilespmem:s8], [sflag:$0x1] =	stream.indirect_vreg.gather [hbm4b:s7+s2], $0x80, v5, vm0, $0xb8;
	[tilespmem:$0x2100] =	vst v63  }
0x18: {  	s9 =	simm.s32 $0x1100;
	s13 =	ssub.s32 s13, s14  }
0x19: {  	[tilespmem:s9], [sflag:$0x1] =	stream.indirect_vreg.gather [hbm4b:s5+s2], $0x80, v3, vm0, $0xb8;
	[tilespmem:$0x2100] =	vst v63  }
0x1a: {  	s10 =	simm.s32 $0x1900;
	s31 =	smax.u32 s13, $0x1  }
0x1b: {  	[tilespmem:s10], [sflag:$0x1] =	stream.indirect_vreg.gather [hbm4b:s7+s2], $0x80, v3, vm0, $0xb8;
	[tilespmem:$0x2100] =	vst v63  }
0x1c: {  	p0 =	sne.s32 s31, $0x1;
	_ =	swait.ge [sflag:s3], $0x2000  }
.Ltmp0:
0x1d: {  	s12 =	sshll.u32 s12, $0x6;
	[sflag:s3] =	ssyncset.done $0x0;
	(pc) =	sbr.rel @!p0 .LBB2_2-.Ltmp0, $4  }
0x1e: {  	s11 =	sadd.s32 s11, s12;
	[sflag:s3] =	ssyncadd.s32 $0xFFFFE000  }
0x1f: {  	[hbm4b:s11+s2] =	stream.linear.scatter [tilespmem:s6], [sflag:$0x1], $0x2000, $0x38;
	[tilespmem:$0x2100] =	vst v63  }
0x20: {  	_ =	swait.ge [sflag:s3], $0x2000  }
0x21: {  	s12 =	sadd.s32 $0xFFFFFFFF, s31;
	[sflag:s3] =	ssyncset.done $0x0  }
.LBB2_1:
0x22: {  	p0 =	sne.s32 s12, $0x1;
	s12 =	sadd.s32 $0xFFFFFFFF, s12;
	[sflag:s3] =	ssyncadd.s32 $0xFFFFE000  }
0x23: {  	[tilespmem:s2], [sflag:$0x1] =	stream.linear.gather [hbm4b:s4+s2], $0x10, $0x38;
	[tilespmem:$0x2100] =	vst v63  }
0x24: {  	_ =	swait.ge [sflag:s3], $0x10  }
0x25: {  	[sflag:s3] =	ssyncset.done $0x0  }
0x26: {  	[sflag:s3] =	ssyncadd.s32 $0xFFFFFFF0  }
0x27: {  	v3 =	vld [tilespmem:$0x0];
	_ =	sdelay $0x4  }
0x28: {  	v4 =	vadd.s32 $0x2328, v3  }
0x29: {  	v5 =	vshll.u32 v4, $0x2  }
0x2a: {  	v3 =	vand.u32 $0x7, v3;
	v5 =	vand.u32 $0xFFFFFFE0, v5  }
0x2b: {  	v3 =	vor.u32 v3, v5  }
0x2c: {  	v5 =	vperm.xlane v3, v0;
	v3 =	vperm.xlane v3, v2;
	_ =	sdelay $0x1  }
0x2d: {  	v5 =	vadd.s32 v1, v5;
	_ =	sdelay $0x3  }
0x2e: {  	v3 =	vadd.s32 v1, v3;
	[tilespmem:$0x80] =	vst v4  }
0x2f: {  	[tilespmem:s6], [sflag:$0x1] =	stream.indirect_vreg.gather [hbm4b:s5+s2], $0x80, v5, vm0, $0xb8;
	[tilespmem:$0x2100] =	vst v63  }
0x30: {  	_ = 	snop  }
0x31: {  	[tilespmem:s8], [sflag:$0x1] =	stream.indirect_vreg.gather [hbm4b:s7+s2], $0x80, v5, vm0, $0xb8;
	[tilespmem:$0x2100] =	vst v63  }
0x32: {  	_ = 	snop  }
0x33: {  	[tilespmem:s9], [sflag:$0x1] =	stream.indirect_vreg.gather [hbm4b:s5+s2], $0x80, v3, vm0, $0xb8;
	[tilespmem:$0x2100] =	vst v63  }
0x34: {  	_ = 	snop  }
0x35: {  	[tilespmem:s10], [sflag:$0x1] =	stream.indirect_vreg.gather [hbm4b:s7+s2], $0x80, v3, vm0, $0xb8;
	[tilespmem:$0x2100] =	vst v63  }
0x36: {  	_ =	swait.ge [sflag:s3], $0x2000  }
.Ltmp1:
0x37: {  	[sflag:s3] =	ssyncset.done $0x0;
	(pc) =	sbr.rel @p0 .LBB2_1-.Ltmp1, $4  }
0x38: {  	[sflag:s3] =	ssyncadd.s32 $0xFFFFE000  }
0x39: {  	[hbm4b:s11+s2] =	stream.linear.scatter [tilespmem:s6], [sflag:$0x1], $0x2000, $0x38;
	[tilespmem:$0x2100] =	vst v63  }
0x3a: {  	_ =	swait.ge [sflag:s3], $0x2000  }
0x3b: {  	[sflag:s3] =	ssyncset.done $0x0  }
.LBB2_2:
0x3c: {  	[sflag:s3] =	ssyncadd.s32 $0xFFFFE000  }
0x3d: {  	_ =	sfence.sel $0x180000  }
0x3e: {  	[bflag:$0x0] =	sbarrier.arrive $0xFFFF  }
0x3f: {  	p0 =	sne.s32 s0, $0x0;
	_ =	strace $0x90000056  }
0x40: {  	s0 =	sadd.s32 @!p0 $0x100000, s1;
	[bflag:$0x2] =	sbarrier.arrive $0xFFFF  }
0x41: {  	[sflag:s0] =	ssyncadd.tile.s32 @!p0 $0x1;
	_ =	shalt  }
.Lfunc_end2:
_tile_overlayer_lowered:
.L_overlay_start_2:
0x42: {  	(tag) =	ssettag $0x2  }
0x43: {  	s0 =	rddreg [dreg:$0x0];
	s2 =	stileid.u32  }
0x44: {  	s1 =	rddreg [dreg:$0x1];
	p0 =	sne.s32 s2, $0x0  }
0x45: {  	s3 =	rddreg [dreg:$0x2];
	[bflag:$0x3] =	sbarrier.arrive $0xFFFF;
	s2 =	simm.s32 @!p0 $0x1C01  }
0x46: {  	[timem:s3], [sflag:s2] =	dma.local @!p0 [hbm:s0], s1  }
0x47: {  	s0 =	simm.s32 @!p0 $0x1  }
0x48: {  	_ =	swait.ge @!p0 [sflag:s0], s1  }
0x49: {  	s1 =	ssub.s32 @!p0 $0x0, s1;
	[sflag:s0] =	ssyncset.done @!p0 $0x0  }
0x4a: {  	[sflag:s0] =	ssyncadd.s32 @!p0 s1  }
0x4b: {  	[bflag:$0x3] =	sbarrier.arrive $0xFFFF  }
0x4c: {  	_ =	shalt  }

// kernel: sparse-core-data-format-call.cloned.1.call-start
scs
called_computation_lowered:
.L_overlay_start_0:
0x0: {  	s2 =	sld [smem:$0x3FD9]  }
0x1: {  	s3 =	sld [smem:$0x3FFE];
	_ =	sdelay $0x1  }
0x2: {  	s1 =	srdreg.scid  }
0x3: {  	s0 =	sand.u32 $0x1, s1  }
0x4: {  	s18 =	sshll.u32 s0, $0xA;
	s2 =	sadd.s32 s3, s2  }
0x5: {  	s2 =	sadd.s32 s2, s18  }
0x6: {  	[smem:$0x3FBC] =	sst s2  }
0x7: {  	_ = 	snop  }
0x8: {  	(tm) =	ssettm $0x1  }
0x9: {  	s19 =	sld [smem:$0x3FFB];
	_ =	sdelay $0x3  }
0xa: {  	_ =	strace s19  }
0xb: {  	s2 =	sld [smem:$0x3FFC];
	_ =	sdelay $0x3  }
0xc: {  	_ =	strace s2  }
0xd: {  	s2 =	sld [smem:$0x3FFD];
	_ =	sdelay $0x3  }
0xe: {  	_ =	strace s2  }
0xf: {  	_ =	strace $0x8FFFFFFF  }
0x10: {  	s20 =	sld [smem:$0x3FDB];
	_ =	sdelay $0x1  }
0x11: {  	s21 =	simm.s32 $_scs_section_size  }
0x12: {  	s4 =	simm.s32 $_size__tile_overlayer_lowered;
	s5 =	simm.s32 $_tile_overlayer_lowered  }
0x13: {  	s6 =	simm.s32 $0x1BFF;
	s22 =	sshll.u32 s5, $0x1;
	s3 =	sadd.s32 s21, s20  }
0x14: {  	s23 =	simm.s32 $0x0;
	s4 =	sshll.u32 s4, $0x1;
	s5 =	sadd.s32 s22, s3  }
0x15: {  	[timem:s23], [sflag:s6] =	dma.local [hbm:s5], s4  }
0x16: {  	_ =	swait.ge [sflag:s6], s4  }
0x17: {  	s4 =	ssub.s32 $0x0, s4;
	[sflag:s6] =	ssyncset.done $0x0  }
0x18: {  	[sflag:s6] =	ssyncadd.s32 s4;
	_ =	sdelay $0x1  }
0x19: {  	s24 =	simm.s32 $0x1B8B  }
0x1a: {  	_ =	swait.ge [sflag:s24], $0x1  }
0x1b: {  	[sflag:s24] =	ssyncset.done $0x0  }
0x1c: {  	[sflag:s24] =	ssyncadd.s32 $0xFFFFFFFF  }
0x1d: {  	s4 =	sld [smem:$0x0]  }
0x1e: {  	s5 =	sand.u32 $0xFFFFFFFE, s1  }
0x1f: {  	p0 =	sne.s32 s1, s5  }
0x20: {  	s5 =	sshll.u32 @p0 s5, $0xE  }
0x21: {  	s5 =	sadd.s32 @p0 $0x11B8D, s5;
	s6 =	sshll.u32 @p0 s4, $0x11  }
0x22: {  	s5 =	sor.u32 @p0 s6, s5  }
0x23: {  	[sflag:s5] =	ssyncadd.remote.s32 @p0 $0x1;
	_ =	sdelay $0x1  }
0x24: {  	s5 =	simm.s32 @p0 $0x1B8D  }
0x25: {  	_ =	swait.eq @p0 [sflag:s5], $0x1  }
0x26: {  	[sflag:s5] =	ssyncadd.s32 @p0 $0xFFFFFFFF  }
0x27: {  	s6 =	sshll.u32 @!p0 s1, $0xE  }
0x28: {  	s6 =	sor.u32 @!p0 $0x4000, s6;
	s5 =	simm.s32 @!p0 $0x1B8D  }
0x29: {  	s4 =	sshll.u32 @!p0 s4, $0x11;
	s6 =	sadd.s32 @!p0 $0x11B8D, s6;
	_ =	swait.eq @!p0 [sflag:s5], $0x1  }
0x2a: {  	s4 =	sor.u32 @!p0 s4, s6;
	[sflag:s5] =	ssyncadd.s32 @!p0 $0xFFFFFFFF  }
0x2b: {  	s26 =	simm.s32 $0x1B8E;
	s25 =	sld [smem:$0x3FFE];
	[sflag:s4] =	ssyncadd.remote.s32 @!p0 $0x1  }
0x2c: {  	s27 =	simm.s32 $execute0_lowered;
	[smem:$0x3FD2] =	sst s26  }
0x2d: {  	s5 =	sshll.u32 s27, $0x1;
	_ =	strace $0x8000004F;
	[dreg:$0x1] =	wrdreg $0xFFFFFFFF  }
0x2e: {  	s28 =	simm.s32 $_size_execute0_lowered;
	s3 =	sadd.s32 s3, s5;
	[dreg:$0x0] =	wrdreg $0x0  }
0x2f: {  	s5 =	sshll.u32 s28, $0x1;
	[dreg:$0x2] =	wrdreg s3  }
0x30: {  	[dreg:$0x3] =	wrdreg s5  }
0x31: {  	[dreg:$0x4] =	wrdreg $0xC0  }
0x32: {  	_ =	task [dreg:s23], $0x5FFFF  }
0x33: {  	[dreg:$0x1] =	wrdreg $0xFFFFFFFF  }
0x34: {  	[dreg:$0x0] =	wrdreg $0x60  }
0x35: {  	[dreg:$0x2] =	wrdreg s25  }
0x36: {  	[dreg:$0x3] =	wrdreg $0x9  }
0x37: {  	_ =	task.clear_ibuf [dreg:s23], $0x4FFFF;
	_ =	strace $0x9000004F  }
0x38: {  	s29 =	simm.s32 $0x9;
	_ =	strace $0x80000051  }
0x39: {  	_ =	swait.ge [sflag:s29], $0x1  }
0x3a: {  	[sflag:s29] =	ssyncadd.s32 $0xFFFFFFFF  }
0x3b: {  	_ =	strace $0x90000051  }
0x3c: {  	_ =	sfence  }
0x3d: {  	s30 =	sld [smem:$0x0];
	_ =	sdelay $0x2  }
0x3e: {  	s31 =	sshll.u32 s1, $0xD;
	s1 =	sshrl.u32 s1, $0x2  }
0x3f: {  	s4 =	sand.u32 $0x4000, s31;
	s1 =	sadd.s32 s1, s30  }
0x40: {  	s0 =	sor.u32 s4, s0;
	s1 =	sshll.u32 s1, $0x11  }
0x41: {  	s0 =	sor.u32 s1, s0  }
0x42: {  	s0 =	sadd.s32 $0x8F2B, s0  }
0x43: {  	[sflag:s0] =	ssyncadd.remote.s32 $0x1  }
0x44: {  	_ =	sfence.sel $0xFFFF  }
0x45: {  	[dreg:$0x0] =	wrdreg $0xFFFFFFFF;
	(pc) =	sbr.abs _section_cstart, $3  }
0x46: {  	[dreg:$0x1] =	wrdreg $0xFFFFFFFF  }
0x47: {  	_ =	task.clear_ibuf [dreg:s23], $0x2FFFF;
	_ =	strace $0x9FFFFFFF  }
0x48: {  	(tm) =	ssettm $0x7FFFFFFF  }
0x49: {  	_ =	shalt  }
tec
execute0_lowered:
.L_overlay_start_1:
0x0: {  	(tag) =	ssettag $0x1  }
0x1: {  	s1 =	rddreg [dreg:$0x0]  }
0x2: {  	s0 =	rddreg [dreg:$0x1];
	_ =	strace $0x80000050;
	s4 =	srdreg.scid  }
0x3: {  	s7 =	simm.s32 $0x2;
	s13 =	simm.s32 $0x0;
	p0 =	por $0x0, $0x0  }
0x4: {  	s14 =	simm.s32 $0x0;
	s16 =	simm.s32 $0x0;
	s15 =	simm.s32 $0x0  }
0x5: {  	s9 =	simm.s32 $0x0;
	s10 =	simm.s32 $0x0;
	s2 =	sadd.s32 $0x31C600, s1  }
.Ltmp0:
0x6: {  	s3 =	sadd.s32 $0x41C600, s1;
	s4 =	sshll.u32 s4, $0x4;
	(pc) =	sbr.rel .LBB1_1-.Ltmp0, $4  }
0x7: {  	s1 =	stileid.u32;
	s5 =	sand.u32 $0x10, s4;
	s4 =	simm.s32 $0x1  }
0x8: {  	s8 =	simm.s32 $0x0;
	s6 =	sor.u32 s1, s5;
	[sflag:s4] =	ssyncpa.u1 $0x0  }
0x9: {  	s5 =	sand.u32 $0x3, s1;
	s6 =	sshrl.u32 s6, $0x2;
	[sflag:s7] =	ssyncpa.u1 $0x0  }
0xa: {  	s7 =	simm.s32 $0x1000;
	s12 =	smov.u32 s5;
	s11 =	smov.u32 s6  }
.LBB1_5:
0xb: {  	s17 =	sadd.s32 $0x80, s9  }
0xc: {  	s13 =	sadd.s32 $0x80, s10;
	s18 =	smov.u32 s10;
	p2 =	sgt.s32 s17, $0x1FF  }
0xd: {  	s18 =	smov.u32 @p2 s13  }
0xe: {  	s19 =	smov.u32 s11;
	s13 =	sadd.s32 $0x8, s11;
	p3 =	sgt.s32 s18, $0x1FF  }
0xf: {  	s19 =	smov.u32 @p3 s13  }
0x10: {  	s20 =	smov.u32 s12;
	s13 =	sadd.s32 $0x4, s12;
	p4 =	sgt.s32 s19, $0x7  }
0x11: {  	p1 =	slt.u32 s8, $0x2;
	s20 =	smov.u32 @p4 s13  }
0x12: {  	s8 =	sadd.s32 $0x1, s8;
	s17 =	simm.s32 @p2 $0x0;
	p2 =	sgt.s32 s20, $0x3  }
0x13: {  	s21 =	simm.s32 @!p1 $0x2;
	s20 =	smov.u32 @p2 s5;
	p2 =	sne.s32 s8, $0x12  }
.Ltmp1:
0x14: {  	s14 =	smov.u32 s10;
	_ =	swait.ge @!p1 [sflag:s21], $0x4000;
	(pc) =	sbr.rel @!p2 .LBB1_6-.Ltmp1, $4  }
0x15: {  	s16 =	smov.u32 s11;
	s15 =	smov.u32 s12;
	[sflag:s21] =	ssyncset.done @!p1 $0x0  }
0x16: {  	p0 =	por !p0, !p0;
	s18 =	simm.s32 @p3 $0x0;
	[sflag:s21] =	ssyncadd.s32 @!p1 $0xFFFFC000  }
0x17: {  	s10 =	smov.u32 s18;
	s19 =	smov.u32 @p4 s6;
	s13 =	smov.u32 s9  }
0x18: {  	s9 =	smov.u32 s17;
	s11 =	smov.u32 s19;
	s12 =	smov.u32 s20  }
.LBB1_1:
0x19: {  	p1 =	sgt.u32 s8, $0xF  }
0x1a: {  	s17 =	sxor.u32 @!p1 $0xFFFFFFFF, s8;
	s18 =	sand.u32 @!p1 $0x78, s9;
	s19 =	sshll.u32 @!p1 s10, $0x9  }
0x1b: {  	s20 =	sshll.u32 @!p1 s9, $0x3;
	s21 =	sshll.u32 @!p1 s10, $0x7;
	s17 =	sshll.u32 @!p1 s17, $0xE  }
0x1c: {  	s19 =	sand.u32 @!p1 $0x3F000, s19;
	s20 =	sand.u32 @!p1 $0x3FC00, s20;
	s17 =	sand.u32 @!p1 $0x4000, s17  }
0x1d: {  	s19 =	sadd.s32 @!p1 s19, s20;
	s20 =	sand.u32 @!p1 $0x200, s21;
	s21 =	sand.u32 @!p1 $0x180, s21  }
0x1e: {  	s19 =	sor.u32 @!p1 s20, s19;
	s18 =	sor.u32 @!p1 s18, s21;
	s20 =	sshll.u32 @!p1 s12, $0x12  }
0x1f: {  	s21 =	sshll.u32 @!p1 s11, $0xF;
	s19 =	sshrl.u32 @!p1 s19, $0x3;
	s20 =	sadd.s32 @!p1 s2, s20  }
0x20: {  	s18 =	sshrl.u32 @!p1 s18, $0x3;
	s20 =	sadd.s32 @!p1 s21, s20;
	s21 =	sand.u32 @!p1 $0x7, s9  }
0x21: {  	s19 =	sand.u32 @!p1 $0x7FC0, s19;
	s18 =	sadd.s32 @!p1 s18, s20;
	s20 =	sshll.u32 @!p1 s21, $0x12  }
0x22: {  	s18 =	sadd.s32 @!p1 s19, s18;
	s19 =	sor.u32 @!p1 $0x400, s20;
	s20 =	simm.s32 @!p1 $0x1000  }
0x23: {  	[tilespmem:s17], [sflag:$0x1] =	stream.strided.gather @!p1 [hbm4b:s18+s19], $0x4000, s20, s19, $0x38;
	[tilespmem:$0x10000] =	vst v63  }
0x24: {  	p1 =	seq.s32 s8, $0x0  }
0x25: {  	p2 =	seq.s32 @!p1 s8, $0x11  }
0x26: {  	p1 =	por p1, p2  }
.Ltmp2:
0x27: {  	_ = 	snop;
	(pc) =	sbr.rel @p1 .LBB1_5-.Ltmp2, $1  }
0x28: {  	_ =	sdelay $0x3  }
0x29: {  	s17 =	simm.s32 $0x1  }
0x2a: {  	s17 =	simm.s32 @!p0 $0x0  }
0x2b: {  	s17 =	sshll.u32 s17, $0xE  }
0x2c: {  	s18 =	sor.u32 $0x40, s17  }
0x2d: {  	v1 =	vmov s18;
	_ =	sdelay $0x1  }
0x2e: {  	_ =	swait.ge [sflag:s4], $0x4000  }
0x2f: {  	[sflag:s4] =	ssyncset.done $0x0  }
0x30: {  	s19 =	simm.s32 $0x0;
	[sflag:s4] =	ssyncadd.s32 $0xFFFFC000  }
0x31: {  	s17 =	sor.u32 $0x8070, s17;
	v7 =	vld.idx.msk [tilespmem:v1+s19+$0x30 ss:$0x1], $0xffff  }
0x32: {  	v0 =	vmov s17;
	v8 =	vld.idx.msk [tilespmem:v1+s19+$0xFFFFFFC0 ss:$0x1], $0xffff  }
0x33: {  	v6 =	vld.idx.msk [tilespmem:v1+s19+$0xFFFFFFD0 ss:$0x1], $0xffff  }
0x34: {  	v4 =	vld.idx.msk [tilespmem:v1+s19+$0xFFFFFFE0 ss:$0x1], $0xffff  }
0x35: {  	v2 =	vld.idx.msk [tilespmem:v1+s19+$0xFFFFFFF0 ss:$0x1], $0xffff  }
0x36: {  	s31 =	sshll.u32 s8, $0xE;
	v3 =	vld.idx.msk [tilespmem:v1+s19+$0x0 ss:$0x1], $0xffff  }
0x37: {  	s17 =	sand.u32 $0x4000, s31;
	v5 =	vld.idx.msk [tilespmem:v1+s19+$0x10 ss:$0x1], $0xffff;
	[tilespmem:v0+s19+$0x0 ss:$0x1] =	vst.idx.msk $0xffff, v7  }
0x38: {  	s20 =	simm.s32 $0x400;
	s18 =	simm.s32 $0x80;
	s17 =	sor.u32 $0x8000, s17;
	[tilespmem:v0+s19+$0xFFFFFF90 ss:$0x1] =	vst.idx.msk $0xffff, v8;
	v7 =	vld.idx.msk [tilespmem:v1+s19+$0x20 ss:$0x1], $0xffff  }
.LBB1_3:
0x39: {  	p1 =	sne.s32 s20, $0xFE00;
	v8 =	vld.idx.msk [tilespmem:v1+s18+$0x30 ss:$0x1], $0xffff;
	[tilespmem:v0+s19+$0xFFFFFFA0 ss:$0x1] =	vst.idx.msk $0xffff, v6  }
0x3a: {  	v9 =	vld.idx.msk [tilespmem:v1+s18+$0xFFFFFFC0 ss:$0x1], $0xffff;
	[tilespmem:v0+s19+$0xFFFFFFB0 ss:$0x1] =	vst.idx.msk $0xffff, v4  }
0x3b: {  	v6 =	vld.idx.msk [tilespmem:v1+s18+$0xFFFFFFD0 ss:$0x1], $0xffff;
	[tilespmem:v0+s19+$0xFFFFFFC0 ss:$0x1] =	vst.idx.msk $0xffff, v2  }
.Ltmp3:
0x3c: {  	v4 =	vld.idx.msk [tilespmem:v1+s18+$0xFFFFFFE0 ss:$0x1], $0xffff;
	[tilespmem:v0+s19+$0xFFFFFFD0 ss:$0x1] =	vst.idx.msk $0xffff, v3;
	(pc) =	sbr.rel @p1 .LBB1_3-.Ltmp3, $4  }
0x3d: {  	v2 =	vld.idx.msk [tilespmem:v1+s18+$0xFFFFFFF0 ss:$0x1], $0xffff;
	[tilespmem:v0+s19+$0xFFFFFFE0 ss:$0x1] =	vst.idx.msk $0xffff, v5  }
0x3e: {  	v3 =	vld.idx.msk [tilespmem:v1+s18+$0x0 ss:$0x1], $0xffff;
	[tilespmem:v0+s19+$0xFFFFFFF0 ss:$0x1] =	vst.idx.msk $0xffff, v7;
	s19 =	smov.u32 s18  }
0x3f: {  	v5 =	vld.idx.msk [tilespmem:v1+s19+$0x10 ss:$0x1], $0xffff;
	[tilespmem:v0+s19+$0x0 ss:$0x1] =	vst.idx.msk $0xffff, v8  }
0x40: {  	s18 =	sshra.s32 s20, $0x2;
	s20 =	sadd.s32 $0x200, s20;
	[tilespmem:v0+s19+$0xFFFFFF90 ss:$0x1] =	vst.idx.msk $0xffff, v9;
	v7 =	vld.idx.msk [tilespmem:v1+s19+$0x20 ss:$0x1], $0xffff  }
0x41: {  	_ =	sdelay $0x3  }
0x42: {  	[tilespmem:v0+s19+$0xFFFFFFA0 ss:$0x1] =	vst.idx.msk $0xffff, v6  }
0x43: {  	v56 =	vld.idx.msk [tilespmem:v1+s18+$0x30 ss:$0x1], $0xffff;
	[tilespmem:v0+s19+$0xFFFFFFB0 ss:$0x1] =	vst.idx.msk $0xffff, v4  }
0x44: {  	v57 =	vld.idx.msk [tilespmem:v1+s18+$0xFFFFFFC0 ss:$0x1], $0xffff;
	[tilespmem:v0+s19+$0xFFFFFFC0 ss:$0x1] =	vst.idx.msk $0xffff, v2  }
0x45: {  	v58 =	vld.idx.msk [tilespmem:v1+s18+$0xFFFFFFD0 ss:$0x1], $0xffff;
	[tilespmem:v0+s19+$0xFFFFFFD0 ss:$0x1] =	vst.idx.msk $0xffff, v3  }
0x46: {  	v59 =	vld.idx.msk [tilespmem:v1+s18+$0xFFFFFFE0 ss:$0x1], $0xffff;
	[tilespmem:v0+s19+$0xFFFFFFE0 ss:$0x1] =	vst.idx.msk $0xffff, v5  }
0x47: {  	v60 =	vld.idx.msk [tilespmem:v1+s18+$0xFFFFFFF0 ss:$0x1], $0xffff;
	[tilespmem:v0+s19+$0xFFFFFFF0 ss:$0x1] =	vst.idx.msk $0xffff, v7  }
0x48: {  	v61 =	vld.idx.msk [tilespmem:v1+s18+$0x0 ss:$0x1], $0xffff;
	[tilespmem:v0+s18+$0x0 ss:$0x1] =	vst.idx.msk $0xffff, v56  }
0x49: {  	v62 =	vld.idx.msk [tilespmem:v1+s18+$0x10 ss:$0x1], $0xffff;
	[tilespmem:v0+s18+$0xFFFFFF90 ss:$0x1] =	vst.idx.msk $0xffff, v57  }
0x4a: {  	s16 =	sshll.u32 s16, $0x7;
	v63 =	vld.idx.msk [tilespmem:v1+s18+$0x20 ss:$0x1], $0xffff;
	s29 =	sand.u32 $0x78, s13;
	s30 =	sshll.u32 s13, $0x3;
	[tilespmem:v0+s18+$0xFFFFFFA0 ss:$0x1] =	vst.idx.msk $0xffff, v58  }
0x4b: {  	s15 =	sshll.u32 s15, $0x12;
	s14 =	sshll.u32 s14, $0x9;
	s16 =	sand.u32 $0x380, s16;
	[tilespmem:v0+s18+$0xFFFFFFB0 ss:$0x1] =	vst.idx.msk $0xffff, v59  }
.Ltmp4:
0x4c: {  	s16 =	sor.u32 s29, s16;
	s19 =	sand.u32 $0xC00, s30;
	[tilespmem:v0+s18+$0xFFFFFFC0 ss:$0x1] =	vst.idx.msk $0xffff, v60;
	(pc) =	sbr.rel .LBB1_5-.Ltmp4, $4  }
0x4d: {  	s31 =	sand.u32 $0x7, s13;
	s15 =	sadd.s32 s3, s15;
	[tilespmem:v0+s18+$0xFFFFFFD0 ss:$0x1] =	vst.idx.msk $0xffff, v61;
	s16 =	sor.u32 s19, s16  }
0x4e: {  	s13 =	sshll.u32 s31, $0x12;
	s14 =	sadd.s32 s14, s15;
	[tilespmem:v0+s18+$0xFFFFFFE0 ss:$0x1] =	vst.idx.msk $0xffff, v62;
	s16 =	sshrl.u32 s16, $0x3  }
0x4f: {  	s13 =	sor.u32 $0x80, s13;
	[tilespmem:v0+s18+$0xFFFFFFF0 ss:$0x1] =	vst.idx.msk $0xffff, v63;
	s14 =	sadd.s32 s16, s14  }
0x50: {  	[hbm4b:s14+s13] =	stream.strided.scatter [tilespmem:s17], [sflag:$0x2], $0x4000, s7, s13, $0x38;
	[tilespmem:$0x10000] =	vst v63  }
.LBB1_6:
0x51: {  	_ =	sfence.sel $0x180000  }
0x52: {  	s2 =	simm.s32 $0x1;
	[bflag:$0x0] =	sbarrier.arrive $0xFFFF  }
0x53: {  	s31 =	simm.s32 $0x2;
	[sflag:s2] =	ssyncpa.u1 $0x1  }
0x54: {  	[sflag:s31] =	ssyncpa.u1 $0x1  }
0x55: {  	p0 =	sne.s32 s1, $0x0;
	_ =	strace $0x90000050  }
0x56: {  	s0 =	sadd.s32 @!p0 $0x100000, s0;
	[bflag:$0x2] =	sbarrier.arrive $0xFFFF  }
0x57: {  	[sflag:s0] =	ssyncadd.tile.s32 @!p0 $0x1;
	_ =	shalt  }
.Lfunc_end1:
_tile_overlayer_lowered:
.L_overlay_start_2:
0x58: {  	(tag) =	ssettag $0x2  }
0x59: {  	s0 =	rddreg [dreg:$0x0];
	s2 =	stileid.u32  }
0x5a: {  	s1 =	rddreg [dreg:$0x1];
	p0 =	sne.s32 s2, $0x0  }
0x5b: {  	s3 =	rddreg [dreg:$0x2];
	[bflag:$0x3] =	sbarrier.arrive $0xFFFF;
	s2 =	simm.s32 @!p0 $0x1C01  }
0x5c: {  	[timem:s3], [sflag:s2] =	dma.local @!p0 [hbm:s0], s1  }
0x5d: {  	s0 =	simm.s32 @!p0 $0x1  }
0x5e: {  	_ =	swait.ge @!p0 [sflag:s0], s1  }
0x5f: {  	s1 =	ssub.s32 @!p0 $0x0, s1;
	[sflag:s0] =	ssyncset.done @!p0 $0x0  }
0x60: {  	[sflag:s0] =	ssyncadd.s32 @!p0 s1  }
0x61: {  	[bflag:$0x3] =	sbarrier.arrive $0xFFFF  }
0x62: {  	_ =	shalt  }

</sc_bundles>
